<compile_context>
chip_gen: v7x
topology: tpu7x:2x2x1
jax: 0.10.2.dev20260603
libtpu: 0.0.44.dev20260713+nightly
codegen_flags: <defaults>
</compile_context>

<pallas_src>
import functools

import jax
import jax.numpy as jnp
from jax import lax
from jax.experimental import pallas as pl
from jax.experimental.pallas import tpu as pltpu
from jax.experimental.pallas import tpu_sc as plsc

VOCAB = 1000000
EMBED_DIM = 32
BATCH = 4096
HIST = 200

_NC = 2
_NS = 16
_NW = _NC * _NS
_BBLK = BATCH // _NW
_VROWS = VOCAB * EMBED_DIM // 128
_HCHUNK = 200


def _make_kernel():
    mesh = plsc.VectorSubcoreMesh(core_axis_name="c", subcore_axis_name="s")

    @functools.partial(
        pl.kernel,
        out_type=jax.ShapeDtypeStruct((HIST, EMBED_DIM, BATCH), jnp.float32),
        mesh=mesh,
        scratch_types=[
            pltpu.VMEM((_HCHUNK, _BBLK), jnp.int32),
            pltpu.VMEM((_HCHUNK, _BBLK), jnp.int32),
            pltpu.VMEM((4, _BBLK, 128), jnp.float32),
            pltpu.VMEM((2, EMBED_DIM, _BBLK), jnp.float32),
            pltpu.SemaphoreType.DMA,
            pltpu.SemaphoreType.DMA,
            pltpu.SemaphoreType.DMA,
            pltpu.SemaphoreType.DMA,
            pltpu.SemaphoreType.DMA,
            pltpu.SemaphoreType.DMA,
        ],
        compiler_params=pltpu.CompilerParams(use_tc_tiling_on_sc=True,
                                             needs_layout_passes=False,
                                             disable_bounds_checks=True),
    )
    def emb_kernel(table4_hbm, idxT_hbm, out_hbm, idx_v, q_v, g_v, o_v,
                   sem_g0, sem_g1, sem_g2, sem_g3, sem_w0, sem_w1):
        wid = lax.axis_index("s") * _NC + lax.axis_index("c")
        b0 = wid * _BBLK
        sem_g = (sem_g0, sem_g1, sem_g2, sem_g3)
        sem_w = (sem_w0, sem_w1)

        lane = lax.iota(jnp.int32, 16)

        def start_gather(h, buf):
            pltpu.async_copy(table4_hbm.at[q_v.at[h]], g_v.at[buf],
                             sem_g[buf])

        def wait_gather(buf):
            pltpu.make_async_copy(table4_hbm.at[q_v.at[0]], g_v.at[buf],
                                  sem_g[buf]).wait()

        def start_write(hg, buf):
            pltpu.async_copy(o_v.at[buf], out_hbm.at[hg, :, pl.ds(b0, _BBLK)],
                             sem_w[buf])

        def wait_write(buf):
            pltpu.make_async_copy(o_v.at[buf],
                                  out_hbm.at[0, :, pl.ds(b0, _BBLK)],
                                  sem_w[buf]).wait()

        def extract(h, buf, obuf):
            @pl.loop(0, _BBLK // 16)
            def _(bg):
                j = bg * 16
                r16 = idx_v[h, pl.ds(j, 16)]
                col0 = (r16 & 3) * EMBED_DIM
                row = lane + j
                for d0 in range(0, EMBED_DIM, 16):
                    vecs = [
                        plsc.load_gather(g_v.at[buf], [row, col0 + (d0 + i)])
                        for i in range(16)
                    ]
                    for i in range(16):
                        o_v[obuf, d0 + i, pl.ds(j, 16)] = vecs[i]

        for c in range(HIST // _HCHUNK):
            hc0 = c * _HCHUNK
            pltpu.sync_copy(idxT_hbm.at[pl.ds(hc0, _HCHUNK),
                                        pl.ds(b0, _BBLK)], idx_v)

            @pl.loop(0, _HCHUNK * _BBLK // 16)
            def _(i):
                h = i // (_BBLK // 16)
                j = (i % (_BBLK // 16)) * 16
                q_v[h, pl.ds(j, 16)] = lax.shift_right_logical(
                    idx_v[h, pl.ds(j, 16)], 2)

            start_gather(0, 0)
            start_gather(1, 1)
            start_gather(2, 2)

            @pl.loop(0, _HCHUNK // 4)
            def _(i):
                h = i * 4
                for k in range(4):
                    hk = h + k

                    @pl.when(hk + 3 < _HCHUNK)
                    def _():
                        start_gather(hk + 3, (k + 3) % 4)

                    wait_gather(k)

                    @pl.when((c > 0) | (hk >= 2))
                    def _():
                        wait_write(k % 2)

                    extract(hk, k, k % 2)
                    start_write(hc0 + hk, k % 2)

        wait_write(0)
        wait_write(1)

    return emb_kernel


_emb_kernel = _make_kernel()


@jax.jit
def kernel(inputs, embedding_matrix):
    table4 = embedding_matrix.reshape(_VROWS, 128)
    idx_t = inputs.T.astype(jnp.int32)
    out_t = _emb_kernel(table4, idx_t)
    return jnp.transpose(out_t, (2, 0, 1))

# --- scband reference (transcript-rebuilt; emitter-appended) ---
"""Pipeline reference for scband-embedding-81295140979383 (READ-ONLY COPY).

The authoritative reference and input builder live on the scoring server;
editing this copy changes nothing except your own understanding.
"""

import jax, jax.numpy as jnp
import numpy as np

VOCAB = 1000000
EMBED_DIM = 32
BATCH = 4096
HIST = 200

def setup_inputs(seed: int = 0) -> dict:
    key = jax.random.key(seed)
    k1, k2 = jax.random.split(key)
    inputs = jax.random.randint(k1, (BATCH, HIST), 0, VOCAB, dtype=jnp.int64 if jax.config.jax_enable_x64 else jnp.int32)
    embedding_matrix = jax.random.normal(k2, (VOCAB, EMBED_DIM), dtype=jnp.float32)
    return {"inputs": inputs, "embedding_matrix": embedding_matrix}

def reference(inputs, embedding_matrix):
    # tf.nn.embedding_lookup(embedding_matrix, inputs)
    return jnp.take(embedding_matrix, inputs, axis=0)

if __name__ == "__main__":
    import jax
    _d = setup_inputs()
    print(jax.jit(kernel)(*tuple(_d.values())))

</pallas_src>

<mosaic_0001>
#map = affine_map<(d0, d1) -> (0, 0)>
#map1 = affine_map<(d0, d1) -> (0, 0, 0)>
module attributes {stable_mosaic.version = 14 : i64} {
  func.func @emb_kernel(%arg0: i32, %arg1: i32, %arg2: memref<250000x128xf32, #tpu.memory_space<hbm>>, %arg3: memref<200x4096xi32, #tpu.memory_space<hbm>>, %arg4: memref<200x32x4096xf32, #tpu.memory_space<hbm>>, %arg5: memref<200x128xi32, #tpu.memory_space<vmem>>, %arg6: memref<200x128xi32, #tpu.memory_space<vmem>>, %arg7: memref<4x128x128xf32, #tpu.memory_space<vmem>>, %arg8: memref<2x32x128xf32, #tpu.memory_space<vmem>>, %arg9: memref<!tpu.dma_semaphore, #tpu.memory_space<semaphore_mem>>, %arg10: memref<!tpu.dma_semaphore, #tpu.memory_space<semaphore_mem>>, %arg11: memref<!tpu.dma_semaphore, #tpu.memory_space<semaphore_mem>>, %arg12: memref<!tpu.dma_semaphore, #tpu.memory_space<semaphore_mem>>, %arg13: memref<!tpu.dma_semaphore, #tpu.memory_space<semaphore_mem>>, %arg14: memref<!tpu.dma_semaphore, #tpu.memory_space<semaphore_mem>>) attributes {dimension_semantics = [#tpu.dimension_semantics<core_parallel>, #tpu.dimension_semantics<subcore_parallel>], iteration_bounds = array<i64: 2, 16>, scalar_prefetch = 0 : i64, scratch_operands = 10 : i64, tpu.core_type = #tpu.core_type<sc_vector_subcore>, window_params = [{transform_indices = #map}, {transform_indices = #map}, {transform_indices = #map1}]} {
    %mul3A = arith.constant 2 : i32
    %mul3A_0 = arith.muli %arg1, %mul3A : i32
    %add3A = arith.addi %mul3A_0, %arg0 : i32
    %mul3A_1 = arith.constant 128 : i32
    %mul3A_2 = arith.muli %add3A, %mul3A_1 : i32
    %iota3A = tpu.iota {dimensions = array<i32: 0>} : vector<16xi32>
    "tpu.region"() ({
      %run_scoped3A = tpu.sem_alloc : memref<!tpu.dma_semaphore, #tpu.memory_space<semaphore_mem>>
      %dma_start3A_78 = arith.constant 0 : i32
      %dma_start3A_79 = tpu.memref_slice %arg3[%dma_start3A_78, %mul3A_2] : memref<200x4096xi32, #tpu.memory_space<hbm>> -> memref<200x128xi32, #tpu.memory_space<hbm>>
      %dma_start3A_80 = arith.constant 0 : i32
      %dma_start3A_81 = tpu.memref_slice %arg3[%dma_start3A_80, %mul3A_2] : memref<200x4096xi32, #tpu.memory_space<hbm>> -> memref<200x128xi32, #tpu.memory_space<hbm>>
      tpu.enqueue_dma source(%dma_start3A_81 : memref<200x128xi32, #tpu.memory_space<hbm>>) target(%arg5 : memref<200x128xi32, #tpu.memory_space<vmem>>) target_semaphore(%run_scoped3A : memref<!tpu.dma_semaphore, #tpu.memory_space<semaphore_mem>>)
      %dma_wait3A_82 = arith.constant 0 : i32
      %dma_wait3A_83 = tpu.memref_slice %arg3[%dma_wait3A_82, %mul3A_2] : memref<200x4096xi32, #tpu.memory_space<hbm>> -> memref<200x128xi32, #tpu.memory_space<hbm>>
      %dma_wait3A_84 = arith.constant 0 : i32
      %dma_wait3A_85 = tpu.memref_slice %arg3[%dma_wait3A_84, %mul3A_2] : memref<200x4096xi32, #tpu.memory_space<hbm>> -> memref<200x128xi32, #tpu.memory_space<hbm>>
      tpu.wait_dma2 semaphore(%run_scoped3A : memref<!tpu.dma_semaphore, #tpu.memory_space<semaphore_mem>>) src(%dma_wait3A_85 : memref<200x128xi32, #tpu.memory_space<hbm>>) dst(%arg5 : memref<200x128xi32, #tpu.memory_space<vmem>>)
      tpu.yield
    }) : () -> ()
    %scan3A = arith.constant 0 : i32
    %scan3A_3 = arith.constant 1600 : i32
    %scan3A_4 = arith.addi %scan3A, %scan3A_3 : i32
    %scan3A_5 = arith.constant 1 : i32
    scf.for %scan3A_78 = %scan3A to %scan3A_4 step %scan3A_5  : i32 {
      %mul3A_79 = arith.constant 1 : i32
      %mul3A_80 = arith.muli %scan3A_78, %mul3A_79 : i32
      %add3A_81 = arith.constant 0 : i32
      %add3A_82 = arith.addi %add3A_81, %mul3A_80 : i32
      %jit3A = arith.constant 8 : i32
      %div3A = arith.divsi %add3A_82, %jit3A : i32
      %sign3A = arith.constant 0 : i32
      %sign3A_83 = arith.cmpi sgt, %add3A_82, %sign3A : i32
      %sign3A_84 = arith.extui %sign3A_83 : i1 to i32
      %sign3A_85 = arith.constant 0 : i32
      %sign3A_86 = arith.cmpi slt, %add3A_82, %sign3A_85 : i32
      %sign3A_87 = arith.extui %sign3A_86 : i1 to i32
      %sign3A_88 = arith.subi %sign3A_84, %sign3A_87 : i32
      %sign3A_89 = arith.constant 0 : i32
      %sign3A_90 = arith.cmpi sgt, %jit3A, %sign3A_89 : i32
      %sign3A_91 = arith.extui %sign3A_90 : i1 to i32
      %sign3A_92 = arith.constant 0 : i32
      %sign3A_93 = arith.cmpi slt, %jit3A, %sign3A_92 : i32
      %sign3A_94 = arith.extui %sign3A_93 : i1 to i32
      %sign3A_95 = arith.subi %sign3A_91, %sign3A_94 : i32
      %ne3A = arith.cmpi ne, %sign3A_88, %sign3A_95 : i32
      %rem3A = arith.remsi %add3A_82, %jit3A : i32
      %ne3A_96 = arith.constant 0 : i32
      %ne3A_97 = arith.cmpi ne, %rem3A, %ne3A_96 : i32
      %and3A = arith.andi %ne3A, %ne3A_97 : i1
      %sub3A = arith.constant 1 : i32
      %sub3A_98 = arith.subi %div3A, %sub3A : i32
      %select_n3A = arith.select %and3A, %sub3A_98, %div3A : i32
      %jit3A_99 = arith.constant 8 : i32
      %eq3A = arith.constant 0 : i32
      %eq3A_100 = arith.cmpi eq, %jit3A_99, %eq3A : i32
      %jit3A_101 = arith.constant 1 : i32
      %select_n3A_102 = arith.select %eq3A_100, %jit3A_101, %jit3A_99 : i32
      %rem3A_103 = arith.remsi %add3A_82, %select_n3A_102 : i32
      %ne3A_104 = arith.constant 0 : i32
      %ne3A_105 = arith.cmpi ne, %rem3A_103, %ne3A_104 : i32
      %lt3A = arith.constant 0 : i32
      %lt3A_106 = arith.cmpi slt, %rem3A_103, %lt3A : i32
      %lt3A_107 = arith.constant 0 : i32
      %lt3A_108 = arith.cmpi slt, %select_n3A_102, %lt3A_107 : i32
      %ne3A_109 = arith.xori %lt3A_106, %lt3A_108 : i1
      %and3A_110 = arith.andi %ne3A_109, %ne3A_105 : i1
      %add3A_111 = arith.addi %rem3A_103, %select_n3A_102 : i32
      %select_n3A_112 = arith.select %and3A_110, %add3A_111, %rem3A_103 : i32
      %mul3A_113 = arith.constant 16 : i32
      %mul3A_114 = arith.muli %select_n3A_112, %mul3A_113 : i32
      %get3A = arith.index_cast %select_n3A : i32 to index
      %get3A_115 = arith.index_cast %mul3A_114 : i32 to index
      %get3A_116 = tpu.vector_load %arg5[%get3A, %get3A_115] {strides = array<i32>} : memref<200x128xi32, #tpu.memory_space<vmem>>, vector<16xi32>,
      %shift_right_logical3A = arith.constant 2 : i32
      %shift_right_logical3A_117 = vector.broadcast %shift_right_logical3A : i32 to vector<16xi32>
      %shift_right_logical3A_118 = arith.shrui %get3A_116, %shift_right_logical3A_117 : vector<16xi32>
      %swap3A = arith.index_cast %select_n3A : i32 to index
      %swap3A_119 = arith.index_cast %mul3A_114 : i32 to index
      %swap3A_120 = tpu.vector_load %arg6[%swap3A, %swap3A_119] {strides = array<i32>} : memref<200x128xi32, #tpu.memory_space<vmem>>, vector<16xi32>,
      tpu.vector_store %arg6[%swap3A, %swap3A_119], %shift_right_logical3A_118 {strides = array<i32>} : memref<200x128xi32, #tpu.memory_space<vmem>>, vector<16xi32>,
    }
    %scan3A_6 = arith.constant 1600 : i32
    %dma_start3A = arith.constant 0 : i32
    %dma_start3A_7 = arith.constant 0 : i32
    %dma_start3A_8 = arith.constant 0 : i32
    %dma_start3A_9 = arith.constant 0 : i32
    %dma_start3A_10 = tpu.memref_slice %arg7[%dma_start3A_7, %dma_start3A_8, %dma_start3A_9] : memref<4x128x128xf32, #tpu.memory_space<vmem>> -> memref<1x128x128xf32, #tpu.memory_space<vmem>>
    %dma_start3A_11 = tpu.memref_squeeze %dma_start3A_10 : memref<1x128x128xf32, #tpu.memory_space<vmem>> -> memref<128x128xf32, #tpu.memory_space<vmem>>
    %dma_start3A_12 = arith.constant 0 : i32
    %dma_start3A_13 = tpu.memref_slice %arg6[%dma_start3A, %dma_start3A_12] : memref<200x128xi32, #tpu.memory_space<vmem>> -> memref<1x128xi32, #tpu.memory_space<vmem>>
    %dma_start3A_14 = tpu.memref_squeeze %dma_start3A_13 : memref<1x128xi32, #tpu.memory_space<vmem>> -> memref<128xi32, #tpu.memory_space<vmem>>
    %dma_start3A_15 = arith.constant 0 : i32
    %dma_start3A_16 = arith.constant 0 : i32
    %dma_start3A_17 = tpu.memref_slice %arg2[%dma_start3A_15, %dma_start3A_16] : memref<250000x128xf32, #tpu.memory_space<hbm>> -> memref<250000x128xf32, #tpu.memory_space<hbm>>
    tpu.enqueue_indirect_dma source(%dma_start3A_17 : memref<250000x128xf32, #tpu.memory_space<hbm>>) target(%dma_start3A_11 : memref<128x128xf32, #tpu.memory_space<vmem>>) offsets(%dma_start3A_14 : memref<128xi32, #tpu.memory_space<vmem>>) semaphore(%arg9 : memref<!tpu.dma_semaphore, #tpu.memory_space<semaphore_mem>>)
    %dma_start3A_18 = arith.constant 1 : i32
    %dma_start3A_19 = arith.constant 1 : i32
    %dma_start3A_20 = arith.constant 0 : i32
    %dma_start3A_21 = arith.constant 0 : i32
    %dma_start3A_22 = tpu.memref_slice %arg7[%dma_start3A_19, %dma_start3A_20, %dma_start3A_21] : memref<4x128x128xf32, #tpu.memory_space<vmem>> -> memref<1x128x128xf32, #tpu.memory_space<vmem>>
    %dma_start3A_23 = tpu.memref_squeeze %dma_start3A_22 : memref<1x128x128xf32, #tpu.memory_space<vmem>> -> memref<128x128xf32, #tpu.memory_space<vmem>>
    %dma_start3A_24 = arith.constant 0 : i32
    %dma_start3A_25 = tpu.memref_slice %arg6[%dma_start3A_18, %dma_start3A_24] : memref<200x128xi32, #tpu.memory_space<vmem>> -> memref<1x128xi32, #tpu.memory_space<vmem>>
    %dma_start3A_26 = tpu.memref_squeeze %dma_start3A_25 : memref<1x128xi32, #tpu.memory_space<vmem>> -> memref<128xi32, #tpu.memory_space<vmem>>
    %dma_start3A_27 = arith.constant 0 : i32
    %dma_start3A_28 = arith.constant 0 : i32
    %dma_start3A_29 = tpu.memref_slice %arg2[%dma_start3A_27, %dma_start3A_28] : memref<250000x128xf32, #tpu.memory_space<hbm>> -> memref<250000x128xf32, #tpu.memory_space<hbm>>
    tpu.enqueue_indirect_dma source(%dma_start3A_29 : memref<250000x128xf32, #tpu.memory_space<hbm>>) target(%dma_start3A_23 : memref<128x128xf32, #tpu.memory_space<vmem>>) offsets(%dma_start3A_26 : memref<128xi32, #tpu.memory_space<vmem>>) semaphore(%arg10 : memref<!tpu.dma_semaphore, #tpu.memory_space<semaphore_mem>>)
    %dma_start3A_30 = arith.constant 2 : i32
    %dma_start3A_31 = arith.constant 2 : i32
    %dma_start3A_32 = arith.constant 0 : i32
    %dma_start3A_33 = arith.constant 0 : i32
    %dma_start3A_34 = tpu.memref_slice %arg7[%dma_start3A_31, %dma_start3A_32, %dma_start3A_33] : memref<4x128x128xf32, #tpu.memory_space<vmem>> -> memref<1x128x128xf32, #tpu.memory_space<vmem>>
    %dma_start3A_35 = tpu.memref_squeeze %dma_start3A_34 : memref<1x128x128xf32, #tpu.memory_space<vmem>> -> memref<128x128xf32, #tpu.memory_space<vmem>>
    %dma_start3A_36 = arith.constant 0 : i32
    %dma_start3A_37 = tpu.memref_slice %arg6[%dma_start3A_30, %dma_start3A_36] : memref<200x128xi32, #tpu.memory_space<vmem>> -> memref<1x128xi32, #tpu.memory_space<vmem>>
    %dma_start3A_38 = tpu.memref_squeeze %dma_start3A_37 : memref<1x128xi32, #tpu.memory_space<vmem>> -> memref<128xi32, #tpu.memory_space<vmem>>
    %dma_start3A_39 = arith.constant 0 : i32
    %dma_start3A_40 = arith.constant 0 : i32
    %dma_start3A_41 = tpu.memref_slice %arg2[%dma_start3A_39, %dma_start3A_40] : memref<250000x128xf32, #tpu.memory_space<hbm>> -> memref<250000x128xf32, #tpu.memory_space<hbm>>
    tpu.enqueue_indirect_dma source(%dma_start3A_41 : memref<250000x128xf32, #tpu.memory_space<hbm>>) target(%dma_start3A_35 : memref<128x128xf32, #tpu.memory_space<vmem>>) offsets(%dma_start3A_38 : memref<128xi32, #tpu.memory_space<vmem>>) semaphore(%arg11 : memref<!tpu.dma_semaphore, #tpu.memory_space<semaphore_mem>>)
    %scan3A_42 = arith.constant 0 : i32
    %scan3A_43 = arith.constant 50 : i32
    %scan3A_44 = arith.addi %scan3A_42, %scan3A_43 : i32
    %scan3A_45 = arith.constant 1 : i32
    scf.for %scan3A_78 = %scan3A_42 to %scan3A_44 step %scan3A_45  : i32 {
      %mul3A_79 = arith.constant 1 : i32
      %mul3A_80 = arith.muli %scan3A_78, %mul3A_79 : i32
      %add3A_81 = arith.constant 0 : i32
      %add3A_82 = arith.addi %add3A_81, %mul3A_80 : i32
      %mul3A_83 = arith.constant 4 : i32
      %mul3A_84 = arith.muli %add3A_82, %mul3A_83 : i32
      %add3A_85 = arith.constant 0 : i32
      %add3A_86 = arith.addi %mul3A_84, %add3A_85 : i32
      %add3A_87 = arith.constant 3 : i32
      %add3A_88 = arith.addi %add3A_86, %add3A_87 : i32
      %lt3A = arith.constant 200 : i32
      %lt3A_89 = arith.cmpi slt, %add3A_88, %lt3A : i32
      %convert_element_type3A = arith.extui %lt3A_89 : i1 to i32
      %cond3A = arith.constant 0 : i32
      %cond3A_90 = arith.cmpi ne, %convert_element_type3A, %cond3A : i32
      scf.if %cond3A_90 {
        %add3A_280 = arith.constant 3 : i32
        %add3A_281 = arith.addi %add3A_86, %add3A_280 : i32
        %dma_start3A_282 = arith.constant 3 : i32
        %dma_start3A_283 = arith.constant 0 : i32
        %dma_start3A_284 = arith.constant 0 : i32
        %dma_start3A_285 = tpu.memref_slice %arg7[%dma_start3A_282, %dma_start3A_283, %dma_start3A_284] : memref<4x128x128xf32, #tpu.memory_space<vmem>> -> memref<1x128x128xf32, #tpu.memory_space<vmem>>
        %dma_start3A_286 = tpu.memref_squeeze %dma_start3A_285 : memref<1x128x128xf32, #tpu.memory_space<vmem>> -> memref<128x128xf32, #tpu.memory_space<vmem>>
        %dma_start3A_287 = arith.constant 0 : i32
        %dma_start3A_288 = tpu.memref_slice %arg6[%add3A_281, %dma_start3A_287] : memref<200x128xi32, #tpu.memory_space<vmem>> -> memref<1x128xi32, #tpu.memory_space<vmem>>
        %dma_start3A_289 = tpu.memref_squeeze %dma_start3A_288 : memref<1x128xi32, #tpu.memory_space<vmem>> -> memref<128xi32, #tpu.memory_space<vmem>>
        %dma_start3A_290 = arith.constant 0 : i32
        %dma_start3A_291 = arith.constant 0 : i32
        %dma_start3A_292 = tpu.memref_slice %arg2[%dma_start3A_290, %dma_start3A_291] : memref<250000x128xf32, #tpu.memory_space<hbm>> -> memref<250000x128xf32, #tpu.memory_space<hbm>>
        tpu.enqueue_indirect_dma source(%dma_start3A_292 : memref<250000x128xf32, #tpu.memory_space<hbm>>) target(%dma_start3A_286 : memref<128x128xf32, #tpu.memory_space<vmem>>) offsets(%dma_start3A_289 : memref<128xi32, #tpu.memory_space<vmem>>) semaphore(%arg12 : memref<!tpu.dma_semaphore, #tpu.memory_space<semaphore_mem>>)
      } else {
      }
      %dma_wait3A_91 = arith.constant 0 : i32
      %dma_wait3A_92 = arith.constant 0 : i32
      %dma_wait3A_93 = arith.constant 0 : i32
      %dma_wait3A_94 = arith.constant 0 : i32
      %dma_wait3A_95 = tpu.memref_slice %arg7[%dma_wait3A_92, %dma_wait3A_93, %dma_wait3A_94] : memref<4x128x128xf32, #tpu.memory_space<vmem>> -> memref<1x128x128xf32, #tpu.memory_space<vmem>>
      %dma_wait3A_96 = tpu.memref_squeeze %dma_wait3A_95 : memref<1x128x128xf32, #tpu.memory_space<vmem>> -> memref<128x128xf32, #tpu.memory_space<vmem>>
      %dma_wait3A_97 = arith.constant 0 : i32
      %dma_wait3A_98 = tpu.memref_slice %arg6[%dma_wait3A_91, %dma_wait3A_97] : memref<200x128xi32, #tpu.memory_space<vmem>> -> memref<1x128xi32, #tpu.memory_space<vmem>>
      %dma_wait3A_99 = tpu.memref_squeeze %dma_wait3A_98 : memref<1x128xi32, #tpu.memory_space<vmem>> -> memref<128xi32, #tpu.memory_space<vmem>>
      %dma_wait3A_100 = arith.constant 0 : i32
      %dma_wait3A_101 = arith.constant 0 : i32
      %dma_wait3A_102 = tpu.memref_slice %arg2[%dma_wait3A_100, %dma_wait3A_101] : memref<250000x128xf32, #tpu.memory_space<hbm>> -> memref<250000x128xf32, #tpu.memory_space<hbm>>
      tpu.wait_indirect_dma semaphore(%arg9 : memref<!tpu.dma_semaphore, #tpu.memory_space<semaphore_mem>>) src(%dma_wait3A_102 : memref<250000x128xf32, #tpu.memory_space<hbm>>) dst(%dma_wait3A_96 : memref<128x128xf32, #tpu.memory_space<vmem>>)
      %ge3A = arith.constant 2 : i32
      %ge3A_103 = arith.cmpi sge, %add3A_86, %ge3A : i32
      %or3A = arith.constant false
      %or3A_104 = arith.ori %or3A, %ge3A_103 : i1
      %convert_element_type3A_105 = arith.extui %or3A_104 : i1 to i32
      %cond3A_106 = arith.constant 0 : i32
      %cond3A_107 = arith.cmpi ne, %convert_element_type3A_105, %cond3A_106 : i32
      scf.if %cond3A_107 {
        %dma_wait3A_280 = arith.constant 0 : i32
        %dma_wait3A_281 = arith.constant 0 : i32
        %dma_wait3A_282 = arith.constant 0 : i32
        %dma_wait3A_283 = arith.constant 0 : i32
        %dma_wait3A_284 = tpu.memref_slice %arg8[%dma_wait3A_280, %dma_wait3A_282, %dma_wait3A_283] : memref<2x32x128xf32, #tpu.memory_space<vmem>> -> memref<1x32x128xf32, #tpu.memory_space<vmem>>
        %dma_wait3A_285 = tpu.memref_squeeze %dma_wait3A_284 : memref<1x32x128xf32, #tpu.memory_space<vmem>> -> memref<32x128xf32, #tpu.memory_space<vmem>>
        %dma_wait3A_286 = arith.constant 0 : i32
        %dma_wait3A_287 = tpu.memref_slice %arg4[%dma_wait3A_281, %dma_wait3A_286, %mul3A_2] : memref<200x32x4096xf32, #tpu.memory_space<hbm>> -> memref<1x32x128xf32, #tpu.memory_space<hbm>>
        %dma_wait3A_288 = tpu.memref_squeeze %dma_wait3A_287 : memref<1x32x128xf32, #tpu.memory_space<hbm>> -> memref<32x128xf32, #tpu.memory_space<hbm>>
        %dma_wait3A_289 = arith.constant 0 : i32
        %dma_wait3A_290 = tpu.memref_slice %arg4[%dma_wait3A_281, %dma_wait3A_289, %mul3A_2] : memref<200x32x4096xf32, #tpu.memory_space<hbm>> -> memref<1x32x128xf32, #tpu.memory_space<hbm>>
        %dma_wait3A_291 = tpu.memref_squeeze %dma_wait3A_290 : memref<1x32x128xf32, #tpu.memory_space<hbm>> -> memref<32x128xf32, #tpu.memory_space<hbm>>
        %dma_wait3A_292 = arith.constant 0 : i32
        %dma_wait3A_293 = arith.constant 0 : i32
        %dma_wait3A_294 = tpu.memref_slice %arg8[%dma_wait3A_280, %dma_wait3A_292, %dma_wait3A_293] : memref<2x32x128xf32, #tpu.memory_space<vmem>> -> memref<1x32x128xf32, #tpu.memory_space<vmem>>
        %dma_wait3A_295 = tpu.memref_squeeze %dma_wait3A_294 : memref<1x32x128xf32, #tpu.memory_space<vmem>> -> memref<32x128xf32, #tpu.memory_space<vmem>>
        tpu.wait_dma2 semaphore(%arg13 : memref<!tpu.dma_semaphore, #tpu.memory_space<semaphore_mem>>) src(%dma_wait3A_295 : memref<32x128xf32, #tpu.memory_space<vmem>>) dst(%dma_wait3A_291 : memref<32x128xf32, #tpu.memory_space<hbm>>)
      } else {
      }
      %scan3A_108 = arith.constant 0 : i32
      %scan3A_109 = arith.constant 8 : i32
      %scan3A_110 = arith.addi %scan3A_108, %scan3A_109 : i32
      %scan3A_111 = arith.constant 1 : i32
      scf.for %scan3A_280 = %scan3A_108 to %scan3A_110 step %scan3A_111  : i32 {
        %mul3A_281 = arith.constant 1 : i32
        %mul3A_282 = arith.muli %scan3A_280, %mul3A_281 : i32
        %add3A_283 = arith.constant 0 : i32
        %add3A_284 = arith.addi %add3A_283, %mul3A_282 : i32
        %mul3A_285 = arith.constant 16 : i32
        %mul3A_286 = arith.muli %add3A_284, %mul3A_285 : i32
        %get3A = arith.index_cast %add3A_86 : i32 to index
        %get3A_287 = arith.index_cast %mul3A_286 : i32 to index
        %get3A_288 = tpu.vector_load %arg5[%get3A, %get3A_287] {strides = array<i32>} : memref<200x128xi32, #tpu.memory_space<vmem>>, vector<16xi32>,
        %and3A = arith.constant 3 : i32
        %and3A_289 = vector.broadcast %and3A : i32 to vector<16xi32>
        %and3A_290 = arith.andi %get3A_288, %and3A_289 : vector<16xi32>
        %mul3A_291 = arith.constant 32 : i32
        %mul3A_292 = vector.broadcast %mul3A_291 : i32 to vector<16xi32>
        %mul3A_293 = arith.muli %and3A_290, %mul3A_292 : vector<16xi32>
        %add3A_294 = vector.broadcast %mul3A_286 : i32 to vector<16xi32>
        %add3A_295 = arith.addi %iota3A, %add3A_294 : vector<16xi32>
        %add3A_296 = arith.constant 0 : i32
        %add3A_297 = vector.broadcast %add3A_296 : i32 to vector<16xi32>
        %add3A_298 = arith.addi %mul3A_293, %add3A_297 : vector<16xi32>
        %gather3A = arith.constant 0 : i32
        %gather3A_299 = arith.constant 0 : i32
        %gather3A_300 = arith.constant 0 : i32
        %gather3A_301 = tpu.memref_slice %arg7[%gather3A, %gather3A_299, %gather3A_300] : memref<4x128x128xf32, #tpu.memory_space<vmem>> -> memref<1x128x128xf32, #tpu.memory_space<vmem>>
        %gather3A_302 = tpu.memref_squeeze %gather3A_301 : memref<1x128x128xf32, #tpu.memory_space<vmem>> -> memref<128x128xf32, #tpu.memory_space<vmem>>
        %gather3A_303 = tpu.vector_load_idx %gather3A_302[%add3A_295, %add3A_298] : memref<128x128xf32, #tpu.memory_space<vmem>>[vector<16xi32>, vector<16xi32>], vector<16xf32>,
        %add3A_304 = arith.constant 1 : i32
        %add3A_305 = vector.broadcast %add3A_304 : i32 to vector<16xi32>
        %add3A_306 = arith.addi %mul3A_293, %add3A_305 : vector<16xi32>
        %gather3A_307 = arith.constant 0 : i32
        %gather3A_308 = arith.constant 0 : i32
        %gather3A_309 = arith.constant 0 : i32
        %gather3A_310 = tpu.memref_slice %arg7[%gather3A_307, %gather3A_308, %gather3A_309] : memref<4x128x128xf32, #tpu.memory_space<vmem>> -> memref<1x128x128xf32, #tpu.memory_space<vmem>>
        %gather3A_311 = tpu.memref_squeeze %gather3A_310 : memref<1x128x128xf32, #tpu.memory_space<vmem>> -> memref<128x128xf32, #tpu.memory_space<vmem>>
        %gather3A_312 = tpu.vector_load_idx %gather3A_311[%add3A_295, %add3A_306] : memref<128x128xf32, #tpu.memory_space<vmem>>[vector<16xi32>, vector<16xi32>], vector<16xf32>,
        %add3A_313 = arith.constant 2 : i32
        %add3A_314 = vector.broadcast %add3A_313 : i32 to vector<16xi32>
        %add3A_315 = arith.addi %mul3A_293, %add3A_314 : vector<16xi32>
        %gather3A_316 = arith.constant 0 : i32
        %gather3A_317 = arith.constant 0 : i32
        %gather3A_318 = arith.constant 0 : i32
        %gather3A_319 = tpu.memref_slice %arg7[%gather3A_316, %gather3A_317, %gather3A_318] : memref<4x128x128xf32, #tpu.memory_space<vmem>> -> memref<1x128x128xf32, #tpu.memory_space<vmem>>
        %gather3A_320 = tpu.memref_squeeze %gather3A_319 : memref<1x128x128xf32, #tpu.memory_space<vmem>> -> memref<128x128xf32, #tpu.memory_space<vmem>>
        %gather3A_321 = tpu.vector_load_idx %gather3A_320[%add3A_295, %add3A_315] : memref<128x128xf32, #tpu.memory_space<vmem>>[vector<16xi32>, vector<16xi32>], vector<16xf32>,
        %add3A_322 = arith.constant 3 : i32
        %add3A_323 = vector.broadcast %add3A_322 : i32 to vector<16xi32>
        %add3A_324 = arith.addi %mul3A_293, %add3A_323 : vector<16xi32>
        %gather3A_325 = arith.constant 0 : i32
        %gather3A_326 = arith.constant 0 : i32
        %gather3A_327 = arith.constant 0 : i32
        %gather3A_328 = tpu.memref_slice %arg7[%gather3A_325, %gather3A_326, %gather3A_327] : memref<4x128x128xf32, #tpu.memory_space<vmem>> -> memref<1x128x128xf32, #tpu.memory_space<vmem>>
        %gather3A_329 = tpu.memref_squeeze %gather3A_328 : memref<1x128x128xf32, #tpu.memory_space<vmem>> -> memref<128x128xf32, #tpu.memory_space<vmem>>
        %gather3A_330 = tpu.vector_load_idx %gather3A_329[%add3A_295, %add3A_324] : memref<128x128xf32, #tpu.memory_space<vmem>>[vector<16xi32>, vector<16xi32>], vector<16xf32>,
        %add3A_331 = arith.constant 4 : i32
        %add3A_332 = vector.broadcast %add3A_331 : i32 to vector<16xi32>
        %add3A_333 = arith.addi %mul3A_293, %add3A_332 : vector<16xi32>
        %gather3A_334 = arith.constant 0 : i32
        %gather3A_335 = arith.constant 0 : i32
        %gather3A_336 = arith.constant 0 : i32
        %gather3A_337 = tpu.memref_slice %arg7[%gather3A_334, %gather3A_335, %gather3A_336] : memref<4x128x128xf32, #tpu.memory_space<vmem>> -> memref<1x128x128xf32, #tpu.memory_space<vmem>>
        %gather3A_338 = tpu.memref_squeeze %gather3A_337 : memref<1x128x128xf32, #tpu.memory_space<vmem>> -> memref<128x128xf32, #tpu.memory_space<vmem>>
        %gather3A_339 = tpu.vector_load_idx %gather3A_338[%add3A_295, %add3A_333] : memref<128x128xf32, #tpu.memory_space<vmem>>[vector<16xi32>, vector<16xi32>], vector<16xf32>,
        %add3A_340 = arith.constant 5 : i32
        %add3A_341 = vector.broadcast %add3A_340 : i32 to vector<16xi32>
        %add3A_342 = arith.addi %mul3A_293, %add3A_341 : vector<16xi32>
        %gather3A_343 = arith.constant 0 : i32
        %gather3A_344 = arith.constant 0 : i32
        %gather3A_345 = arith.constant 0 : i32
        %gather3A_346 = tpu.memref_slice %arg7[%gather3A_343, %gather3A_344, %gather3A_345] : memref<4x128x128xf32, #tpu.memory_space<vmem>> -> memref<1x128x128xf32, #tpu.memory_space<vmem>>
        %gather3A_347 = tpu.memref_squeeze %gather3A_346 : memref<1x128x128xf32, #tpu.memory_space<vmem>> -> memref<128x128xf32, #tpu.memory_space<vmem>>
        %gather3A_348 = tpu.vector_load_idx %gather3A_347[%add3A_295, %add3A_342] : memref<128x128xf32, #tpu.memory_space<vmem>>[vector<16xi32>, vector<16xi32>], vector<16xf32>,
        %add3A_349 = arith.constant 6 : i32
        %add3A_350 = vector.broadcast %add3A_349 : i32 to vector<16xi32>
        %add3A_351 = arith.addi %mul3A_293, %add3A_350 : vector<16xi32>
        %gather3A_352 = arith.constant 0 : i32
        %gather3A_353 = arith.constant 0 : i32
        %gather3A_354 = arith.constant 0 : i32
        %gather3A_355 = tpu.memref_slice %arg7[%gather3A_352, %gather3A_353, %gather3A_354] : memref<4x128x128xf32, #tpu.memory_space<vmem>> -> memref<1x128x128xf32, #tpu.memory_space<vmem>>
        %gather3A_356 = tpu.memref_squeeze %gather3A_355 : memref<1x128x128xf32, #tpu.memory_space<vmem>> -> memref<128x128xf32, #tpu.memory_space<vmem>>
        %gather3A_357 = tpu.vector_load_idx %gather3A_356[%add3A_295, %add3A_351] : memref<128x128xf32, #tpu.memory_space<vmem>>[vector<16xi32>, vector<16xi32>], vector<16xf32>,
        %add3A_358 = arith.constant 7 : i32
        %add3A_359 = vector.broadcast %add3A_358 : i32 to vector<16xi32>
        %add3A_360 = arith.addi %mul3A_293, %add3A_359 : vector<16xi32>
        %gather3A_361 = arith.constant 0 : i32
        %gather3A_362 = arith.constant 0 : i32
        %gather3A_363 = arith.constant 0 : i32
        %gather3A_364 = tpu.memref_slice %arg7[%gather3A_361, %gather3A_362, %gather3A_363] : memref<4x128x128xf32, #tpu.memory_space<vmem>> -> memref<1x128x128xf32, #tpu.memory_space<vmem>>
        %gather3A_365 = tpu.memref_squeeze %gather3A_364 : memref<1x128x128xf32, #tpu.memory_space<vmem>> -> memref<128x128xf32, #tpu.memory_space<vmem>>
        %gather3A_366 = tpu.vector_load_idx %gather3A_365[%add3A_295, %add3A_360] : memref<128x128xf32, #tpu.memory_space<vmem>>[vector<16xi32>, vector<16xi32>], vector<16xf32>,
        %add3A_367 = arith.constant 8 : i32
        %add3A_368 = vector.broadcast %add3A_367 : i32 to vector<16xi32>
        %add3A_369 = arith.addi %mul3A_293, %add3A_368 : vector<16xi32>
        %gather3A_370 = arith.constant 0 : i32
        %gather3A_371 = arith.constant 0 : i32
        %gather3A_372 = arith.constant 0 : i32
        %gather3A_373 = tpu.memref_slice %arg7[%gather3A_370, %gather3A_371, %gather3A_372] : memref<4x128x128xf32, #tpu.memory_space<vmem>> -> memref<1x128x128xf32, #tpu.memory_space<vmem>>
        %gather3A_374 = tpu.memref_squeeze %gather3A_373 : memref<1x128x128xf32, #tpu.memory_space<vmem>> -> memref<128x128xf32, #tpu.memory_space<vmem>>
        %gather3A_375 = tpu.vector_load_idx %gather3A_374[%add3A_295, %add3A_369] : memref<128x128xf32, #tpu.memory_space<vmem>>[vector<16xi32>, vector<16xi32>], vector<16xf32>,
        %add3A_376 = arith.constant 9 : i32
        %add3A_377 = vector.broadcast %add3A_376 : i32 to vector<16xi32>
        %add3A_378 = arith.addi %mul3A_293, %add3A_377 : vector<16xi32>
        %gather3A_379 = arith.constant 0 : i32
        %gather3A_380 = arith.constant 0 : i32
        %gather3A_381 = arith.constant 0 : i32
        %gather3A_382 = tpu.memref_slice %arg7[%gather3A_379, %gather3A_380, %gather3A_381] : memref<4x128x128xf32, #tpu.memory_space<vmem>> -> memref<1x128x128xf32, #tpu.memory_space<vmem>>
        %gather3A_383 = tpu.memref_squeeze %gather3A_382 : memref<1x128x128xf32, #tpu.memory_space<vmem>> -> memref<128x128xf32, #tpu.memory_space<vmem>>
        %gather3A_384 = tpu.vector_load_idx %gather3A_383[%add3A_295, %add3A_378] : memref<128x128xf32, #tpu.memory_space<vmem>>[vector<16xi32>, vector<16xi32>], vector<16xf32>,
        %add3A_385 = arith.constant 10 : i32
        %add3A_386 = vector.broadcast %add3A_385 : i32 to vector<16xi32>
        %add3A_387 = arith.addi %mul3A_293, %add3A_386 : vector<16xi32>
        %gather3A_388 = arith.constant 0 : i32
        %gather3A_389 = arith.constant 0 : i32
        %gather3A_390 = arith.constant 0 : i32
        %gather3A_391 = tpu.memref_slice %arg7[%gather3A_388, %gather3A_389, %gather3A_390] : memref<4x128x128xf32, #tpu.memory_space<vmem>> -> memref<1x128x128xf32, #tpu.memory_space<vmem>>
        %gather3A_392 = tpu.memref_squeeze %gather3A_391 : memref<1x128x128xf32, #tpu.memory_space<vmem>> -> memref<128x128xf32, #tpu.memory_space<vmem>>
        %gather3A_393 = tpu.vector_load_idx %gather3A_392[%add3A_295, %add3A_387] : memref<128x128xf32, #tpu.memory_space<vmem>>[vector<16xi32>, vector<16xi32>], vector<16xf32>,
        %add3A_394 = arith.constant 11 : i32
        %add3A_395 = vector.broadcast %add3A_394 : i32 to vector<16xi32>
        %add3A_396 = arith.addi %mul3A_293, %add3A_395 : vector<16xi32>
        %gather3A_397 = arith.constant 0 : i32
        %gather3A_398 = arith.constant 0 : i32
        %gather3A_399 = arith.constant 0 : i32
        %gather3A_400 = tpu.memref_slice %arg7[%gather3A_397, %gather3A_398, %gather3A_399] : memref<4x128x128xf32, #tpu.memory_space<vmem>> -> memref<1x128x128xf32, #tpu.memory_space<vmem>>
        %gather3A_401 = tpu.memref_squeeze %gather3A_400 : memref<1x128x128xf32, #tpu.memory_space<vmem>> -> memref<128x128xf32, #tpu.memory_space<vmem>>
        %gather3A_402 = tpu.vector_load_idx %gather3A_401[%add3A_295, %add3A_396] : memref<128x128xf32, #tpu.memory_space<vmem>>[vector<16xi32>, vector<16xi32>], vector<16xf32>,
        %add3A_403 = arith.constant 12 : i32
        %add3A_404 = vector.broadcast %add3A_403 : i32 to vector<16xi32>
        %add3A_405 = arith.addi %mul3A_293, %add3A_404 : vector<16xi32>
        %gather3A_406 = arith.constant 0 : i32
        %gather3A_407 = arith.constant 0 : i32
        %gather3A_408 = arith.constant 0 : i32
        %gather3A_409 = tpu.memref_slice %arg7[%gather3A_406, %gather3A_407, %gather3A_408] : memref<4x128x128xf32, #tpu.memory_space<vmem>> -> memref<1x128x128xf32, #tpu.memory_space<vmem>>
        %gather3A_410 = tpu.memref_squeeze %gather3A_409 : memref<1x128x128xf32, #tpu.memory_space<vmem>> -> memref<128x128xf32, #tpu.memory_space<vmem>>
        %gather3A_411 = tpu.vector_load_idx %gather3A_410[%add3A_295, %add3A_405] : memref<128x128xf32, #tpu.memory_space<vmem>>[vector<16xi32>, vector<16xi32>], vector<16xf32>,
        %add3A_412 = arith.constant 13 : i32
        %add3A_413 = vector.broadcast %add3A_412 : i32 to vector<16xi32>
        %add3A_414 = arith.addi %mul3A_293, %add3A_413 : vector<16xi32>
        %gather3A_415 = arith.constant 0 : i32
        %gather3A_416 = arith.constant 0 : i32
        %gather3A_417 = arith.constant 0 : i32
        %gather3A_418 = tpu.memref_slice %arg7[%gather3A_415, %gather3A_416, %gather3A_417] : memref<4x128x128xf32, #tpu.memory_space<vmem>> -> memref<1x128x128xf32, #tpu.memory_space<vmem>>
        %gather3A_419 = tpu.memref_squeeze %gather3A_418 : memref<1x128x128xf32, #tpu.memory_space<vmem>> -> memref<128x128xf32, #tpu.memory_space<vmem>>
        %gather3A_420 = tpu.vector_load_idx %gather3A_419[%add3A_295, %add3A_414] : memref<128x128xf32, #tpu.memory_space<vmem>>[vector<16xi32>, vector<16xi32>], vector<16xf32>,
        %add3A_421 = arith.constant 14 : i32
        %add3A_422 = vector.broadcast %add3A_421 : i32 to vector<16xi32>
        %add3A_423 = arith.addi %mul3A_293, %add3A_422 : vector<16xi32>
        %gather3A_424 = arith.constant 0 : i32
        %gather3A_425 = arith.constant 0 : i32
        %gather3A_426 = arith.constant 0 : i32
        %gather3A_427 = tpu.memref_slice %arg7[%gather3A_424, %gather3A_425, %gather3A_426] : memref<4x128x128xf32, #tpu.memory_space<vmem>> -> memref<1x128x128xf32, #tpu.memory_space<vmem>>
        %gather3A_428 = tpu.memref_squeeze %gather3A_427 : memref<1x128x128xf32, #tpu.memory_space<vmem>> -> memref<128x128xf32, #tpu.memory_space<vmem>>
        %gather3A_429 = tpu.vector_load_idx %gather3A_428[%add3A_295, %add3A_423] : memref<128x128xf32, #tpu.memory_space<vmem>>[vector<16xi32>, vector<16xi32>], vector<16xf32>,
        %add3A_430 = arith.constant 15 : i32
        %add3A_431 = vector.broadcast %add3A_430 : i32 to vector<16xi32>
        %add3A_432 = arith.addi %mul3A_293, %add3A_431 : vector<16xi32>
        %gather3A_433 = arith.constant 0 : i32
        %gather3A_434 = arith.constant 0 : i32
        %gather3A_435 = arith.constant 0 : i32
        %gather3A_436 = tpu.memref_slice %arg7[%gather3A_433, %gather3A_434, %gather3A_435] : memref<4x128x128xf32, #tpu.memory_space<vmem>> -> memref<1x128x128xf32, #tpu.memory_space<vmem>>
        %gather3A_437 = tpu.memref_squeeze %gather3A_436 : memref<1x128x128xf32, #tpu.memory_space<vmem>> -> memref<128x128xf32, #tpu.memory_space<vmem>>
        %gather3A_438 = tpu.vector_load_idx %gather3A_437[%add3A_295, %add3A_432] : memref<128x128xf32, #tpu.memory_space<vmem>>[vector<16xi32>, vector<16xi32>], vector<16xf32>,
        %swap3A = arith.constant 0 : i32
        %swap3A_439 = arith.constant 0 : i32
        %swap3A_440 = arith.index_cast %swap3A : i32 to index
        %swap3A_441 = arith.index_cast %swap3A_439 : i32 to index
        %swap3A_442 = arith.index_cast %mul3A_286 : i32 to index
        %swap3A_443 = tpu.vector_load %arg8[%swap3A_440, %swap3A_441, %swap3A_442] {strides = array<i32>} : memref<2x32x128xf32, #tpu.memory_space<vmem>>, vector<16xf32>,
        tpu.vector_store %arg8[%swap3A_440, %swap3A_441, %swap3A_442], %gather3A_303 {strides = array<i32>} : memref<2x32x128xf32, #tpu.memory_space<vmem>>, vector<16xf32>,
        %swap3A_444 = arith.constant 0 : i32
        %swap3A_445 = arith.constant 1 : i32
        %swap3A_446 = arith.index_cast %swap3A_444 : i32 to index
        %swap3A_447 = arith.index_cast %swap3A_445 : i32 to index
        %swap3A_448 = arith.index_cast %mul3A_286 : i32 to index
        %swap3A_449 = tpu.vector_load %arg8[%swap3A_446, %swap3A_447, %swap3A_448] {strides = array<i32>} : memref<2x32x128xf32, #tpu.memory_space<vmem>>, vector<16xf32>,
        tpu.vector_store %arg8[%swap3A_446, %swap3A_447, %swap3A_448], %gather3A_312 {strides = array<i32>} : memref<2x32x128xf32, #tpu.memory_space<vmem>>, vector<16xf32>,
        %swap3A_450 = arith.constant 0 : i32
        %swap3A_451 = arith.constant 2 : i32
        %swap3A_452 = arith.index_cast %swap3A_450 : i32 to index
        %swap3A_453 = arith.index_cast %swap3A_451 : i32 to index
        %swap3A_454 = arith.index_cast %mul3A_286 : i32 to index
        %swap3A_455 = tpu.vector_load %arg8[%swap3A_452, %swap3A_453, %swap3A_454] {strides = array<i32>} : memref<2x32x128xf32, #tpu.memory_space<vmem>>, vector<16xf32>,
        tpu.vector_store %arg8[%swap3A_452, %swap3A_453, %swap3A_454], %gather3A_321 {strides = array<i32>} : memref<2x32x128xf32, #tpu.memory_space<vmem>>, vector<16xf32>,
        %swap3A_456 = arith.constant 0 : i32
        %swap3A_457 = arith.constant 3 : i32
        %swap3A_458 = arith.index_cast %swap3A_456 : i32 to index
        %swap3A_459 = arith.index_cast %swap3A_457 : i32 to index
        %swap3A_460 = arith.index_cast %mul3A_286 : i32 to index
        %swap3A_461 = tpu.vector_load %arg8[%swap3A_458, %swap3A_459, %swap3A_460] {strides = array<i32>} : memref<2x32x128xf32, #tpu.memory_space<vmem>>, vector<16xf32>,
        tpu.vector_store %arg8[%swap3A_458, %swap3A_459, %swap3A_460], %gather3A_330 {strides = array<i32>} : memref<2x32x128xf32, #tpu.memory_space<vmem>>, vector<16xf32>,
        %swap3A_462 = arith.constant 0 : i32
        %swap3A_463 = arith.constant 4 : i32
        %swap3A_464 = arith.index_cast %swap3A_462 : i32 to index
        %swap3A_465 = arith.index_cast %swap3A_463 : i32 to index
        %swap3A_466 = arith.index_cast %mul3A_286 : i32 to index
        %swap3A_467 = tpu.vector_load %arg8[%swap3A_464, %swap3A_465, %swap3A_466] {strides = array<i32>} : memref<2x32x128xf32, #tpu.memory_space<vmem>>, vector<16xf32>,
        tpu.vector_store %arg8[%swap3A_464, %swap3A_465, %swap3A_466], %gather3A_339 {strides = array<i32>} : memref<2x32x128xf32, #tpu.memory_space<vmem>>, vector<16xf32>,
        %swap3A_468 = arith.constant 0 : i32
        %swap3A_469 = arith.constant 5 : i32
        %swap3A_470 = arith.index_cast %swap3A_468 : i32 to index
        %swap3A_471 = arith.index_cast %swap3A_469 : i32 to index
        %swap3A_472 = arith.index_cast %mul3A_286 : i32 to index
        %swap3A_473 = tpu.vector_load %arg8[%swap3A_470, %swap3A_471, %swap3A_472] {strides = array<i32>} : memref<2x32x128xf32, #tpu.memory_space<vmem>>, vector<16xf32>,
        tpu.vector_store %arg8[%swap3A_470, %swap3A_471, %swap3A_472], %gather3A_348 {strides = array<i32>} : memref<2x32x128xf32, #tpu.memory_space<vmem>>, vector<16xf32>,
        %swap3A_474 = arith.constant 0 : i32
        %swap3A_475 = arith.constant 6 : i32
        %swap3A_476 = arith.index_cast %swap3A_474 : i32 to index
        %swap3A_477 = arith.index_cast %swap3A_475 : i32 to index
        %swap3A_478 = arith.index_cast %mul3A_286 : i32 to index
        %swap3A_479 = tpu.vector_load %arg8[%swap3A_476, %swap3A_477, %swap3A_478] {strides = array<i32>} : memref<2x32x128xf32, #tpu.memory_space<vmem>>, vector<16xf32>,
        tpu.vector_store %arg8[%swap3A_476, %swap3A_477, %swap3A_478], %gather3A_357 {strides = array<i32>} : memref<2x32x128xf32, #tpu.memory_space<vmem>>, vector<16xf32>,
        %swap3A_480 = arith.constant 0 : i32
        %swap3A_481 = arith.constant 7 : i32
        %swap3A_482 = arith.index_cast %swap3A_480 : i32 to index
        %swap3A_483 = arith.index_cast %swap3A_481 : i32 to index
        %swap3A_484 = arith.index_cast %mul3A_286 : i32 to index
        %swap3A_485 = tpu.vector_load %arg8[%swap3A_482, %swap3A_483, %swap3A_484] {strides = array<i32>} : memref<2x32x128xf32, #tpu.memory_space<vmem>>, vector<16xf32>,
        tpu.vector_store %arg8[%swap3A_482, %swap3A_483, %swap3A_484], %gather3A_366 {strides = array<i32>} : memref<2x32x128xf32, #tpu.memory_space<vmem>>, vector<16xf32>,
        %swap3A_486 = arith.constant 0 : i32
        %swap3A_487 = arith.constant 8 : i32
        %swap3A_488 = arith.index_cast %swap3A_486 : i32 to index
        %swap3A_489 = arith.index_cast %swap3A_487 : i32 to index
        %swap3A_490 = arith.index_cast %mul3A_286 : i32 to index
        %swap3A_491 = tpu.vector_load %arg8[%swap3A_488, %swap3A_489, %swap3A_490] {strides = array<i32>} : memref<2x32x128xf32, #tpu.memory_space<vmem>>, vector<16xf32>,
        tpu.vector_store %arg8[%swap3A_488, %swap3A_489, %swap3A_490], %gather3A_375 {strides = array<i32>} : memref<2x32x128xf32, #tpu.memory_space<vmem>>, vector<16xf32>,
        %swap3A_492 = arith.constant 0 : i32
        %swap3A_493 = arith.constant 9 : i32
        %swap3A_494 = arith.index_cast %swap3A_492 : i32 to index
        %swap3A_495 = arith.index_cast %swap3A_493 : i32 to index
        %swap3A_496 = arith.index_cast %mul3A_286 : i32 to index
        %swap3A_497 = tpu.vector_load %arg8[%swap3A_494, %swap3A_495, %swap3A_496] {strides = array<i32>} : memref<2x32x128xf32, #tpu.memory_space<vmem>>, vector<16xf32>,
        tpu.vector_store %arg8[%swap3A_494, %swap3A_495, %swap3A_496], %gather3A_384 {strides = array<i32>} : memref<2x32x128xf32, #tpu.memory_space<vmem>>, vector<16xf32>,
        %swap3A_498 = arith.constant 0 : i32
        %swap3A_499 = arith.constant 10 : i32
        %swap3A_500 = arith.index_cast %swap3A_498 : i32 to index
        %swap3A_501 = arith.index_cast %swap3A_499 : i32 to index
        %swap3A_502 = arith.index_cast %mul3A_286 : i32 to index
        %swap3A_503 = tpu.vector_load %arg8[%swap3A_500, %swap3A_501, %swap3A_502] {strides = array<i32>} : memref<2x32x128xf32, #tpu.memory_space<vmem>>, vector<16xf32>,
        tpu.vector_store %arg8[%swap3A_500, %swap3A_501, %swap3A_502], %gather3A_393 {strides = array<i32>} : memref<2x32x128xf32, #tpu.memory_space<vmem>>, vector<16xf32>,
        %swap3A_504 = arith.constant 0 : i32
        %swap3A_505 = arith.constant 11 : i32
        %swap3A_506 = arith.index_cast %swap3A_504 : i32 to index
        %swap3A_507 = arith.index_cast %swap3A_505 : i32 to index
        %swap3A_508 = arith.index_cast %mul3A_286 : i32 to index
        %swap3A_509 = tpu.vector_load %arg8[%swap3A_506, %swap3A_507, %swap3A_508] {strides = array<i32>} : memref<2x32x128xf32, #tpu.memory_space<vmem>>, vector<16xf32>,
        tpu.vector_store %arg8[%swap3A_506, %swap3A_507, %swap3A_508], %gather3A_402 {strides = array<i32>} : memref<2x32x128xf32, #tpu.memory_space<vmem>>, vector<16xf32>,
        %swap3A_510 = arith.constant 0 : i32
        %swap3A_511 = arith.constant 12 : i32
        %swap3A_512 = arith.index_cast %swap3A_510 : i32 to index
        %swap3A_513 = arith.index_cast %swap3A_511 : i32 to index
        %swap3A_514 = arith.index_cast %mul3A_286 : i32 to index
        %swap3A_515 = tpu.vector_load %arg8[%swap3A_512, %swap3A_513, %swap3A_514] {strides = array<i32>} : memref<2x32x128xf32, #tpu.memory_space<vmem>>, vector<16xf32>,
        tpu.vector_store %arg8[%swap3A_512, %swap3A_513, %swap3A_514], %gather3A_411 {strides = array<i32>} : memref<2x32x128xf32, #tpu.memory_space<vmem>>, vector<16xf32>,
        %swap3A_516 = arith.constant 0 : i32
        %swap3A_517 = arith.constant 13 : i32
        %swap3A_518 = arith.index_cast %swap3A_516 : i32 to index
        %swap3A_519 = arith.index_cast %swap3A_517 : i32 to index
        %swap3A_520 = arith.index_cast %mul3A_286 : i32 to index
        %swap3A_521 = tpu.vector_load %arg8[%swap3A_518, %swap3A_519, %swap3A_520] {strides = array<i32>} : memref<2x32x128xf32, #tpu.memory_space<vmem>>, vector<16xf32>,
        tpu.vector_store %arg8[%swap3A_518, %swap3A_519, %swap3A_520], %gather3A_420 {strides = array<i32>} : memref<2x32x128xf32, #tpu.memory_space<vmem>>, vector<16xf32>,
        %swap3A_522 = arith.constant 0 : i32
        %swap3A_523 = arith.constant 14 : i32
        %swap3A_524 = arith.index_cast %swap3A_522 : i32 to index
        %swap3A_525 = arith.index_cast %swap3A_523 : i32 to index
        %swap3A_526 = arith.index_cast %mul3A_286 : i32 to index
        %swap3A_527 = tpu.vector_load %arg8[%swap3A_524, %swap3A_525, %swap3A_526] {strides = array<i32>} : memref<2x32x128xf32, #tpu.memory_space<vmem>>, vector<16xf32>,
        tpu.vector_store %arg8[%swap3A_524, %swap3A_525, %swap3A_526], %gather3A_429 {strides = array<i32>} : memref<2x32x128xf32, #tpu.memory_space<vmem>>, vector<16xf32>,
        %swap3A_528 = arith.constant 0 : i32
        %swap3A_529 = arith.constant 15 : i32
        %swap3A_530 = arith.index_cast %swap3A_528 : i32 to index
        %swap3A_531 = arith.index_cast %swap3A_529 : i32 to index
        %swap3A_532 = arith.index_cast %mul3A_286 : i32 to index
        %swap3A_533 = tpu.vector_load %arg8[%swap3A_530, %swap3A_531, %swap3A_532] {strides = array<i32>} : memref<2x32x128xf32, #tpu.memory_space<vmem>>, vector<16xf32>,
        tpu.vector_store %arg8[%swap3A_530, %swap3A_531, %swap3A_532], %gather3A_438 {strides = array<i32>} : memref<2x32x128xf32, #tpu.memory_space<vmem>>, vector<16xf32>,
        %add3A_534 = arith.constant 16 : i32
        %add3A_535 = vector.broadcast %add3A_534 : i32 to vector<16xi32>
        %add3A_536 = arith.addi %mul3A_293, %add3A_535 : vector<16xi32>
        %gather3A_537 = arith.constant 0 : i32
        %gather3A_538 = arith.constant 0 : i32
        %gather3A_539 = arith.constant 0 : i32
        %gather3A_540 = tpu.memref_slice %arg7[%gather3A_537, %gather3A_538, %gather3A_539] : memref<4x128x128xf32, #tpu.memory_space<vmem>> -> memref<1x128x128xf32, #tpu.memory_space<vmem>>
        %gather3A_541 = tpu.memref_squeeze %gather3A_540 : memref<1x128x128xf32, #tpu.memory_space<vmem>> -> memref<128x128xf32, #tpu.memory_space<vmem>>
        %gather3A_542 = tpu.vector_load_idx %gather3A_541[%add3A_295, %add3A_536] : memref<128x128xf32, #tpu.memory_space<vmem>>[vector<16xi32>, vector<16xi32>], vector<16xf32>,
        %add3A_543 = arith.constant 17 : i32
        %add3A_544 = vector.broadcast %add3A_543 : i32 to vector<16xi32>
        %add3A_545 = arith.addi %mul3A_293, %add3A_544 : vector<16xi32>
        %gather3A_546 = arith.constant 0 : i32
        %gather3A_547 = arith.constant 0 : i32
        %gather3A_548 = arith.constant 0 : i32
        %gather3A_549 = tpu.memref_slice %arg7[%gather3A_546, %gather3A_547, %gather3A_548] : memref<4x128x128xf32, #tpu.memory_space<vmem>> -> memref<1x128x128xf32, #tpu.memory_space<vmem>>
        %gather3A_550 = tpu.memref_squeeze %gather3A_549 : memref<1x128x128xf32, #tpu.memory_space<vmem>> -> memref<128x128xf32, #tpu.memory_space<vmem>>
        %gather3A_551 = tpu.vector_load_idx %gather3A_550[%add3A_295, %add3A_545] : memref<128x128xf32, #tpu.memory_space<vmem>>[vector<16xi32>, vector<16xi32>], vector<16xf32>,
        %add3A_552 = arith.constant 18 : i32
        %add3A_553 = vector.broadcast %add3A_552 : i32 to vector<16xi32>
        %add3A_554 = arith.addi %mul3A_293, %add3A_553 : vector<16xi32>
        %gather3A_555 = arith.constant 0 : i32
        %gather3A_556 = arith.constant 0 : i32
        %gather3A_557 = arith.constant 0 : i32
        %gather3A_558 = tpu.memref_slice %arg7[%gather3A_555, %gather3A_556, %gather3A_557] : memref<4x128x128xf32, #tpu.memory_space<vmem>> -> memref<1x128x128xf32, #tpu.memory_space<vmem>>
        %gather3A_559 = tpu.memref_squeeze %gather3A_558 : memref<1x128x128xf32, #tpu.memory_space<vmem>> -> memref<128x128xf32, #tpu.memory_space<vmem>>
        %gather3A_560 = tpu.vector_load_idx %gather3A_559[%add3A_295, %add3A_554] : memref<128x128xf32, #tpu.memory_space<vmem>>[vector<16xi32>, vector<16xi32>], vector<16xf32>,
        %add3A_561 = arith.constant 19 : i32
        %add3A_562 = vector.broadcast %add3A_561 : i32 to vector<16xi32>
        %add3A_563 = arith.addi %mul3A_293, %add3A_562 : vector<16xi32>
        %gather3A_564 = arith.constant 0 : i32
        %gather3A_565 = arith.constant 0 : i32
        %gather3A_566 = arith.constant 0 : i32
        %gather3A_567 = tpu.memref_slice %arg7[%gather3A_564, %gather3A_565, %gather3A_566] : memref<4x128x128xf32, #tpu.memory_space<vmem>> -> memref<1x128x128xf32, #tpu.memory_space<vmem>>
        %gather3A_568 = tpu.memref_squeeze %gather3A_567 : memref<1x128x128xf32, #tpu.memory_space<vmem>> -> memref<128x128xf32, #tpu.memory_space<vmem>>
        %gather3A_569 = tpu.vector_load_idx %gather3A_568[%add3A_295, %add3A_563] : memref<128x128xf32, #tpu.memory_space<vmem>>[vector<16xi32>, vector<16xi32>], vector<16xf32>,
        %add3A_570 = arith.constant 20 : i32
        %add3A_571 = vector.broadcast %add3A_570 : i32 to vector<16xi32>
        %add3A_572 = arith.addi %mul3A_293, %add3A_571 : vector<16xi32>
        %gather3A_573 = arith.constant 0 : i32
        %gather3A_574 = arith.constant 0 : i32
        %gather3A_575 = arith.constant 0 : i32
        %gather3A_576 = tpu.memref_slice %arg7[%gather3A_573, %gather3A_574, %gather3A_575] : memref<4x128x128xf32, #tpu.memory_space<vmem>> -> memref<1x128x128xf32, #tpu.memory_space<vmem>>
        %gather3A_577 = tpu.memref_squeeze %gather3A_576 : memref<1x128x128xf32, #tpu.memory_space<vmem>> -> memref<128x128xf32, #tpu.memory_space<vmem>>
        %gather3A_578 = tpu.vector_load_idx %gather3A_577[%add3A_295, %add3A_572] : memref<128x128xf32, #tpu.memory_space<vmem>>[vector<16xi32>, vector<16xi32>], vector<16xf32>,
        %add3A_579 = arith.constant 21 : i32
        %add3A_580 = vector.broadcast %add3A_579 : i32 to vector<16xi32>
        %add3A_581 = arith.addi %mul3A_293, %add3A_580 : vector<16xi32>
        %gather3A_582 = arith.constant 0 : i32
        %gather3A_583 = arith.constant 0 : i32
        %gather3A_584 = arith.constant 0 : i32
        %gather3A_585 = tpu.memref_slice %arg7[%gather3A_582, %gather3A_583, %gather3A_584] : memref<4x128x128xf32, #tpu.memory_space<vmem>> -> memref<1x128x128xf32, #tpu.memory_space<vmem>>
        %gather3A_586 = tpu.memref_squeeze %gather3A_585 : memref<1x128x128xf32, #tpu.memory_space<vmem>> -> memref<128x128xf32, #tpu.memory_space<vmem>>
        %gather3A_587 = tpu.vector_load_idx %gather3A_586[%add3A_295, %add3A_581] : memref<128x128xf32, #tpu.memory_space<vmem>>[vector<16xi32>, vector<16xi32>], vector<16xf32>,
        %add3A_588 = arith.constant 22 : i32
        %add3A_589 = vector.broadcast %add3A_588 : i32 to vector<16xi32>
        %add3A_590 = arith.addi %mul3A_293, %add3A_589 : vector<16xi32>
        %gather3A_591 = arith.constant 0 : i32
        %gather3A_592 = arith.constant 0 : i32
        %gather3A_593 = arith.constant 0 : i32
        %gather3A_594 = tpu.memref_slice %arg7[%gather3A_591, %gather3A_592, %gather3A_593] : memref<4x128x128xf32, #tpu.memory_space<vmem>> -> memref<1x128x128xf32, #tpu.memory_space<vmem>>
        %gather3A_595 = tpu.memref_squeeze %gather3A_594 : memref<1x128x128xf32, #tpu.memory_space<vmem>> -> memref<128x128xf32, #tpu.memory_space<vmem>>
        %gather3A_596 = tpu.vector_load_idx %gather3A_595[%add3A_295, %add3A_590] : memref<128x128xf32, #tpu.memory_space<vmem>>[vector<16xi32>, vector<16xi32>], vector<16xf32>,
        %add3A_597 = arith.constant 23 : i32
        %add3A_598 = vector.broadcast %add3A_597 : i32 to vector<16xi32>
        %add3A_599 = arith.addi %mul3A_293, %add3A_598 : vector<16xi32>
        %gather3A_600 = arith.constant 0 : i32
        %gather3A_601 = arith.constant 0 : i32
        %gather3A_602 = arith.constant 0 : i32
        %gather3A_603 = tpu.memref_slice %arg7[%gather3A_600, %gather3A_601, %gather3A_602] : memref<4x128x128xf32, #tpu.memory_space<vmem>> -> memref<1x128x128xf32, #tpu.memory_space<vmem>>
        %gather3A_604 = tpu.memref_squeeze %gather3A_603 : memref<1x128x128xf32, #tpu.memory_space<vmem>> -> memref<128x128xf32, #tpu.memory_space<vmem>>
        %gather3A_605 = tpu.vector_load_idx %gather3A_604[%add3A_295, %add3A_599] : memref<128x128xf32, #tpu.memory_space<vmem>>[vector<16xi32>, vector<16xi32>], vector<16xf32>,
        %add3A_606 = arith.constant 24 : i32
        %add3A_607 = vector.broadcast %add3A_606 : i32 to vector<16xi32>
        %add3A_608 = arith.addi %mul3A_293, %add3A_607 : vector<16xi32>
        %gather3A_609 = arith.constant 0 : i32
        %gather3A_610 = arith.constant 0 : i32
        %gather3A_611 = arith.constant 0 : i32
        %gather3A_612 = tpu.memref_slice %arg7[%gather3A_609, %gather3A_610, %gather3A_611] : memref<4x128x128xf32, #tpu.memory_space<vmem>> -> memref<1x128x128xf32, #tpu.memory_space<vmem>>
        %gather3A_613 = tpu.memref_squeeze %gather3A_612 : memref<1x128x128xf32, #tpu.memory_space<vmem>> -> memref<128x128xf32, #tpu.memory_space<vmem>>
        %gather3A_614 = tpu.vector_load_idx %gather3A_613[%add3A_295, %add3A_608] : memref<128x128xf32, #tpu.memory_space<vmem>>[vector<16xi32>, vector<16xi32>], vector<16xf32>,
        %add3A_615 = arith.constant 25 : i32
        %add3A_616 = vector.broadcast %add3A_615 : i32 to vector<16xi32>
        %add3A_617 = arith.addi %mul3A_293, %add3A_616 : vector<16xi32>
        %gather3A_618 = arith.constant 0 : i32
        %gather3A_619 = arith.constant 0 : i32
        %gather3A_620 = arith.constant 0 : i32
        %gather3A_621 = tpu.memref_slice %arg7[%gather3A_618, %gather3A_619, %gather3A_620] : memref<4x128x128xf32, #tpu.memory_space<vmem>> -> memref<1x128x128xf32, #tpu.memory_space<vmem>>
        %gather3A_622 = tpu.memref_squeeze %gather3A_621 : memref<1x128x128xf32, #tpu.memory_space<vmem>> -> memref<128x128xf32, #tpu.memory_space<vmem>>
        %gather3A_623 = tpu.vector_load_idx %gather3A_622[%add3A_295, %add3A_617] : memref<128x128xf32, #tpu.memory_space<vmem>>[vector<16xi32>, vector<16xi32>], vector<16xf32>,
        %add3A_624 = arith.constant 26 : i32
        %add3A_625 = vector.broadcast %add3A_624 : i32 to vector<16xi32>
        %add3A_626 = arith.addi %mul3A_293, %add3A_625 : vector<16xi32>
        %gather3A_627 = arith.constant 0 : i32
        %gather3A_628 = arith.constant 0 : i32
        %gather3A_629 = arith.constant 0 : i32
        %gather3A_630 = tpu.memref_slice %arg7[%gather3A_627, %gather3A_628, %gather3A_629] : memref<4x128x128xf32, #tpu.memory_space<vmem>> -> memref<1x128x128xf32, #tpu.memory_space<vmem>>
        %gather3A_631 = tpu.memref_squeeze %gather3A_630 : memref<1x128x128xf32, #tpu.memory_space<vmem>> -> memref<128x128xf32, #tpu.memory_space<vmem>>
        %gather3A_632 = tpu.vector_load_idx %gather3A_631[%add3A_295, %add3A_626] : memref<128x128xf32, #tpu.memory_space<vmem>>[vector<16xi32>, vector<16xi32>], vector<16xf32>,
        %add3A_633 = arith.constant 27 : i32
        %add3A_634 = vector.broadcast %add3A_633 : i32 to vector<16xi32>
        %add3A_635 = arith.addi %mul3A_293, %add3A_634 : vector<16xi32>
        %gather3A_636 = arith.constant 0 : i32
        %gather3A_637 = arith.constant 0 : i32
        %gather3A_638 = arith.constant 0 : i32
        %gather3A_639 = tpu.memref_slice %arg7[%gather3A_636, %gather3A_637, %gather3A_638] : memref<4x128x128xf32, #tpu.memory_space<vmem>> -> memref<1x128x128xf32, #tpu.memory_space<vmem>>
        %gather3A_640 = tpu.memref_squeeze %gather3A_639 : memref<1x128x128xf32, #tpu.memory_space<vmem>> -> memref<128x128xf32, #tpu.memory_space<vmem>>
        %gather3A_641 = tpu.vector_load_idx %gather3A_640[%add3A_295, %add3A_635] : memref<128x128xf32, #tpu.memory_space<vmem>>[vector<16xi32>, vector<16xi32>], vector<16xf32>,
        %add3A_642 = arith.constant 28 : i32
        %add3A_643 = vector.broadcast %add3A_642 : i32 to vector<16xi32>
        %add3A_644 = arith.addi %mul3A_293, %add3A_643 : vector<16xi32>
        %gather3A_645 = arith.constant 0 : i32
        %gather3A_646 = arith.constant 0 : i32
        %gather3A_647 = arith.constant 0 : i32
        %gather3A_648 = tpu.memref_slice %arg7[%gather3A_645, %gather3A_646, %gather3A_647] : memref<4x128x128xf32, #tpu.memory_space<vmem>> -> memref<1x128x128xf32, #tpu.memory_space<vmem>>
        %gather3A_649 = tpu.memref_squeeze %gather3A_648 : memref<1x128x128xf32, #tpu.memory_space<vmem>> -> memref<128x128xf32, #tpu.memory_space<vmem>>
        %gather3A_650 = tpu.vector_load_idx %gather3A_649[%add3A_295, %add3A_644] : memref<128x128xf32, #tpu.memory_space<vmem>>[vector<16xi32>, vector<16xi32>], vector<16xf32>,
        %add3A_651 = arith.constant 29 : i32
        %add3A_652 = vector.broadcast %add3A_651 : i32 to vector<16xi32>
        %add3A_653 = arith.addi %mul3A_293, %add3A_652 : vector<16xi32>
        %gather3A_654 = arith.constant 0 : i32
        %gather3A_655 = arith.constant 0 : i32
        %gather3A_656 = arith.constant 0 : i32
        %gather3A_657 = tpu.memref_slice %arg7[%gather3A_654, %gather3A_655, %gather3A_656] : memref<4x128x128xf32, #tpu.memory_space<vmem>> -> memref<1x128x128xf32, #tpu.memory_space<vmem>>
        %gather3A_658 = tpu.memref_squeeze %gather3A_657 : memref<1x128x128xf32, #tpu.memory_space<vmem>> -> memref<128x128xf32, #tpu.memory_space<vmem>>
        %gather3A_659 = tpu.vector_load_idx %gather3A_658[%add3A_295, %add3A_653] : memref<128x128xf32, #tpu.memory_space<vmem>>[vector<16xi32>, vector<16xi32>], vector<16xf32>,
        %add3A_660 = arith.constant 30 : i32
        %add3A_661 = vector.broadcast %add3A_660 : i32 to vector<16xi32>
        %add3A_662 = arith.addi %mul3A_293, %add3A_661 : vector<16xi32>
        %gather3A_663 = arith.constant 0 : i32
        %gather3A_664 = arith.constant 0 : i32
        %gather3A_665 = arith.constant 0 : i32
        %gather3A_666 = tpu.memref_slice %arg7[%gather3A_663, %gather3A_664, %gather3A_665] : memref<4x128x128xf32, #tpu.memory_space<vmem>> -> memref<1x128x128xf32, #tpu.memory_space<vmem>>
        %gather3A_667 = tpu.memref_squeeze %gather3A_666 : memref<1x128x128xf32, #tpu.memory_space<vmem>> -> memref<128x128xf32, #tpu.memory_space<vmem>>
        %gather3A_668 = tpu.vector_load_idx %gather3A_667[%add3A_295, %add3A_662] : memref<128x128xf32, #tpu.memory_space<vmem>>[vector<16xi32>, vector<16xi32>], vector<16xf32>,
        %add3A_669 = arith.constant 31 : i32
        %add3A_670 = vector.broadcast %add3A_669 : i32 to vector<16xi32>
        %add3A_671 = arith.addi %mul3A_293, %add3A_670 : vector<16xi32>
        %gather3A_672 = arith.constant 0 : i32
        %gather3A_673 = arith.constant 0 : i32
        %gather3A_674 = arith.constant 0 : i32
        %gather3A_675 = tpu.memref_slice %arg7[%gather3A_672, %gather3A_673, %gather3A_674] : memref<4x128x128xf32, #tpu.memory_space<vmem>> -> memref<1x128x128xf32, #tpu.memory_space<vmem>>
        %gather3A_676 = tpu.memref_squeeze %gather3A_675 : memref<1x128x128xf32, #tpu.memory_space<vmem>> -> memref<128x128xf32, #tpu.memory_space<vmem>>
        %gather3A_677 = tpu.vector_load_idx %gather3A_676[%add3A_295, %add3A_671] : memref<128x128xf32, #tpu.memory_space<vmem>>[vector<16xi32>, vector<16xi32>], vector<16xf32>,
        %swap3A_678 = arith.constant 0 : i32
        %swap3A_679 = arith.constant 16 : i32
        %swap3A_680 = arith.index_cast %swap3A_678 : i32 to index
        %swap3A_681 = arith.index_cast %swap3A_679 : i32 to index
        %swap3A_682 = arith.index_cast %mul3A_286 : i32 to index
        %swap3A_683 = tpu.vector_load %arg8[%swap3A_680, %swap3A_681, %swap3A_682] {strides = array<i32>} : memref<2x32x128xf32, #tpu.memory_space<vmem>>, vector<16xf32>,
        tpu.vector_store %arg8[%swap3A_680, %swap3A_681, %swap3A_682], %gather3A_542 {strides = array<i32>} : memref<2x32x128xf32, #tpu.memory_space<vmem>>, vector<16xf32>,
        %swap3A_684 = arith.constant 0 : i32
        %swap3A_685 = arith.constant 17 : i32
        %swap3A_686 = arith.index_cast %swap3A_684 : i32 to index
        %swap3A_687 = arith.index_cast %swap3A_685 : i32 to index
        %swap3A_688 = arith.index_cast %mul3A_286 : i32 to index
        %swap3A_689 = tpu.vector_load %arg8[%swap3A_686, %swap3A_687, %swap3A_688] {strides = array<i32>} : memref<2x32x128xf32, #tpu.memory_space<vmem>>, vector<16xf32>,
        tpu.vector_store %arg8[%swap3A_686, %swap3A_687, %swap3A_688], %gather3A_551 {strides = array<i32>} : memref<2x32x128xf32, #tpu.memory_space<vmem>>, vector<16xf32>,
        %swap3A_690 = arith.constant 0 : i32
        %swap3A_691 = arith.constant 18 : i32
        %swap3A_692 = arith.index_cast %swap3A_690 : i32 to index
        %swap3A_693 = arith.index_cast %swap3A_691 : i32 to index
        %swap3A_694 = arith.index_cast %mul3A_286 : i32 to index
        %swap3A_695 = tpu.vector_load %arg8[%swap3A_692, %swap3A_693, %swap3A_694] {strides = array<i32>} : memref<2x32x128xf32, #tpu.memory_space<vmem>>, vector<16xf32>,
        tpu.vector_store %arg8[%swap3A_692, %swap3A_693, %swap3A_694], %gather3A_560 {strides = array<i32>} : memref<2x32x128xf32, #tpu.memory_space<vmem>>, vector<16xf32>,
        %swap3A_696 = arith.constant 0 : i32
        %swap3A_697 = arith.constant 19 : i32
        %swap3A_698 = arith.index_cast %swap3A_696 : i32 to index
        %swap3A_699 = arith.index_cast %swap3A_697 : i32 to index
        %swap3A_700 = arith.index_cast %mul3A_286 : i32 to index
        %swap3A_701 = tpu.vector_load %arg8[%swap3A_698, %swap3A_699, %swap3A_700] {strides = array<i32>} : memref<2x32x128xf32, #tpu.memory_space<vmem>>, vector<16xf32>,
        tpu.vector_store %arg8[%swap3A_698, %swap3A_699, %swap3A_700], %gather3A_569 {strides = array<i32>} : memref<2x32x128xf32, #tpu.memory_space<vmem>>, vector<16xf32>,
        %swap3A_702 = arith.constant 0 : i32
        %swap3A_703 = arith.constant 20 : i32
        %swap3A_704 = arith.index_cast %swap3A_702 : i32 to index
        %swap3A_705 = arith.index_cast %swap3A_703 : i32 to index
        %swap3A_706 = arith.index_cast %mul3A_286 : i32 to index
        %swap3A_707 = tpu.vector_load %arg8[%swap3A_704, %swap3A_705, %swap3A_706] {strides = array<i32>} : memref<2x32x128xf32, #tpu.memory_space<vmem>>, vector<16xf32>,
        tpu.vector_store %arg8[%swap3A_704, %swap3A_705, %swap3A_706], %gather3A_578 {strides = array<i32>} : memref<2x32x128xf32, #tpu.memory_space<vmem>>, vector<16xf32>,
        %swap3A_708 = arith.constant 0 : i32
        %swap3A_709 = arith.constant 21 : i32
        %swap3A_710 = arith.index_cast %swap3A_708 : i32 to index
        %swap3A_711 = arith.index_cast %swap3A_709 : i32 to index
        %swap3A_712 = arith.index_cast %mul3A_286 : i32 to index
        %swap3A_713 = tpu.vector_load %arg8[%swap3A_710, %swap3A_711, %swap3A_712] {strides = array<i32>} : memref<2x32x128xf32, #tpu.memory_space<vmem>>, vector<16xf32>,
        tpu.vector_store %arg8[%swap3A_710, %swap3A_711, %swap3A_712], %gather3A_587 {strides = array<i32>} : memref<2x32x128xf32, #tpu.memory_space<vmem>>, vector<16xf32>,
        %swap3A_714 = arith.constant 0 : i32
        %swap3A_715 = arith.constant 22 : i32
        %swap3A_716 = arith.index_cast %swap3A_714 : i32 to index
        %swap3A_717 = arith.index_cast %swap3A_715 : i32 to index
        %swap3A_718 = arith.index_cast %mul3A_286 : i32 to index
        %swap3A_719 = tpu.vector_load %arg8[%swap3A_716, %swap3A_717, %swap3A_718] {strides = array<i32>} : memref<2x32x128xf32, #tpu.memory_space<vmem>>, vector<16xf32>,
        tpu.vector_store %arg8[%swap3A_716, %swap3A_717, %swap3A_718], %gather3A_596 {strides = array<i32>} : memref<2x32x128xf32, #tpu.memory_space<vmem>>, vector<16xf32>,
        %swap3A_720 = arith.constant 0 : i32
        %swap3A_721 = arith.constant 23 : i32
        %swap3A_722 = arith.index_cast %swap3A_720 : i32 to index
        %swap3A_723 = arith.index_cast %swap3A_721 : i32 to index
        %swap3A_724 = arith.index_cast %mul3A_286 : i32 to index
        %swap3A_725 = tpu.vector_load %arg8[%swap3A_722, %swap3A_723, %swap3A_724] {strides = array<i32>} : memref<2x32x128xf32, #tpu.memory_space<vmem>>, vector<16xf32>,
        tpu.vector_store %arg8[%swap3A_722, %swap3A_723, %swap3A_724], %gather3A_605 {strides = array<i32>} : memref<2x32x128xf32, #tpu.memory_space<vmem>>, vector<16xf32>,
        %swap3A_726 = arith.constant 0 : i32
        %swap3A_727 = arith.constant 24 : i32
        %swap3A_728 = arith.index_cast %swap3A_726 : i32 to index
        %swap3A_729 = arith.index_cast %swap3A_727 : i32 to index
        %swap3A_730 = arith.index_cast %mul3A_286 : i32 to index
        %swap3A_731 = tpu.vector_load %arg8[%swap3A_728, %swap3A_729, %swap3A_730] {strides = array<i32>} : memref<2x32x128xf32, #tpu.memory_space<vmem>>, vector<16xf32>,
        tpu.vector_store %arg8[%swap3A_728, %swap3A_729, %swap3A_730], %gather3A_614 {strides = array<i32>} : memref<2x32x128xf32, #tpu.memory_space<vmem>>, vector<16xf32>,
        %swap3A_732 = arith.constant 0 : i32
        %swap3A_733 = arith.constant 25 : i32
        %swap3A_734 = arith.index_cast %swap3A_732 : i32 to index
        %swap3A_735 = arith.index_cast %swap3A_733 : i32 to index
        %swap3A_736 = arith.index_cast %mul3A_286 : i32 to index
        %swap3A_737 = tpu.vector_load %arg8[%swap3A_734, %swap3A_735, %swap3A_736] {strides = array<i32>} : memref<2x32x128xf32, #tpu.memory_space<vmem>>, vector<16xf32>,
        tpu.vector_store %arg8[%swap3A_734, %swap3A_735, %swap3A_736], %gather3A_623 {strides = array<i32>} : memref<2x32x128xf32, #tpu.memory_space<vmem>>, vector<16xf32>,
        %swap3A_738 = arith.constant 0 : i32
        %swap3A_739 = arith.constant 26 : i32
        %swap3A_740 = arith.index_cast %swap3A_738 : i32 to index
        %swap3A_741 = arith.index_cast %swap3A_739 : i32 to index
        %swap3A_742 = arith.index_cast %mul3A_286 : i32 to index
        %swap3A_743 = tpu.vector_load %arg8[%swap3A_740, %swap3A_741, %swap3A_742] {strides = array<i32>} : memref<2x32x128xf32, #tpu.memory_space<vmem>>, vector<16xf32>,
        tpu.vector_store %arg8[%swap3A_740, %swap3A_741, %swap3A_742], %gather3A_632 {strides = array<i32>} : memref<2x32x128xf32, #tpu.memory_space<vmem>>, vector<16xf32>,
        %swap3A_744 = arith.constant 0 : i32
        %swap3A_745 = arith.constant 27 : i32
        %swap3A_746 = arith.index_cast %swap3A_744 : i32 to index
        %swap3A_747 = arith.index_cast %swap3A_745 : i32 to index
        %swap3A_748 = arith.index_cast %mul3A_286 : i32 to index
        %swap3A_749 = tpu.vector_load %arg8[%swap3A_746, %swap3A_747, %swap3A_748] {strides = array<i32>} : memref<2x32x128xf32, #tpu.memory_space<vmem>>, vector<16xf32>,
        tpu.vector_store %arg8[%swap3A_746, %swap3A_747, %swap3A_748], %gather3A_641 {strides = array<i32>} : memref<2x32x128xf32, #tpu.memory_space<vmem>>, vector<16xf32>,
        %swap3A_750 = arith.constant 0 : i32
        %swap3A_751 = arith.constant 28 : i32
        %swap3A_752 = arith.index_cast %swap3A_750 : i32 to index
        %swap3A_753 = arith.index_cast %swap3A_751 : i32 to index
        %swap3A_754 = arith.index_cast %mul3A_286 : i32 to index
        %swap3A_755 = tpu.vector_load %arg8[%swap3A_752, %swap3A_753, %swap3A_754] {strides = array<i32>} : memref<2x32x128xf32, #tpu.memory_space<vmem>>, vector<16xf32>,
        tpu.vector_store %arg8[%swap3A_752, %swap3A_753, %swap3A_754], %gather3A_650 {strides = array<i32>} : memref<2x32x128xf32, #tpu.memory_space<vmem>>, vector<16xf32>,
        %swap3A_756 = arith.constant 0 : i32
        %swap3A_757 = arith.constant 29 : i32
        %swap3A_758 = arith.index_cast %swap3A_756 : i32 to index
        %swap3A_759 = arith.index_cast %swap3A_757 : i32 to index
        %swap3A_760 = arith.index_cast %mul3A_286 : i32 to index
        %swap3A_761 = tpu.vector_load %arg8[%swap3A_758, %swap3A_759, %swap3A_760] {strides = array<i32>} : memref<2x32x128xf32, #tpu.memory_space<vmem>>, vector<16xf32>,
        tpu.vector_store %arg8[%swap3A_758, %swap3A_759, %swap3A_760], %gather3A_659 {strides = array<i32>} : memref<2x32x128xf32, #tpu.memory_space<vmem>>, vector<16xf32>,
        %swap3A_762 = arith.constant 0 : i32
        %swap3A_763 = arith.constant 30 : i32
        %swap3A_764 = arith.index_cast %swap3A_762 : i32 to index
        %swap3A_765 = arith.index_cast %swap3A_763 : i32 to index
        %swap3A_766 = arith.index_cast %mul3A_286 : i32 to index
        %swap3A_767 = tpu.vector_load %arg8[%swap3A_764, %swap3A_765, %swap3A_766] {strides = array<i32>} : memref<2x32x128xf32, #tpu.memory_space<vmem>>, vector<16xf32>,
        tpu.vector_store %arg8[%swap3A_764, %swap3A_765, %swap3A_766], %gather3A_668 {strides = array<i32>} : memref<2x32x128xf32, #tpu.memory_space<vmem>>, vector<16xf32>,
        %swap3A_768 = arith.constant 0 : i32
        %swap3A_769 = arith.constant 31 : i32
        %swap3A_770 = arith.index_cast %swap3A_768 : i32 to index
        %swap3A_771 = arith.index_cast %swap3A_769 : i32 to index
        %swap3A_772 = arith.index_cast %mul3A_286 : i32 to index
        %swap3A_773 = tpu.vector_load %arg8[%swap3A_770, %swap3A_771, %swap3A_772] {strides = array<i32>} : memref<2x32x128xf32, #tpu.memory_space<vmem>>, vector<16xf32>,
        tpu.vector_store %arg8[%swap3A_770, %swap3A_771, %swap3A_772], %gather3A_677 {strides = array<i32>} : memref<2x32x128xf32, #tpu.memory_space<vmem>>, vector<16xf32>,
      }
      %scan3A_112 = arith.constant 8 : i32
      %add3A_113 = arith.constant 0 : i32
      %add3A_114 = arith.addi %add3A_113, %add3A_86 : i32
      %dma_start3A_115 = arith.constant 0 : i32
      %dma_start3A_116 = arith.constant 0 : i32
      %dma_start3A_117 = arith.constant 0 : i32
      %dma_start3A_118 = tpu.memref_slice %arg8[%dma_start3A_115, %dma_start3A_116, %dma_start3A_117] : memref<2x32x128xf32, #tpu.memory_space<vmem>> -> memref<1x32x128xf32, #tpu.memory_space<vmem>>
      %dma_start3A_119 = tpu.memref_squeeze %dma_start3A_118 : memref<1x32x128xf32, #tpu.memory_space<vmem>> -> memref<32x128xf32, #tpu.memory_space<vmem>>
      %dma_start3A_120 = arith.constant 0 : i32
      %dma_start3A_121 = tpu.memref_slice %arg4[%add3A_114, %dma_start3A_120, %mul3A_2] : memref<200x32x4096xf32, #tpu.memory_space<hbm>> -> memref<1x32x128xf32, #tpu.memory_space<hbm>>
      %dma_start3A_122 = tpu.memref_squeeze %dma_start3A_121 : memref<1x32x128xf32, #tpu.memory_space<hbm>> -> memref<32x128xf32, #tpu.memory_space<hbm>>
      %dma_start3A_123 = arith.constant 0 : i32
      %dma_start3A_124 = tpu.memref_slice %arg4[%add3A_114, %dma_start3A_123, %mul3A_2] : memref<200x32x4096xf32, #tpu.memory_space<hbm>> -> memref<1x32x128xf32, #tpu.memory_space<hbm>>
      %dma_start3A_125 = tpu.memref_squeeze %dma_start3A_124 : memref<1x32x128xf32, #tpu.memory_space<hbm>> -> memref<32x128xf32, #tpu.memory_space<hbm>>
      %dma_start3A_126 = arith.constant 0 : i32
      %dma_start3A_127 = arith.constant 0 : i32
      %dma_start3A_128 = tpu.memref_slice %arg8[%dma_start3A_115, %dma_start3A_126, %dma_start3A_127] : memref<2x32x128xf32, #tpu.memory_space<vmem>> -> memref<1x32x128xf32, #tpu.memory_space<vmem>>
      %dma_start3A_129 = tpu.memref_squeeze %dma_start3A_128 : memref<1x32x128xf32, #tpu.memory_space<vmem>> -> memref<32x128xf32, #tpu.memory_space<vmem>>
      tpu.enqueue_dma source(%dma_start3A_129 : memref<32x128xf32, #tpu.memory_space<vmem>>) target(%dma_start3A_125 : memref<32x128xf32, #tpu.memory_space<hbm>>) target_semaphore(%arg13 : memref<!tpu.dma_semaphore, #tpu.memory_space<semaphore_mem>>)
      %add3A_130 = arith.constant 1 : i32
      %add3A_131 = arith.addi %mul3A_84, %add3A_130 : i32
      %add3A_132 = arith.constant 3 : i32
      %add3A_133 = arith.addi %add3A_131, %add3A_132 : i32
      %lt3A_134 = arith.constant 200 : i32
      %lt3A_135 = arith.cmpi slt, %add3A_133, %lt3A_134 : i32
      %convert_element_type3A_136 = arith.extui %lt3A_135 : i1 to i32
      %cond3A_137 = arith.constant 0 : i32
      %cond3A_138 = arith.cmpi ne, %convert_element_type3A_136, %cond3A_137 : i32
      scf.if %cond3A_138 {
        %add3A_280 = arith.constant 3 : i32
        %add3A_281 = arith.addi %add3A_131, %add3A_280 : i32
        %dma_start3A_282 = arith.constant 0 : i32
        %dma_start3A_283 = arith.constant 0 : i32
        %dma_start3A_284 = arith.constant 0 : i32
        %dma_start3A_285 = tpu.memref_slice %arg7[%dma_start3A_282, %dma_start3A_283, %dma_start3A_284] : memref<4x128x128xf32, #tpu.memory_space<vmem>> -> memref<1x128x128xf32, #tpu.memory_space<vmem>>
        %dma_start3A_286 = tpu.memref_squeeze %dma_start3A_285 : memref<1x128x128xf32, #tpu.memory_space<vmem>> -> memref<128x128xf32, #tpu.memory_space<vmem>>
        %dma_start3A_287 = arith.constant 0 : i32
        %dma_start3A_288 = tpu.memref_slice %arg6[%add3A_281, %dma_start3A_287] : memref<200x128xi32, #tpu.memory_space<vmem>> -> memref<1x128xi32, #tpu.memory_space<vmem>>
        %dma_start3A_289 = tpu.memref_squeeze %dma_start3A_288 : memref<1x128xi32, #tpu.memory_space<vmem>> -> memref<128xi32, #tpu.memory_space<vmem>>
        %dma_start3A_290 = arith.constant 0 : i32
        %dma_start3A_291 = arith.constant 0 : i32
        %dma_start3A_292 = tpu.memref_slice %arg2[%dma_start3A_290, %dma_start3A_291] : memref<250000x128xf32, #tpu.memory_space<hbm>> -> memref<250000x128xf32, #tpu.memory_space<hbm>>
        tpu.enqueue_indirect_dma source(%dma_start3A_292 : memref<250000x128xf32, #tpu.memory_space<hbm>>) target(%dma_start3A_286 : memref<128x128xf32, #tpu.memory_space<vmem>>) offsets(%dma_start3A_289 : memref<128xi32, #tpu.memory_space<vmem>>) semaphore(%arg9 : memref<!tpu.dma_semaphore, #tpu.memory_space<semaphore_mem>>)
      } else {
      }
      %dma_wait3A_139 = arith.constant 0 : i32
      %dma_wait3A_140 = arith.constant 1 : i32
      %dma_wait3A_141 = arith.constant 0 : i32
      %dma_wait3A_142 = arith.constant 0 : i32
      %dma_wait3A_143 = tpu.memref_slice %arg7[%dma_wait3A_140, %dma_wait3A_141, %dma_wait3A_142] : memref<4x128x128xf32, #tpu.memory_space<vmem>> -> memref<1x128x128xf32, #tpu.memory_space<vmem>>
      %dma_wait3A_144 = tpu.memref_squeeze %dma_wait3A_143 : memref<1x128x128xf32, #tpu.memory_space<vmem>> -> memref<128x128xf32, #tpu.memory_space<vmem>>
      %dma_wait3A_145 = arith.constant 0 : i32
      %dma_wait3A_146 = tpu.memref_slice %arg6[%dma_wait3A_139, %dma_wait3A_145] : memref<200x128xi32, #tpu.memory_space<vmem>> -> memref<1x128xi32, #tpu.memory_space<vmem>>
      %dma_wait3A_147 = tpu.memref_squeeze %dma_wait3A_146 : memref<1x128xi32, #tpu.memory_space<vmem>> -> memref<128xi32, #tpu.memory_space<vmem>>
      %dma_wait3A_148 = arith.constant 0 : i32
      %dma_wait3A_149 = arith.constant 0 : i32
      %dma_wait3A_150 = tpu.memref_slice %arg2[%dma_wait3A_148, %dma_wait3A_149] : memref<250000x128xf32, #tpu.memory_space<hbm>> -> memref<250000x128xf32, #tpu.memory_space<hbm>>
      tpu.wait_indirect_dma semaphore(%arg10 : memref<!tpu.dma_semaphore, #tpu.memory_space<semaphore_mem>>) src(%dma_wait3A_150 : memref<250000x128xf32, #tpu.memory_space<hbm>>) dst(%dma_wait3A_144 : memref<128x128xf32, #tpu.memory_space<vmem>>)
      %ge3A_151 = arith.constant 2 : i32
      %ge3A_152 = arith.cmpi sge, %add3A_131, %ge3A_151 : i32
      %or3A_153 = arith.constant false
      %or3A_154 = arith.ori %or3A_153, %ge3A_152 : i1
      %convert_element_type3A_155 = arith.extui %or3A_154 : i1 to i32
      %cond3A_156 = arith.constant 0 : i32
      %cond3A_157 = arith.cmpi ne, %convert_element_type3A_155, %cond3A_156 : i32
      scf.if %cond3A_157 {
        %dma_wait3A_280 = arith.constant 1 : i32
        %dma_wait3A_281 = arith.constant 0 : i32
        %dma_wait3A_282 = arith.constant 0 : i32
        %dma_wait3A_283 = arith.constant 0 : i32
        %dma_wait3A_284 = tpu.memref_slice %arg8[%dma_wait3A_280, %dma_wait3A_282, %dma_wait3A_283] : memref<2x32x128xf32, #tpu.memory_space<vmem>> -> memref<1x32x128xf32, #tpu.memory_space<vmem>>
        %dma_wait3A_285 = tpu.memref_squeeze %dma_wait3A_284 : memref<1x32x128xf32, #tpu.memory_space<vmem>> -> memref<32x128xf32, #tpu.memory_space<vmem>>
        %dma_wait3A_286 = arith.constant 0 : i32
        %dma_wait3A_287 = tpu.memref_slice %arg4[%dma_wait3A_281, %dma_wait3A_286, %mul3A_2] : memref<200x32x4096xf32, #tpu.memory_space<hbm>> -> memref<1x32x128xf32, #tpu.memory_space<hbm>>
        %dma_wait3A_288 = tpu.memref_squeeze %dma_wait3A_287 : memref<1x32x128xf32, #tpu.memory_space<hbm>> -> memref<32x128xf32, #tpu.memory_space<hbm>>
        %dma_wait3A_289 = arith.constant 0 : i32
        %dma_wait3A_290 = tpu.memref_slice %arg4[%dma_wait3A_281, %dma_wait3A_289, %mul3A_2] : memref<200x32x4096xf32, #tpu.memory_space<hbm>> -> memref<1x32x128xf32, #tpu.memory_space<hbm>>
        %dma_wait3A_291 = tpu.memref_squeeze %dma_wait3A_290 : memref<1x32x128xf32, #tpu.memory_space<hbm>> -> memref<32x128xf32, #tpu.memory_space<hbm>>
        %dma_wait3A_292 = arith.constant 0 : i32
        %dma_wait3A_293 = arith.constant 0 : i32
        %dma_wait3A_294 = tpu.memref_slice %arg8[%dma_wait3A_280, %dma_wait3A_292, %dma_wait3A_293] : memref<2x32x128xf32, #tpu.memory_space<vmem>> -> memref<1x32x128xf32, #tpu.memory_space<vmem>>
        %dma_wait3A_295 = tpu.memref_squeeze %dma_wait3A_294 : memref<1x32x128xf32, #tpu.memory_space<vmem>> -> memref<32x128xf32, #tpu.memory_space<vmem>>
        tpu.wait_dma2 semaphore(%arg14 : memref<!tpu.dma_semaphore, #tpu.memory_space<semaphore_mem>>) src(%dma_wait3A_295 : memref<32x128xf32, #tpu.memory_space<vmem>>) dst(%dma_wait3A_291 : memref<32x128xf32, #tpu.memory_space<hbm>>)
      } else {
      }
      %scan3A_158 = arith.constant 0 : i32
      %scan3A_159 = arith.constant 8 : i32
      %scan3A_160 = arith.addi %scan3A_158, %scan3A_159 : i32
      %scan3A_161 = arith.constant 1 : i32
      scf.for %scan3A_280 = %scan3A_158 to %scan3A_160 step %scan3A_161  : i32 {
        %mul3A_281 = arith.constant 1 : i32
        %mul3A_282 = arith.muli %scan3A_280, %mul3A_281 : i32
        %add3A_283 = arith.constant 0 : i32
        %add3A_284 = arith.addi %add3A_283, %mul3A_282 : i32
        %mul3A_285 = arith.constant 16 : i32
        %mul3A_286 = arith.muli %add3A_284, %mul3A_285 : i32
        %get3A = arith.index_cast %add3A_131 : i32 to index
        %get3A_287 = arith.index_cast %mul3A_286 : i32 to index
        %get3A_288 = tpu.vector_load %arg5[%get3A, %get3A_287] {strides = array<i32>} : memref<200x128xi32, #tpu.memory_space<vmem>>, vector<16xi32>,
        %and3A = arith.constant 3 : i32
        %and3A_289 = vector.broadcast %and3A : i32 to vector<16xi32>
        %and3A_290 = arith.andi %get3A_288, %and3A_289 : vector<16xi32>
        %mul3A_291 = arith.constant 32 : i32
        %mul3A_292 = vector.broadcast %mul3A_291 : i32 to vector<16xi32>
        %mul3A_293 = arith.muli %and3A_290, %mul3A_292 : vector<16xi32>
        %add3A_294 = vector.broadcast %mul3A_286 : i32 to vector<16xi32>
        %add3A_295 = arith.addi %iota3A, %add3A_294 : vector<16xi32>
        %add3A_296 = arith.constant 0 : i32
        %add3A_297 = vector.broadcast %add3A_296 : i32 to vector<16xi32>
        %add3A_298 = arith.addi %mul3A_293, %add3A_297 : vector<16xi32>
        %gather3A = arith.constant 1 : i32
        %gather3A_299 = arith.constant 0 : i32
        %gather3A_300 = arith.constant 0 : i32
        %gather3A_301 = tpu.memref_slice %arg7[%gather3A, %gather3A_299, %gather3A_300] : memref<4x128x128xf32, #tpu.memory_space<vmem>> -> memref<1x128x128xf32, #tpu.memory_space<vmem>>
        %gather3A_302 = tpu.memref_squeeze %gather3A_301 : memref<1x128x128xf32, #tpu.memory_space<vmem>> -> memref<128x128xf32, #tpu.memory_space<vmem>>
        %gather3A_303 = tpu.vector_load_idx %gather3A_302[%add3A_295, %add3A_298] : memref<128x128xf32, #tpu.memory_space<vmem>>[vector<16xi32>, vector<16xi32>], vector<16xf32>,
        %add3A_304 = arith.constant 1 : i32
        %add3A_305 = vector.broadcast %add3A_304 : i32 to vector<16xi32>
        %add3A_306 = arith.addi %mul3A_293, %add3A_305 : vector<16xi32>
        %gather3A_307 = arith.constant 1 : i32
        %gather3A_308 = arith.constant 0 : i32
        %gather3A_309 = arith.constant 0 : i32
        %gather3A_310 = tpu.memref_slice %arg7[%gather3A_307, %gather3A_308, %gather3A_309] : memref<4x128x128xf32, #tpu.memory_space<vmem>> -> memref<1x128x128xf32, #tpu.memory_space<vmem>>
        %gather3A_311 = tpu.memref_squeeze %gather3A_310 : memref<1x128x128xf32, #tpu.memory_space<vmem>> -> memref<128x128xf32, #tpu.memory_space<vmem>>
        %gather3A_312 = tpu.vector_load_idx %gather3A_311[%add3A_295, %add3A_306] : memref<128x128xf32, #tpu.memory_space<vmem>>[vector<16xi32>, vector<16xi32>], vector<16xf32>,
        %add3A_313 = arith.constant 2 : i32
        %add3A_314 = vector.broadcast %add3A_313 : i32 to vector<16xi32>
        %add3A_315 = arith.addi %mul3A_293, %add3A_314 : vector<16xi32>
        %gather3A_316 = arith.constant 1 : i32
        %gather3A_317 = arith.constant 0 : i32
        %gather3A_318 = arith.constant 0 : i32
        %gather3A_319 = tpu.memref_slice %arg7[%gather3A_316, %gather3A_317, %gather3A_318] : memref<4x128x128xf32, #tpu.memory_space<vmem>> -> memref<1x128x128xf32, #tpu.memory_space<vmem>>
        %gather3A_320 = tpu.memref_squeeze %gather3A_319 : memref<1x128x128xf32, #tpu.memory_space<vmem>> -> memref<128x128xf32, #tpu.memory_space<vmem>>
        %gather3A_321 = tpu.vector_load_idx %gather3A_320[%add3A_295, %add3A_315] : memref<128x128xf32, #tpu.memory_space<vmem>>[vector<16xi32>, vector<16xi32>], vector<16xf32>,
        %add3A_322 = arith.constant 3 : i32
        %add3A_323 = vector.broadcast %add3A_322 : i32 to vector<16xi32>
        %add3A_324 = arith.addi %mul3A_293, %add3A_323 : vector<16xi32>
        %gather3A_325 = arith.constant 1 : i32
        %gather3A_326 = arith.constant 0 : i32
        %gather3A_327 = arith.constant 0 : i32
        %gather3A_328 = tpu.memref_slice %arg7[%gather3A_325, %gather3A_326, %gather3A_327] : memref<4x128x128xf32, #tpu.memory_space<vmem>> -> memref<1x128x128xf32, #tpu.memory_space<vmem>>
        %gather3A_329 = tpu.memref_squeeze %gather3A_328 : memref<1x128x128xf32, #tpu.memory_space<vmem>> -> memref<128x128xf32, #tpu.memory_space<vmem>>
        %gather3A_330 = tpu.vector_load_idx %gather3A_329[%add3A_295, %add3A_324] : memref<128x128xf32, #tpu.memory_space<vmem>>[vector<16xi32>, vector<16xi32>], vector<16xf32>,
        %add3A_331 = arith.constant 4 : i32
        %add3A_332 = vector.broadcast %add3A_331 : i32 to vector<16xi32>
        %add3A_333 = arith.addi %mul3A_293, %add3A_332 : vector<16xi32>
        %gather3A_334 = arith.constant 1 : i32
        %gather3A_335 = arith.constant 0 : i32
        %gather3A_336 = arith.constant 0 : i32
        %gather3A_337 = tpu.memref_slice %arg7[%gather3A_334, %gather3A_335, %gather3A_336] : memref<4x128x128xf32, #tpu.memory_space<vmem>> -> memref<1x128x128xf32, #tpu.memory_space<vmem>>
        %gather3A_338 = tpu.memref_squeeze %gather3A_337 : memref<1x128x128xf32, #tpu.memory_space<vmem>> -> memref<128x128xf32, #tpu.memory_space<vmem>>
        %gather3A_339 = tpu.vector_load_idx %gather3A_338[%add3A_295, %add3A_333] : memref<128x128xf32, #tpu.memory_space<vmem>>[vector<16xi32>, vector<16xi32>], vector<16xf32>,
        %add3A_340 = arith.constant 5 : i32
        %add3A_341 = vector.broadcast %add3A_340 : i32 to vector<16xi32>
        %add3A_342 = arith.addi %mul3A_293, %add3A_341 : vector<16xi32>
        %gather3A_343 = arith.constant 1 : i32
        %gather3A_344 = arith.constant 0 : i32
        %gather3A_345 = arith.constant 0 : i32
        %gather3A_346 = tpu.memref_slice %arg7[%gather3A_343, %gather3A_344, %gather3A_345] : memref<4x128x128xf32, #tpu.memory_space<vmem>> -> memref<1x128x128xf32, #tpu.memory_space<vmem>>
        %gather3A_347 = tpu.memref_squeeze %gather3A_346 : memref<1x128x128xf32, #tpu.memory_space<vmem>> -> memref<128x128xf32, #tpu.memory_space<vmem>>
        %gather3A_348 = tpu.vector_load_idx %gather3A_347[%add3A_295, %add3A_342] : memref<128x128xf32, #tpu.memory_space<vmem>>[vector<16xi32>, vector<16xi32>], vector<16xf32>,
        %add3A_349 = arith.constant 6 : i32
        %add3A_350 = vector.broadcast %add3A_349 : i32 to vector<16xi32>
        %add3A_351 = arith.addi %mul3A_293, %add3A_350 : vector<16xi32>
        %gather3A_352 = arith.constant 1 : i32
        %gather3A_353 = arith.constant 0 : i32
        %gather3A_354 = arith.constant 0 : i32
        %gather3A_355 = tpu.memref_slice %arg7[%gather3A_352, %gather3A_353, %gather3A_354] : memref<4x128x128xf32, #tpu.memory_space<vmem>> -> memref<1x128x128xf32, #tpu.memory_space<vmem>>
        %gather3A_356 = tpu.memref_squeeze %gather3A_355 : memref<1x128x128xf32, #tpu.memory_space<vmem>> -> memref<128x128xf32, #tpu.memory_space<vmem>>
        %gather3A_357 = tpu.vector_load_idx %gather3A_356[%add3A_295, %add3A_351] : memref<128x128xf32, #tpu.memory_space<vmem>>[vector<16xi32>, vector<16xi32>], vector<16xf32>,
        %add3A_358 = arith.constant 7 : i32
        %add3A_359 = vector.broadcast %add3A_358 : i32 to vector<16xi32>
        %add3A_360 = arith.addi %mul3A_293, %add3A_359 : vector<16xi32>
        %gather3A_361 = arith.constant 1 : i32
        %gather3A_362 = arith.constant 0 : i32
        %gather3A_363 = arith.constant 0 : i32
        %gather3A_364 = tpu.memref_slice %arg7[%gather3A_361, %gather3A_362, %gather3A_363] : memref<4x128x128xf32, #tpu.memory_space<vmem>> -> memref<1x128x128xf32, #tpu.memory_space<vmem>>
        %gather3A_365 = tpu.memref_squeeze %gather3A_364 : memref<1x128x128xf32, #tpu.memory_space<vmem>> -> memref<128x128xf32, #tpu.memory_space<vmem>>
        %gather3A_366 = tpu.vector_load_idx %gather3A_365[%add3A_295, %add3A_360] : memref<128x128xf32, #tpu.memory_space<vmem>>[vector<16xi32>, vector<16xi32>], vector<16xf32>,
        %add3A_367 = arith.constant 8 : i32
        %add3A_368 = vector.broadcast %add3A_367 : i32 to vector<16xi32>
        %add3A_369 = arith.addi %mul3A_293, %add3A_368 : vector<16xi32>
        %gather3A_370 = arith.constant 1 : i32
        %gather3A_371 = arith.constant 0 : i32
        %gather3A_372 = arith.constant 0 : i32
        %gather3A_373 = tpu.memref_slice %arg7[%gather3A_370, %gather3A_371, %gather3A_372] : memref<4x128x128xf32, #tpu.memory_space<vmem>> -> memref<1x128x128xf32, #tpu.memory_space<vmem>>
        %gather3A_374 = tpu.memref_squeeze %gather3A_373 : memref<1x128x128xf32, #tpu.memory_space<vmem>> -> memref<128x128xf32, #tpu.memory_space<vmem>>
        %gather3A_375 = tpu.vector_load_idx %gather3A_374[%add3A_295, %add3A_369] : memref<128x128xf32, #tpu.memory_space<vmem>>[vector<16xi32>, vector<16xi32>], vector<16xf32>,
        %add3A_376 = arith.constant 9 : i32
        %add3A_377 = vector.broadcast %add3A_376 : i32 to vector<16xi32>
        %add3A_378 = arith.addi %mul3A_293, %add3A_377 : vector<16xi32>
        %gather3A_379 = arith.constant 1 : i32
        %gather3A_380 = arith.constant 0 : i32
        %gather3A_381 = arith.constant 0 : i32
        %gather3A_382 = tpu.memref_slice %arg7[%gather3A_379, %gather3A_380, %gather3A_381] : memref<4x128x128xf32, #tpu.memory_space<vmem>> -> memref<1x128x128xf32, #tpu.memory_space<vmem>>
        %gather3A_383 = tpu.memref_squeeze %gather3A_382 : memref<1x128x128xf32, #tpu.memory_space<vmem>> -> memref<128x128xf32, #tpu.memory_space<vmem>>
        %gather3A_384 = tpu.vector_load_idx %gather3A_383[%add3A_295, %add3A_378] : memref<128x128xf32, #tpu.memory_space<vmem>>[vector<16xi32>, vector<16xi32>], vector<16xf32>,
        %add3A_385 = arith.constant 10 : i32
        %add3A_386 = vector.broadcast %add3A_385 : i32 to vector<16xi32>
        %add3A_387 = arith.addi %mul3A_293, %add3A_386 : vector<16xi32>
        %gather3A_388 = arith.constant 1 : i32
        %gather3A_389 = arith.constant 0 : i32
        %gather3A_390 = arith.constant 0 : i32
        %gather3A_391 = tpu.memref_slice %arg7[%gather3A_388, %gather3A_389, %gather3A_390] : memref<4x128x128xf32, #tpu.memory_space<vmem>> -> memref<1x128x128xf32, #tpu.memory_space<vmem>>
        %gather3A_392 = tpu.memref_squeeze %gather3A_391 : memref<1x128x128xf32, #tpu.memory_space<vmem>> -> memref<128x128xf32, #tpu.memory_space<vmem>>
        %gather3A_393 = tpu.vector_load_idx %gather3A_392[%add3A_295, %add3A_387] : memref<128x128xf32, #tpu.memory_space<vmem>>[vector<16xi32>, vector<16xi32>], vector<16xf32>,
        %add3A_394 = arith.constant 11 : i32
        %add3A_395 = vector.broadcast %add3A_394 : i32 to vector<16xi32>
        %add3A_396 = arith.addi %mul3A_293, %add3A_395 : vector<16xi32>
        %gather3A_397 = arith.constant 1 : i32
        %gather3A_398 = arith.constant 0 : i32
        %gather3A_399 = arith.constant 0 : i32
        %gather3A_400 = tpu.memref_slice %arg7[%gather3A_397, %gather3A_398, %gather3A_399] : memref<4x128x128xf32, #tpu.memory_space<vmem>> -> memref<1x128x128xf32, #tpu.memory_space<vmem>>
        %gather3A_401 = tpu.memref_squeeze %gather3A_400 : memref<1x128x128xf32, #tpu.memory_space<vmem>> -> memref<128x128xf32, #tpu.memory_space<vmem>>
        %gather3A_402 = tpu.vector_load_idx %gather3A_401[%add3A_295, %add3A_396] : memref<128x128xf32, #tpu.memory_space<vmem>>[vector<16xi32>, vector<16xi32>], vector<16xf32>,
        %add3A_403 = arith.constant 12 : i32
        %add3A_404 = vector.broadcast %add3A_403 : i32 to vector<16xi32>
        %add3A_405 = arith.addi %mul3A_293, %add3A_404 : vector<16xi32>
        %gather3A_406 = arith.constant 1 : i32
        %gather3A_407 = arith.constant 0 : i32
        %gather3A_408 = arith.constant 0 : i32
        %gather3A_409 = tpu.memref_slice %arg7[%gather3A_406, %gather3A_407, %gather3A_408] : memref<4x128x128xf32, #tpu.memory_space<vmem>> -> memref<1x128x128xf32, #tpu.memory_space<vmem>>
        %gather3A_410 = tpu.memref_squeeze %gather3A_409 : memref<1x128x128xf32, #tpu.memory_space<vmem>> -> memref<128x128xf32, #tpu.memory_space<vmem>>
        %gather3A_411 = tpu.vector_load_idx %gather3A_410[%add3A_295, %add3A_405] : memref<128x128xf32, #tpu.memory_space<vmem>>[vector<16xi32>, vector<16xi32>], vector<16xf32>,
        %add3A_412 = arith.constant 13 : i32
        %add3A_413 = vector.broadcast %add3A_412 : i32 to vector<16xi32>
        %add3A_414 = arith.addi %mul3A_293, %add3A_413 : vector<16xi32>
        %gather3A_415 = arith.constant 1 : i32
        %gather3A_416 = arith.constant 0 : i32
        %gather3A_417 = arith.constant 0 : i32
        %gather3A_418 = tpu.memref_slice %arg7[%gather3A_415, %gather3A_416, %gather3A_417] : memref<4x128x128xf32, #tpu.memory_space<vmem>> -> memref<1x128x128xf32, #tpu.memory_space<vmem>>
        %gather3A_419 = tpu.memref_squeeze %gather3A_418 : memref<1x128x128xf32, #tpu.memory_space<vmem>> -> memref<128x128xf32, #tpu.memory_space<vmem>>
        %gather3A_420 = tpu.vector_load_idx %gather3A_419[%add3A_295, %add3A_414] : memref<128x128xf32, #tpu.memory_space<vmem>>[vector<16xi32>, vector<16xi32>], vector<16xf32>,
        %add3A_421 = arith.constant 14 : i32
        %add3A_422 = vector.broadcast %add3A_421 : i32 to vector<16xi32>
        %add3A_423 = arith.addi %mul3A_293, %add3A_422 : vector<16xi32>
        %gather3A_424 = arith.constant 1 : i32
        %gather3A_425 = arith.constant 0 : i32
        %gather3A_426 = arith.constant 0 : i32
        %gather3A_427 = tpu.memref_slice %arg7[%gather3A_424, %gather3A_425, %gather3A_426] : memref<4x128x128xf32, #tpu.memory_space<vmem>> -> memref<1x128x128xf32, #tpu.memory_space<vmem>>
        %gather3A_428 = tpu.memref_squeeze %gather3A_427 : memref<1x128x128xf32, #tpu.memory_space<vmem>> -> memref<128x128xf32, #tpu.memory_space<vmem>>
        %gather3A_429 = tpu.vector_load_idx %gather3A_428[%add3A_295, %add3A_423] : memref<128x128xf32, #tpu.memory_space<vmem>>[vector<16xi32>, vector<16xi32>], vector<16xf32>,
        %add3A_430 = arith.constant 15 : i32
        %add3A_431 = vector.broadcast %add3A_430 : i32 to vector<16xi32>
        %add3A_432 = arith.addi %mul3A_293, %add3A_431 : vector<16xi32>
        %gather3A_433 = arith.constant 1 : i32
        %gather3A_434 = arith.constant 0 : i32
        %gather3A_435 = arith.constant 0 : i32
        %gather3A_436 = tpu.memref_slice %arg7[%gather3A_433, %gather3A_434, %gather3A_435] : memref<4x128x128xf32, #tpu.memory_space<vmem>> -> memref<1x128x128xf32, #tpu.memory_space<vmem>>
        %gather3A_437 = tpu.memref_squeeze %gather3A_436 : memref<1x128x128xf32, #tpu.memory_space<vmem>> -> memref<128x128xf32, #tpu.memory_space<vmem>>
        %gather3A_438 = tpu.vector_load_idx %gather3A_437[%add3A_295, %add3A_432] : memref<128x128xf32, #tpu.memory_space<vmem>>[vector<16xi32>, vector<16xi32>], vector<16xf32>,
        %swap3A = arith.constant 1 : i32
        %swap3A_439 = arith.constant 0 : i32
        %swap3A_440 = arith.index_cast %swap3A : i32 to index
        %swap3A_441 = arith.index_cast %swap3A_439 : i32 to index
        %swap3A_442 = arith.index_cast %mul3A_286 : i32 to index
        %swap3A_443 = tpu.vector_load %arg8[%swap3A_440, %swap3A_441, %swap3A_442] {strides = array<i32>} : memref<2x32x128xf32, #tpu.memory_space<vmem>>, vector<16xf32>,
        tpu.vector_store %arg8[%swap3A_440, %swap3A_441, %swap3A_442], %gather3A_303 {strides = array<i32>} : memref<2x32x128xf32, #tpu.memory_space<vmem>>, vector<16xf32>,
        %swap3A_444 = arith.constant 1 : i32
        %swap3A_445 = arith.constant 1 : i32
        %swap3A_446 = arith.index_cast %swap3A_444 : i32 to index
        %swap3A_447 = arith.index_cast %swap3A_445 : i32 to index
        %swap3A_448 = arith.index_cast %mul3A_286 : i32 to index
        %swap3A_449 = tpu.vector_load %arg8[%swap3A_446, %swap3A_447, %swap3A_448] {strides = array<i32>} : memref<2x32x128xf32, #tpu.memory_space<vmem>>, vector<16xf32>,
        tpu.vector_store %arg8[%swap3A_446, %swap3A_447, %swap3A_448], %gather3A_312 {strides = array<i32>} : memref<2x32x128xf32, #tpu.memory_space<vmem>>, vector<16xf32>,
        %swap3A_450 = arith.constant 1 : i32
        %swap3A_451 = arith.constant 2 : i32
        %swap3A_452 = arith.index_cast %swap3A_450 : i32 to index
        %swap3A_453 = arith.index_cast %swap3A_451 : i32 to index
        %swap3A_454 = arith.index_cast %mul3A_286 : i32 to index
        %swap3A_455 = tpu.vector_load %arg8[%swap3A_452, %swap3A_453, %swap3A_454] {strides = array<i32>} : memref<2x32x128xf32, #tpu.memory_space<vmem>>, vector<16xf32>,
        tpu.vector_store %arg8[%swap3A_452, %swap3A_453, %swap3A_454], %gather3A_321 {strides = array<i32>} : memref<2x32x128xf32, #tpu.memory_space<vmem>>, vector<16xf32>,
        %swap3A_456 = arith.constant 1 : i32
        %swap3A_457 = arith.constant 3 : i32
        %swap3A_458 = arith.index_cast %swap3A_456 : i32 to index
        %swap3A_459 = arith.index_cast %swap3A_457 : i32 to index
        %swap3A_460 = arith.index_cast %mul3A_286 : i32 to index
        %swap3A_461 = tpu.vector_load %arg8[%swap3A_458, %swap3A_459, %swap3A_460] {strides = array<i32>} : memref<2x32x128xf32, #tpu.memory_space<vmem>>, vector<16xf32>,
        tpu.vector_store %arg8[%swap3A_458, %swap3A_459, %swap3A_460], %gather3A_330 {strides = array<i32>} : memref<2x32x128xf32, #tpu.memory_space<vmem>>, vector<16xf32>,
        %swap3A_462 = arith.constant 1 : i32
        %swap3A_463 = arith.constant 4 : i32
        %swap3A_464 = arith.index_cast %swap3A_462 : i32 to index
        %swap3A_465 = arith.index_cast %swap3A_463 : i32 to index
        %swap3A_466 = arith.index_cast %mul3A_286 : i32 to index
        %swap3A_467 = tpu.vector_load %arg8[%swap3A_464, %swap3A_465, %swap3A_466] {strides = array<i32>} : memref<2x32x128xf32, #tpu.memory_space<vmem>>, vector<16xf32>,
        tpu.vector_store %arg8[%swap3A_464, %swap3A_465, %swap3A_466], %gather3A_339 {strides = array<i32>} : memref<2x32x128xf32, #tpu.memory_space<vmem>>, vector<16xf32>,
        %swap3A_468 = arith.constant 1 : i32
        %swap3A_469 = arith.constant 5 : i32
        %swap3A_470 = arith.index_cast %swap3A_468 : i32 to index
        %swap3A_471 = arith.index_cast %swap3A_469 : i32 to index
        %swap3A_472 = arith.index_cast %mul3A_286 : i32 to index
        %swap3A_473 = tpu.vector_load %arg8[%swap3A_470, %swap3A_471, %swap3A_472] {strides = array<i32>} : memref<2x32x128xf32, #tpu.memory_space<vmem>>, vector<16xf32>,
        tpu.vector_store %arg8[%swap3A_470, %swap3A_471, %swap3A_472], %gather3A_348 {strides = array<i32>} : memref<2x32x128xf32, #tpu.memory_space<vmem>>, vector<16xf32>,
        %swap3A_474 = arith.constant 1 : i32
        %swap3A_475 = arith.constant 6 : i32
        %swap3A_476 = arith.index_cast %swap3A_474 : i32 to index
        %swap3A_477 = arith.index_cast %swap3A_475 : i32 to index
        %swap3A_478 = arith.index_cast %mul3A_286 : i32 to index
        %swap3A_479 = tpu.vector_load %arg8[%swap3A_476, %swap3A_477, %swap3A_478] {strides = array<i32>} : memref<2x32x128xf32, #tpu.memory_space<vmem>>, vector<16xf32>,
        tpu.vector_store %arg8[%swap3A_476, %swap3A_477, %swap3A_478], %gather3A_357 {strides = array<i32>} : memref<2x32x128xf32, #tpu.memory_space<vmem>>, vector<16xf32>,
        %swap3A_480 = arith.constant 1 : i32
        %swap3A_481 = arith.constant 7 : i32
        %swap3A_482 = arith.index_cast %swap3A_480 : i32 to index
        %swap3A_483 = arith.index_cast %swap3A_481 : i32 to index
        %swap3A_484 = arith.index_cast %mul3A_286 : i32 to index
        %swap3A_485 = tpu.vector_load %arg8[%swap3A_482, %swap3A_483, %swap3A_484] {strides = array<i32>} : memref<2x32x128xf32, #tpu.memory_space<vmem>>, vector<16xf32>,
        tpu.vector_store %arg8[%swap3A_482, %swap3A_483, %swap3A_484], %gather3A_366 {strides = array<i32>} : memref<2x32x128xf32, #tpu.memory_space<vmem>>, vector<16xf32>,
        %swap3A_486 = arith.constant 1 : i32
        %swap3A_487 = arith.constant 8 : i32
        %swap3A_488 = arith.index_cast %swap3A_486 : i32 to index
        %swap3A_489 = arith.index_cast %swap3A_487 : i32 to index
        %swap3A_490 = arith.index_cast %mul3A_286 : i32 to index
        %swap3A_491 = tpu.vector_load %arg8[%swap3A_488, %swap3A_489, %swap3A_490] {strides = array<i32>} : memref<2x32x128xf32, #tpu.memory_space<vmem>>, vector<16xf32>,
        tpu.vector_store %arg8[%swap3A_488, %swap3A_489, %swap3A_490], %gather3A_375 {strides = array<i32>} : memref<2x32x128xf32, #tpu.memory_space<vmem>>, vector<16xf32>,
        %swap3A_492 = arith.constant 1 : i32
        %swap3A_493 = arith.constant 9 : i32
        %swap3A_494 = arith.index_cast %swap3A_492 : i32 to index
        %swap3A_495 = arith.index_cast %swap3A_493 : i32 to index
        %swap3A_496 = arith.index_cast %mul3A_286 : i32 to index
        %swap3A_497 = tpu.vector_load %arg8[%swap3A_494, %swap3A_495, %swap3A_496] {strides = array<i32>} : memref<2x32x128xf32, #tpu.memory_space<vmem>>, vector<16xf32>,
        tpu.vector_store %arg8[%swap3A_494, %swap3A_495, %swap3A_496], %gather3A_384 {strides = array<i32>} : memref<2x32x128xf32, #tpu.memory_space<vmem>>, vector<16xf32>,
        %swap3A_498 = arith.constant 1 : i32
        %swap3A_499 = arith.constant 10 : i32
        %swap3A_500 = arith.index_cast %swap3A_498 : i32 to index
        %swap3A_501 = arith.index_cast %swap3A_499 : i32 to index
        %swap3A_502 = arith.index_cast %mul3A_286 : i32 to index
        %swap3A_503 = tpu.vector_load %arg8[%swap3A_500, %swap3A_501, %swap3A_502] {strides = array<i32>} : memref<2x32x128xf32, #tpu.memory_space<vmem>>, vector<16xf32>,
        tpu.vector_store %arg8[%swap3A_500, %swap3A_501, %swap3A_502], %gather3A_393 {strides = array<i32>} : memref<2x32x128xf32, #tpu.memory_space<vmem>>, vector<16xf32>,
        %swap3A_504 = arith.constant 1 : i32
        %swap3A_505 = arith.constant 11 : i32
        %swap3A_506 = arith.index_cast %swap3A_504 : i32 to index
        %swap3A_507 = arith.index_cast %swap3A_505 : i32 to index
        %swap3A_508 = arith.index_cast %mul3A_286 : i32 to index
        %swap3A_509 = tpu.vector_load %arg8[%swap3A_506, %swap3A_507, %swap3A_508] {strides = array<i32>} : memref<2x32x128xf32, #tpu.memory_space<vmem>>, vector<16xf32>,
        tpu.vector_store %arg8[%swap3A_506, %swap3A_507, %swap3A_508], %gather3A_402 {strides = array<i32>} : memref<2x32x128xf32, #tpu.memory_space<vmem>>, vector<16xf32>,
        %swap3A_510 = arith.constant 1 : i32
        %swap3A_511 = arith.constant 12 : i32
        %swap3A_512 = arith.index_cast %swap3A_510 : i32 to index
        %swap3A_513 = arith.index_cast %swap3A_511 : i32 to index
        %swap3A_514 = arith.index_cast %mul3A_286 : i32 to index
        %swap3A_515 = tpu.vector_load %arg8[%swap3A_512, %swap3A_513, %swap3A_514] {strides = array<i32>} : memref<2x32x128xf32, #tpu.memory_space<vmem>>, vector<16xf32>,
        tpu.vector_store %arg8[%swap3A_512, %swap3A_513, %swap3A_514], %gather3A_411 {strides = array<i32>} : memref<2x32x128xf32, #tpu.memory_space<vmem>>, vector<16xf32>,
        %swap3A_516 = arith.constant 1 : i32
        %swap3A_517 = arith.constant 13 : i32
        %swap3A_518 = arith.index_cast %swap3A_516 : i32 to index
        %swap3A_519 = arith.index_cast %swap3A_517 : i32 to index
        %swap3A_520 = arith.index_cast %mul3A_286 : i32 to index
        %swap3A_521 = tpu.vector_load %arg8[%swap3A_518, %swap3A_519, %swap3A_520] {strides = array<i32>} : memref<2x32x128xf32, #tpu.memory_space<vmem>>, vector<16xf32>,
        tpu.vector_store %arg8[%swap3A_518, %swap3A_519, %swap3A_520], %gather3A_420 {strides = array<i32>} : memref<2x32x128xf32, #tpu.memory_space<vmem>>, vector<16xf32>,
        %swap3A_522 = arith.constant 1 : i32
        %swap3A_523 = arith.constant 14 : i32
        %swap3A_524 = arith.index_cast %swap3A_522 : i32 to index
        %swap3A_525 = arith.index_cast %swap3A_523 : i32 to index
        %swap3A_526 = arith.index_cast %mul3A_286 : i32 to index
        %swap3A_527 = tpu.vector_load %arg8[%swap3A_524, %swap3A_525, %swap3A_526] {strides = array<i32>} : memref<2x32x128xf32, #tpu.memory_space<vmem>>, vector<16xf32>,
        tpu.vector_store %arg8[%swap3A_524, %swap3A_525, %swap3A_526], %gather3A_429 {strides = array<i32>} : memref<2x32x128xf32, #tpu.memory_space<vmem>>, vector<16xf32>,
        %swap3A_528 = arith.constant 1 : i32
        %swap3A_529 = arith.constant 15 : i32
        %swap3A_530 = arith.index_cast %swap3A_528 : i32 to index
        %swap3A_531 = arith.index_cast %swap3A_529 : i32 to index
        %swap3A_532 = arith.index_cast %mul3A_286 : i32 to index
        %swap3A_533 = tpu.vector_load %arg8[%swap3A_530, %swap3A_531, %swap3A_532] {strides = array<i32>} : memref<2x32x128xf32, #tpu.memory_space<vmem>>, vector<16xf32>,
        tpu.vector_store %arg8[%swap3A_530, %swap3A_531, %swap3A_532], %gather3A_438 {strides = array<i32>} : memref<2x32x128xf32, #tpu.memory_space<vmem>>, vector<16xf32>,
        %add3A_534 = arith.constant 16 : i32
        %add3A_535 = vector.broadcast %add3A_534 : i32 to vector<16xi32>
        %add3A_536 = arith.addi %mul3A_293, %add3A_535 : vector<16xi32>
        %gather3A_537 = arith.constant 1 : i32
        %gather3A_538 = arith.constant 0 : i32
        %gather3A_539 = arith.constant 0 : i32
        %gather3A_540 = tpu.memref_slice %arg7[%gather3A_537, %gather3A_538, %gather3A_539] : memref<4x128x128xf32, #tpu.memory_space<vmem>> -> memref<1x128x128xf32, #tpu.memory_space<vmem>>
        %gather3A_541 = tpu.memref_squeeze %gather3A_540 : memref<1x128x128xf32, #tpu.memory_space<vmem>> -> memref<128x128xf32, #tpu.memory_space<vmem>>
        %gather3A_542 = tpu.vector_load_idx %gather3A_541[%add3A_295, %add3A_536] : memref<128x128xf32, #tpu.memory_space<vmem>>[vector<16xi32>, vector<16xi32>], vector<16xf32>,
        %add3A_543 = arith.constant 17 : i32
        %add3A_544 = vector.broadcast %add3A_543 : i32 to vector<16xi32>
        %add3A_545 = arith.addi %mul3A_293, %add3A_544 : vector<16xi32>
        %gather3A_546 = arith.constant 1 : i32
        %gather3A_547 = arith.constant 0 : i32
        %gather3A_548 = arith.constant 0 : i32
        %gather3A_549 = tpu.memref_slice %arg7[%gather3A_546, %gather3A_547, %gather3A_548] : memref<4x128x128xf32, #tpu.memory_space<vmem>> -> memref<1x128x128xf32, #tpu.memory_space<vmem>>
        %gather3A_550 = tpu.memref_squeeze %gather3A_549 : memref<1x128x128xf32, #tpu.memory_space<vmem>> -> memref<128x128xf32, #tpu.memory_space<vmem>>
        %gather3A_551 = tpu.vector_load_idx %gather3A_550[%add3A_295, %add3A_545] : memref<128x128xf32, #tpu.memory_space<vmem>>[vector<16xi32>, vector<16xi32>], vector<16xf32>,
        %add3A_552 = arith.constant 18 : i32
        %add3A_553 = vector.broadcast %add3A_552 : i32 to vector<16xi32>
        %add3A_554 = arith.addi %mul3A_293, %add3A_553 : vector<16xi32>
        %gather3A_555 = arith.constant 1 : i32
        %gather3A_556 = arith.constant 0 : i32
        %gather3A_557 = arith.constant 0 : i32
        %gather3A_558 = tpu.memref_slice %arg7[%gather3A_555, %gather3A_556, %gather3A_557] : memref<4x128x128xf32, #tpu.memory_space<vmem>> -> memref<1x128x128xf32, #tpu.memory_space<vmem>>
        %gather3A_559 = tpu.memref_squeeze %gather3A_558 : memref<1x128x128xf32, #tpu.memory_space<vmem>> -> memref<128x128xf32, #tpu.memory_space<vmem>>
        %gather3A_560 = tpu.vector_load_idx %gather3A_559[%add3A_295, %add3A_554] : memref<128x128xf32, #tpu.memory_space<vmem>>[vector<16xi32>, vector<16xi32>], vector<16xf32>,
        %add3A_561 = arith.constant 19 : i32
        %add3A_562 = vector.broadcast %add3A_561 : i32 to vector<16xi32>
        %add3A_563 = arith.addi %mul3A_293, %add3A_562 : vector<16xi32>
        %gather3A_564 = arith.constant 1 : i32
        %gather3A_565 = arith.constant 0 : i32
        %gather3A_566 = arith.constant 0 : i32
        %gather3A_567 = tpu.memref_slice %arg7[%gather3A_564, %gather3A_565, %gather3A_566] : memref<4x128x128xf32, #tpu.memory_space<vmem>> -> memref<1x128x128xf32, #tpu.memory_space<vmem>>
        %gather3A_568 = tpu.memref_squeeze %gather3A_567 : memref<1x128x128xf32, #tpu.memory_space<vmem>> -> memref<128x128xf32, #tpu.memory_space<vmem>>
        %gather3A_569 = tpu.vector_load_idx %gather3A_568[%add3A_295, %add3A_563] : memref<128x128xf32, #tpu.memory_space<vmem>>[vector<16xi32>, vector<16xi32>], vector<16xf32>,
        %add3A_570 = arith.constant 20 : i32
        %add3A_571 = vector.broadcast %add3A_570 : i32 to vector<16xi32>
        %add3A_572 = arith.addi %mul3A_293, %add3A_571 : vector<16xi32>
        %gather3A_573 = arith.constant 1 : i32
        %gather3A_574 = arith.constant 0 : i32
        %gather3A_575 = arith.constant 0 : i32
        %gather3A_576 = tpu.memref_slice %arg7[%gather3A_573, %gather3A_574, %gather3A_575] : memref<4x128x128xf32, #tpu.memory_space<vmem>> -> memref<1x128x128xf32, #tpu.memory_space<vmem>>
        %gather3A_577 = tpu.memref_squeeze %gather3A_576 : memref<1x128x128xf32, #tpu.memory_space<vmem>> -> memref<128x128xf32, #tpu.memory_space<vmem>>
        %gather3A_578 = tpu.vector_load_idx %gather3A_577[%add3A_295, %add3A_572] : memref<128x128xf32, #tpu.memory_space<vmem>>[vector<16xi32>, vector<16xi32>], vector<16xf32>,
        %add3A_579 = arith.constant 21 : i32
        %add3A_580 = vector.broadcast %add3A_579 : i32 to vector<16xi32>
        %add3A_581 = arith.addi %mul3A_293, %add3A_580 : vector<16xi32>
        %gather3A_582 = arith.constant 1 : i32
        %gather3A_583 = arith.constant 0 : i32
        %gather3A_584 = arith.constant 0 : i32
        %gather3A_585 = tpu.memref_slice %arg7[%gather3A_582, %gather3A_583, %gather3A_584] : memref<4x128x128xf32, #tpu.memory_space<vmem>> -> memref<1x128x128xf32, #tpu.memory_space<vmem>>
        %gather3A_586 = tpu.memref_squeeze %gather3A_585 : memref<1x128x128xf32, #tpu.memory_space<vmem>> -> memref<128x128xf32, #tpu.memory_space<vmem>>
        %gather3A_587 = tpu.vector_load_idx %gather3A_586[%add3A_295, %add3A_581] : memref<128x128xf32, #tpu.memory_space<vmem>>[vector<16xi32>, vector<16xi32>], vector<16xf32>,
        %add3A_588 = arith.constant 22 : i32
        %add3A_589 = vector.broadcast %add3A_588 : i32 to vector<16xi32>
        %add3A_590 = arith.addi %mul3A_293, %add3A_589 : vector<16xi32>
        %gather3A_591 = arith.constant 1 : i32
        %gather3A_592 = arith.constant 0 : i32
        %gather3A_593 = arith.constant 0 : i32
        %gather3A_594 = tpu.memref_slice %arg7[%gather3A_591, %gather3A_592, %gather3A_593] : memref<4x128x128xf32, #tpu.memory_space<vmem>> -> memref<1x128x128xf32, #tpu.memory_space<vmem>>
        %gather3A_595 = tpu.memref_squeeze %gather3A_594 : memref<1x128x128xf32, #tpu.memory_space<vmem>> -> memref<128x128xf32, #tpu.memory_space<vmem>>
        %gather3A_596 = tpu.vector_load_idx %gather3A_595[%add3A_295, %add3A_590] : memref<128x128xf32, #tpu.memory_space<vmem>>[vector<16xi32>, vector<16xi32>], vector<16xf32>,
        %add3A_597 = arith.constant 23 : i32
        %add3A_598 = vector.broadcast %add3A_597 : i32 to vector<16xi32>
        %add3A_599 = arith.addi %mul3A_293, %add3A_598 : vector<16xi32>
        %gather3A_600 = arith.constant 1 : i32
        %gather3A_601 = arith.constant 0 : i32
        %gather3A_602 = arith.constant 0 : i32
        %gather3A_603 = tpu.memref_slice %arg7[%gather3A_600, %gather3A_601, %gather3A_602] : memref<4x128x128xf32, #tpu.memory_space<vmem>> -> memref<1x128x128xf32, #tpu.memory_space<vmem>>
        %gather3A_604 = tpu.memref_squeeze %gather3A_603 : memref<1x128x128xf32, #tpu.memory_space<vmem>> -> memref<128x128xf32, #tpu.memory_space<vmem>>
        %gather3A_605 = tpu.vector_load_idx %gather3A_604[%add3A_295, %add3A_599] : memref<128x128xf32, #tpu.memory_space<vmem>>[vector<16xi32>, vector<16xi32>], vector<16xf32>,
        %add3A_606 = arith.constant 24 : i32
        %add3A_607 = vector.broadcast %add3A_606 : i32 to vector<16xi32>
        %add3A_608 = arith.addi %mul3A_293, %add3A_607 : vector<16xi32>
        %gather3A_609 = arith.constant 1 : i32
        %gather3A_610 = arith.constant 0 : i32
        %gather3A_611 = arith.constant 0 : i32
        %gather3A_612 = tpu.memref_slice %arg7[%gather3A_609, %gather3A_610, %gather3A_611] : memref<4x128x128xf32, #tpu.memory_space<vmem>> -> memref<1x128x128xf32, #tpu.memory_space<vmem>>
        %gather3A_613 = tpu.memref_squeeze %gather3A_612 : memref<1x128x128xf32, #tpu.memory_space<vmem>> -> memref<128x128xf32, #tpu.memory_space<vmem>>
        %gather3A_614 = tpu.vector_load_idx %gather3A_613[%add3A_295, %add3A_608] : memref<128x128xf32, #tpu.memory_space<vmem>>[vector<16xi32>, vector<16xi32>], vector<16xf32>,
        %add3A_615 = arith.constant 25 : i32
        %add3A_616 = vector.broadcast %add3A_615 : i32 to vector<16xi32>
        %add3A_617 = arith.addi %mul3A_293, %add3A_616 : vector<16xi32>
        %gather3A_618 = arith.constant 1 : i32
        %gather3A_619 = arith.constant 0 : i32
        %gather3A_620 = arith.constant 0 : i32
        %gather3A_621 = tpu.memref_slice %arg7[%gather3A_618, %gather3A_619, %gather3A_620] : memref<4x128x128xf32, #tpu.memory_space<vmem>> -> memref<1x128x128xf32, #tpu.memory_space<vmem>>
        %gather3A_622 = tpu.memref_squeeze %gather3A_621 : memref<1x128x128xf32, #tpu.memory_space<vmem>> -> memref<128x128xf32, #tpu.memory_space<vmem>>
        %gather3A_623 = tpu.vector_load_idx %gather3A_622[%add3A_295, %add3A_617] : memref<128x128xf32, #tpu.memory_space<vmem>>[vector<16xi32>, vector<16xi32>], vector<16xf32>,
        %add3A_624 = arith.constant 26 : i32
        %add3A_625 = vector.broadcast %add3A_624 : i32 to vector<16xi32>
        %add3A_626 = arith.addi %mul3A_293, %add3A_625 : vector<16xi32>
        %gather3A_627 = arith.constant 1 : i32
        %gather3A_628 = arith.constant 0 : i32
        %gather3A_629 = arith.constant 0 : i32
        %gather3A_630 = tpu.memref_slice %arg7[%gather3A_627, %gather3A_628, %gather3A_629] : memref<4x128x128xf32, #tpu.memory_space<vmem>> -> memref<1x128x128xf32, #tpu.memory_space<vmem>>
        %gather3A_631 = tpu.memref_squeeze %gather3A_630 : memref<1x128x128xf32, #tpu.memory_space<vmem>> -> memref<128x128xf32, #tpu.memory_space<vmem>>
        %gather3A_632 = tpu.vector_load_idx %gather3A_631[%add3A_295, %add3A_626] : memref<128x128xf32, #tpu.memory_space<vmem>>[vector<16xi32>, vector<16xi32>], vector<16xf32>,
        %add3A_633 = arith.constant 27 : i32
        %add3A_634 = vector.broadcast %add3A_633 : i32 to vector<16xi32>
        %add3A_635 = arith.addi %mul3A_293, %add3A_634 : vector<16xi32>
        %gather3A_636 = arith.constant 1 : i32
        %gather3A_637 = arith.constant 0 : i32
        %gather3A_638 = arith.constant 0 : i32
        %gather3A_639 = tpu.memref_slice %arg7[%gather3A_636, %gather3A_637, %gather3A_638] : memref<4x128x128xf32, #tpu.memory_space<vmem>> -> memref<1x128x128xf32, #tpu.memory_space<vmem>>
        %gather3A_640 = tpu.memref_squeeze %gather3A_639 : memref<1x128x128xf32, #tpu.memory_space<vmem>> -> memref<128x128xf32, #tpu.memory_space<vmem>>
        %gather3A_641 = tpu.vector_load_idx %gather3A_640[%add3A_295, %add3A_635] : memref<128x128xf32, #tpu.memory_space<vmem>>[vector<16xi32>, vector<16xi32>], vector<16xf32>,
        %add3A_642 = arith.constant 28 : i32
        %add3A_643 = vector.broadcast %add3A_642 : i32 to vector<16xi32>
        %add3A_644 = arith.addi %mul3A_293, %add3A_643 : vector<16xi32>
        %gather3A_645 = arith.constant 1 : i32
        %gather3A_646 = arith.constant 0 : i32
        %gather3A_647 = arith.constant 0 : i32
        %gather3A_648 = tpu.memref_slice %arg7[%gather3A_645, %gather3A_646, %gather3A_647] : memref<4x128x128xf32, #tpu.memory_space<vmem>> -> memref<1x128x128xf32, #tpu.memory_space<vmem>>
        %gather3A_649 = tpu.memref_squeeze %gather3A_648 : memref<1x128x128xf32, #tpu.memory_space<vmem>> -> memref<128x128xf32, #tpu.memory_space<vmem>>
        %gather3A_650 = tpu.vector_load_idx %gather3A_649[%add3A_295, %add3A_644] : memref<128x128xf32, #tpu.memory_space<vmem>>[vector<16xi32>, vector<16xi32>], vector<16xf32>,
        %add3A_651 = arith.constant 29 : i32
        %add3A_652 = vector.broadcast %add3A_651 : i32 to vector<16xi32>
        %add3A_653 = arith.addi %mul3A_293, %add3A_652 : vector<16xi32>
        %gather3A_654 = arith.constant 1 : i32
        %gather3A_655 = arith.constant 0 : i32
        %gather3A_656 = arith.constant 0 : i32
        %gather3A_657 = tpu.memref_slice %arg7[%gather3A_654, %gather3A_655, %gather3A_656] : memref<4x128x128xf32, #tpu.memory_space<vmem>> -> memref<1x128x128xf32, #tpu.memory_space<vmem>>
        %gather3A_658 = tpu.memref_squeeze %gather3A_657 : memref<1x128x128xf32, #tpu.memory_space<vmem>> -> memref<128x128xf32, #tpu.memory_space<vmem>>
        %gather3A_659 = tpu.vector_load_idx %gather3A_658[%add3A_295, %add3A_653] : memref<128x128xf32, #tpu.memory_space<vmem>>[vector<16xi32>, vector<16xi32>], vector<16xf32>,
        %add3A_660 = arith.constant 30 : i32
        %add3A_661 = vector.broadcast %add3A_660 : i32 to vector<16xi32>
        %add3A_662 = arith.addi %mul3A_293, %add3A_661 : vector<16xi32>
        %gather3A_663 = arith.constant 1 : i32
        %gather3A_664 = arith.constant 0 : i32
        %gather3A_665 = arith.constant 0 : i32
        %gather3A_666 = tpu.memref_slice %arg7[%gather3A_663, %gather3A_664, %gather3A_665] : memref<4x128x128xf32, #tpu.memory_space<vmem>> -> memref<1x128x128xf32, #tpu.memory_space<vmem>>
        %gather3A_667 = tpu.memref_squeeze %gather3A_666 : memref<1x128x128xf32, #tpu.memory_space<vmem>> -> memref<128x128xf32, #tpu.memory_space<vmem>>
        %gather3A_668 = tpu.vector_load_idx %gather3A_667[%add3A_295, %add3A_662] : memref<128x128xf32, #tpu.memory_space<vmem>>[vector<16xi32>, vector<16xi32>], vector<16xf32>,
        %add3A_669 = arith.constant 31 : i32
        %add3A_670 = vector.broadcast %add3A_669 : i32 to vector<16xi32>
        %add3A_671 = arith.addi %mul3A_293, %add3A_670 : vector<16xi32>
        %gather3A_672 = arith.constant 1 : i32
        %gather3A_673 = arith.constant 0 : i32
        %gather3A_674 = arith.constant 0 : i32
        %gather3A_675 = tpu.memref_slice %arg7[%gather3A_672, %gather3A_673, %gather3A_674] : memref<4x128x128xf32, #tpu.memory_space<vmem>> -> memref<1x128x128xf32, #tpu.memory_space<vmem>>
        %gather3A_676 = tpu.memref_squeeze %gather3A_675 : memref<1x128x128xf32, #tpu.memory_space<vmem>> -> memref<128x128xf32, #tpu.memory_space<vmem>>
        %gather3A_677 = tpu.vector_load_idx %gather3A_676[%add3A_295, %add3A_671] : memref<128x128xf32, #tpu.memory_space<vmem>>[vector<16xi32>, vector<16xi32>], vector<16xf32>,
        %swap3A_678 = arith.constant 1 : i32
        %swap3A_679 = arith.constant 16 : i32
        %swap3A_680 = arith.index_cast %swap3A_678 : i32 to index
        %swap3A_681 = arith.index_cast %swap3A_679 : i32 to index
        %swap3A_682 = arith.index_cast %mul3A_286 : i32 to index
        %swap3A_683 = tpu.vector_load %arg8[%swap3A_680, %swap3A_681, %swap3A_682] {strides = array<i32>} : memref<2x32x128xf32, #tpu.memory_space<vmem>>, vector<16xf32>,
        tpu.vector_store %arg8[%swap3A_680, %swap3A_681, %swap3A_682], %gather3A_542 {strides = array<i32>} : memref<2x32x128xf32, #tpu.memory_space<vmem>>, vector<16xf32>,
        %swap3A_684 = arith.constant 1 : i32
        %swap3A_685 = arith.constant 17 : i32
        %swap3A_686 = arith.index_cast %swap3A_684 : i32 to index
        %swap3A_687 = arith.index_cast %swap3A_685 : i32 to index
        %swap3A_688 = arith.index_cast %mul3A_286 : i32 to index
        %swap3A_689 = tpu.vector_load %arg8[%swap3A_686, %swap3A_687, %swap3A_688] {strides = array<i32>} : memref<2x32x128xf32, #tpu.memory_space<vmem>>, vector<16xf32>,
        tpu.vector_store %arg8[%swap3A_686, %swap3A_687, %swap3A_688], %gather3A_551 {strides = array<i32>} : memref<2x32x128xf32, #tpu.memory_space<vmem>>, vector<16xf32>,
        %swap3A_690 = arith.constant 1 : i32
        %swap3A_691 = arith.constant 18 : i32
        %swap3A_692 = arith.index_cast %swap3A_690 : i32 to index
        %swap3A_693 = arith.index_cast %swap3A_691 : i32 to index
        %swap3A_694 = arith.index_cast %mul3A_286 : i32 to index
        %swap3A_695 = tpu.vector_load %arg8[%swap3A_692, %swap3A_693, %swap3A_694] {strides = array<i32>} : memref<2x32x128xf32, #tpu.memory_space<vmem>>, vector<16xf32>,
        tpu.vector_store %arg8[%swap3A_692, %swap3A_693, %swap3A_694], %gather3A_560 {strides = array<i32>} : memref<2x32x128xf32, #tpu.memory_space<vmem>>, vector<16xf32>,
        %swap3A_696 = arith.constant 1 : i32
        %swap3A_697 = arith.constant 19 : i32
        %swap3A_698 = arith.index_cast %swap3A_696 : i32 to index
        %swap3A_699 = arith.index_cast %swap3A_697 : i32 to index
        %swap3A_700 = arith.index_cast %mul3A_286 : i32 to index
        %swap3A_701 = tpu.vector_load %arg8[%swap3A_698, %swap3A_699, %swap3A_700] {strides = array<i32>} : memref<2x32x128xf32, #tpu.memory_space<vmem>>, vector<16xf32>,
        tpu.vector_store %arg8[%swap3A_698, %swap3A_699, %swap3A_700], %gather3A_569 {strides = array<i32>} : memref<2x32x128xf32, #tpu.memory_space<vmem>>, vector<16xf32>,
        %swap3A_702 = arith.constant 1 : i32
        %swap3A_703 = arith.constant 20 : i32
        %swap3A_704 = arith.index_cast %swap3A_702 : i32 to index
        %swap3A_705 = arith.index_cast %swap3A_703 : i32 to index
        %swap3A_706 = arith.index_cast %mul3A_286 : i32 to index
        %swap3A_707 = tpu.vector_load %arg8[%swap3A_704, %swap3A_705, %swap3A_706] {strides = array<i32>} : memref<2x32x128xf32, #tpu.memory_space<vmem>>, vector<16xf32>,
        tpu.vector_store %arg8[%swap3A_704, %swap3A_705, %swap3A_706], %gather3A_578 {strides = array<i32>} : memref<2x32x128xf32, #tpu.memory_space<vmem>>, vector<16xf32>,
        %swap3A_708 = arith.constant 1 : i32
        %swap3A_709 = arith.constant 21 : i32
        %swap3A_710 = arith.index_cast %swap3A_708 : i32 to index
        %swap3A_711 = arith.index_cast %swap3A_709 : i32 to index
        %swap3A_712 = arith.index_cast %mul3A_286 : i32 to index
        %swap3A_713 = tpu.vector_load %arg8[%swap3A_710, %swap3A_711, %swap3A_712] {strides = array<i32>} : memref<2x32x128xf32, #tpu.memory_space<vmem>>, vector<16xf32>,
        tpu.vector_store %arg8[%swap3A_710, %swap3A_711, %swap3A_712], %gather3A_587 {strides = array<i32>} : memref<2x32x128xf32, #tpu.memory_space<vmem>>, vector<16xf32>,
        %swap3A_714 = arith.constant 1 : i32
        %swap3A_715 = arith.constant 22 : i32
        %swap3A_716 = arith.index_cast %swap3A_714 : i32 to index
        %swap3A_717 = arith.index_cast %swap3A_715 : i32 to index
        %swap3A_718 = arith.index_cast %mul3A_286 : i32 to index
        %swap3A_719 = tpu.vector_load %arg8[%swap3A_716, %swap3A_717, %swap3A_718] {strides = array<i32>} : memref<2x32x128xf32, #tpu.memory_space<vmem>>, vector<16xf32>,
        tpu.vector_store %arg8[%swap3A_716, %swap3A_717, %swap3A_718], %gather3A_596 {strides = array<i32>} : memref<2x32x128xf32, #tpu.memory_space<vmem>>, vector<16xf32>,
        %swap3A_720 = arith.constant 1 : i32
        %swap3A_721 = arith.constant 23 : i32
        %swap3A_722 = arith.index_cast %swap3A_720 : i32 to index
        %swap3A_723 = arith.index_cast %swap3A_721 : i32 to index
        %swap3A_724 = arith.index_cast %mul3A_286 : i32 to index
        %swap3A_725 = tpu.vector_load %arg8[%swap3A_722, %swap3A_723, %swap3A_724] {strides = array<i32>} : memref<2x32x128xf32, #tpu.memory_space<vmem>>, vector<16xf32>,
        tpu.vector_store %arg8[%swap3A_722, %swap3A_723, %swap3A_724], %gather3A_605 {strides = array<i32>} : memref<2x32x128xf32, #tpu.memory_space<vmem>>, vector<16xf32>,
        %swap3A_726 = arith.constant 1 : i32
        %swap3A_727 = arith.constant 24 : i32
        %swap3A_728 = arith.index_cast %swap3A_726 : i32 to index
        %swap3A_729 = arith.index_cast %swap3A_727 : i32 to index
        %swap3A_730 = arith.index_cast %mul3A_286 : i32 to index
        %swap3A_731 = tpu.vector_load %arg8[%swap3A_728, %swap3A_729, %swap3A_730] {strides = array<i32>} : memref<2x32x128xf32, #tpu.memory_space<vmem>>, vector<16xf32>,
        tpu.vector_store %arg8[%swap3A_728, %swap3A_729, %swap3A_730], %gather3A_614 {strides = array<i32>} : memref<2x32x128xf32, #tpu.memory_space<vmem>>, vector<16xf32>,
        %swap3A_732 = arith.constant 1 : i32
        %swap3A_733 = arith.constant 25 : i32
        %swap3A_734 = arith.index_cast %swap3A_732 : i32 to index
        %swap3A_735 = arith.index_cast %swap3A_733 : i32 to index
        %swap3A_736 = arith.index_cast %mul3A_286 : i32 to index
        %swap3A_737 = tpu.vector_load %arg8[%swap3A_734, %swap3A_735, %swap3A_736] {strides = array<i32>} : memref<2x32x128xf32, #tpu.memory_space<vmem>>, vector<16xf32>,
        tpu.vector_store %arg8[%swap3A_734, %swap3A_735, %swap3A_736], %gather3A_623 {strides = array<i32>} : memref<2x32x128xf32, #tpu.memory_space<vmem>>, vector<16xf32>,
        %swap3A_738 = arith.constant 1 : i32
        %swap3A_739 = arith.constant 26 : i32
        %swap3A_740 = arith.index_cast %swap3A_738 : i32 to index
        %swap3A_741 = arith.index_cast %swap3A_739 : i32 to index
        %swap3A_742 = arith.index_cast %mul3A_286 : i32 to index
        %swap3A_743 = tpu.vector_load %arg8[%swap3A_740, %swap3A_741, %swap3A_742] {strides = array<i32>} : memref<2x32x128xf32, #tpu.memory_space<vmem>>, vector<16xf32>,
        tpu.vector_store %arg8[%swap3A_740, %swap3A_741, %swap3A_742], %gather3A_632 {strides = array<i32>} : memref<2x32x128xf32, #tpu.memory_space<vmem>>, vector<16xf32>,
        %swap3A_744 = arith.constant 1 : i32
        %swap3A_745 = arith.constant 27 : i32
        %swap3A_746 = arith.index_cast %swap3A_744 : i32 to index
        %swap3A_747 = arith.index_cast %swap3A_745 : i32 to index
        %swap3A_748 = arith.index_cast %mul3A_286 : i32 to index
        %swap3A_749 = tpu.vector_load %arg8[%swap3A_746, %swap3A_747, %swap3A_748] {strides = array<i32>} : memref<2x32x128xf32, #tpu.memory_space<vmem>>, vector<16xf32>,
        tpu.vector_store %arg8[%swap3A_746, %swap3A_747, %swap3A_748], %gather3A_641 {strides = array<i32>} : memref<2x32x128xf32, #tpu.memory_space<vmem>>, vector<16xf32>,
        %swap3A_750 = arith.constant 1 : i32
        %swap3A_751 = arith.constant 28 : i32
        %swap3A_752 = arith.index_cast %swap3A_750 : i32 to index
        %swap3A_753 = arith.index_cast %swap3A_751 : i32 to index
        %swap3A_754 = arith.index_cast %mul3A_286 : i32 to index
        %swap3A_755 = tpu.vector_load %arg8[%swap3A_752, %swap3A_753, %swap3A_754] {strides = array<i32>} : memref<2x32x128xf32, #tpu.memory_space<vmem>>, vector<16xf32>,
        tpu.vector_store %arg8[%swap3A_752, %swap3A_753, %swap3A_754], %gather3A_650 {strides = array<i32>} : memref<2x32x128xf32, #tpu.memory_space<vmem>>, vector<16xf32>,
        %swap3A_756 = arith.constant 1 : i32
        %swap3A_757 = arith.constant 29 : i32
        %swap3A_758 = arith.index_cast %swap3A_756 : i32 to index
        %swap3A_759 = arith.index_cast %swap3A_757 : i32 to index
        %swap3A_760 = arith.index_cast %mul3A_286 : i32 to index
        %swap3A_761 = tpu.vector_load %arg8[%swap3A_758, %swap3A_759, %swap3A_760] {strides = array<i32>} : memref<2x32x128xf32, #tpu.memory_space<vmem>>, vector<16xf32>,
        tpu.vector_store %arg8[%swap3A_758, %swap3A_759, %swap3A_760], %gather3A_659 {strides = array<i32>} : memref<2x32x128xf32, #tpu.memory_space<vmem>>, vector<16xf32>,
        %swap3A_762 = arith.constant 1 : i32
        %swap3A_763 = arith.constant 30 : i32
        %swap3A_764 = arith.index_cast %swap3A_762 : i32 to index
        %swap3A_765 = arith.index_cast %swap3A_763 : i32 to index
        %swap3A_766 = arith.index_cast %mul3A_286 : i32 to index
        %swap3A_767 = tpu.vector_load %arg8[%swap3A_764, %swap3A_765, %swap3A_766] {strides = array<i32>} : memref<2x32x128xf32, #tpu.memory_space<vmem>>, vector<16xf32>,
        tpu.vector_store %arg8[%swap3A_764, %swap3A_765, %swap3A_766], %gather3A_668 {strides = array<i32>} : memref<2x32x128xf32, #tpu.memory_space<vmem>>, vector<16xf32>,
        %swap3A_768 = arith.constant 1 : i32
        %swap3A_769 = arith.constant 31 : i32
        %swap3A_770 = arith.index_cast %swap3A_768 : i32 to index
        %swap3A_771 = arith.index_cast %swap3A_769 : i32 to index
        %swap3A_772 = arith.index_cast %mul3A_286 : i32 to index
        %swap3A_773 = tpu.vector_load %arg8[%swap3A_770, %swap3A_771, %swap3A_772] {strides = array<i32>} : memref<2x32x128xf32, #tpu.memory_space<vmem>>, vector<16xf32>,
        tpu.vector_store %arg8[%swap3A_770, %swap3A_771, %swap3A_772], %gather3A_677 {strides = array<i32>} : memref<2x32x128xf32, #tpu.memory_space<vmem>>, vector<16xf32>,
      }
      %scan3A_162 = arith.constant 8 : i32
      %add3A_163 = arith.constant 0 : i32
      %add3A_164 = arith.addi %add3A_163, %add3A_131 : i32
      %dma_start3A_165 = arith.constant 1 : i32
      %dma_start3A_166 = arith.constant 0 : i32
      %dma_start3A_167 = arith.constant 0 : i32
      %dma_start3A_168 = tpu.memref_slice %arg8[%dma_start3A_165, %dma_start3A_166, %dma_start3A_167] : memref<2x32x128xf32, #tpu.memory_space<vmem>> -> memref<1x32x128xf32, #tpu.memory_space<vmem>>
      %dma_start3A_169 = tpu.memref_squeeze %dma_start3A_168 : memref<1x32x128xf32, #tpu.memory_space<vmem>> -> memref<32x128xf32, #tpu.memory_space<vmem>>
      %dma_start3A_170 = arith.constant 0 : i32
      %dma_start3A_171 = tpu.memref_slice %arg4[%add3A_164, %dma_start3A_170, %mul3A_2] : memref<200x32x4096xf32, #tpu.memory_space<hbm>> -> memref<1x32x128xf32, #tpu.memory_space<hbm>>
      %dma_start3A_172 = tpu.memref_squeeze %dma_start3A_171 : memref<1x32x128xf32, #tpu.memory_space<hbm>> -> memref<32x128xf32, #tpu.memory_space<hbm>>
      %dma_start3A_173 = arith.constant 0 : i32
      %dma_start3A_174 = tpu.memref_slice %arg4[%add3A_164, %dma_start3A_173, %mul3A_2] : memref<200x32x4096xf32, #tpu.memory_space<hbm>> -> memref<1x32x128xf32, #tpu.memory_space<hbm>>
      %dma_start3A_175 = tpu.memref_squeeze %dma_start3A_174 : memref<1x32x128xf32, #tpu.memory_space<hbm>> -> memref<32x128xf32, #tpu.memory_space<hbm>>
      %dma_start3A_176 = arith.constant 0 : i32
      %dma_start3A_177 = arith.constant 0 : i32
      %dma_start3A_178 = tpu.memref_slice %arg8[%dma_start3A_165, %dma_start3A_176, %dma_start3A_177] : memref<2x32x128xf32, #tpu.memory_space<vmem>> -> memref<1x32x128xf32, #tpu.memory_space<vmem>>
      %dma_start3A_179 = tpu.memref_squeeze %dma_start3A_178 : memref<1x32x128xf32, #tpu.memory_space<vmem>> -> memref<32x128xf32, #tpu.memory_space<vmem>>
      tpu.enqueue_dma source(%dma_start3A_179 : memref<32x128xf32, #tpu.memory_space<vmem>>) target(%dma_start3A_175 : memref<32x128xf32, #tpu.memory_space<hbm>>) target_semaphore(%arg14 : memref<!tpu.dma_semaphore, #tpu.memory_space<semaphore_mem>>)
      %add3A_180 = arith.constant 2 : i32
      %add3A_181 = arith.addi %mul3A_84, %add3A_180 : i32
      %add3A_182 = arith.constant 3 : i32
      %add3A_183 = arith.addi %add3A_181, %add3A_182 : i32
      %lt3A_184 = arith.constant 200 : i32
      %lt3A_185 = arith.cmpi slt, %add3A_183, %lt3A_184 : i32
      %convert_element_type3A_186 = arith.extui %lt3A_185 : i1 to i32
      %cond3A_187 = arith.constant 0 : i32
      %cond3A_188 = arith.cmpi ne, %convert_element_type3A_186, %cond3A_187 : i32
      scf.if %cond3A_188 {
        %add3A_280 = arith.constant 3 : i32
        %add3A_281 = arith.addi %add3A_181, %add3A_280 : i32
        %dma_start3A_282 = arith.constant 1 : i32
        %dma_start3A_283 = arith.constant 0 : i32
        %dma_start3A_284 = arith.constant 0 : i32
        %dma_start3A_285 = tpu.memref_slice %arg7[%dma_start3A_282, %dma_start3A_283, %dma_start3A_284] : memref<4x128x128xf32, #tpu.memory_space<vmem>> -> memref<1x128x128xf32, #tpu.memory_space<vmem>>
        %dma_start3A_286 = tpu.memref_squeeze %dma_start3A_285 : memref<1x128x128xf32, #tpu.memory_space<vmem>> -> memref<128x128xf32, #tpu.memory_space<vmem>>
        %dma_start3A_287 = arith.constant 0 : i32
        %dma_start3A_288 = tpu.memref_slice %arg6[%add3A_281, %dma_start3A_287] : memref<200x128xi32, #tpu.memory_space<vmem>> -> memref<1x128xi32, #tpu.memory_space<vmem>>
        %dma_start3A_289 = tpu.memref_squeeze %dma_start3A_288 : memref<1x128xi32, #tpu.memory_space<vmem>> -> memref<128xi32, #tpu.memory_space<vmem>>
        %dma_start3A_290 = arith.constant 0 : i32
        %dma_start3A_291 = arith.constant 0 : i32
        %dma_start3A_292 = tpu.memref_slice %arg2[%dma_start3A_290, %dma_start3A_291] : memref<250000x128xf32, #tpu.memory_space<hbm>> -> memref<250000x128xf32, #tpu.memory_space<hbm>>
        tpu.enqueue_indirect_dma source(%dma_start3A_292 : memref<250000x128xf32, #tpu.memory_space<hbm>>) target(%dma_start3A_286 : memref<128x128xf32, #tpu.memory_space<vmem>>) offsets(%dma_start3A_289 : memref<128xi32, #tpu.memory_space<vmem>>) semaphore(%arg10 : memref<!tpu.dma_semaphore, #tpu.memory_space<semaphore_mem>>)
      } else {
      }
      %dma_wait3A_189 = arith.constant 0 : i32
      %dma_wait3A_190 = arith.constant 2 : i32
      %dma_wait3A_191 = arith.constant 0 : i32
      %dma_wait3A_192 = arith.constant 0 : i32
      %dma_wait3A_193 = tpu.memref_slice %arg7[%dma_wait3A_190, %dma_wait3A_191, %dma_wait3A_192] : memref<4x128x128xf32, #tpu.memory_space<vmem>> -> memref<1x128x128xf32, #tpu.memory_space<vmem>>
      %dma_wait3A_194 = tpu.memref_squeeze %dma_wait3A_193 : memref<1x128x128xf32, #tpu.memory_space<vmem>> -> memref<128x128xf32, #tpu.memory_space<vmem>>
      %dma_wait3A_195 = arith.constant 0 : i32
      %dma_wait3A_196 = tpu.memref_slice %arg6[%dma_wait3A_189, %dma_wait3A_195] : memref<200x128xi32, #tpu.memory_space<vmem>> -> memref<1x128xi32, #tpu.memory_space<vmem>>
      %dma_wait3A_197 = tpu.memref_squeeze %dma_wait3A_196 : memref<1x128xi32, #tpu.memory_space<vmem>> -> memref<128xi32, #tpu.memory_space<vmem>>
      %dma_wait3A_198 = arith.constant 0 : i32
      %dma_wait3A_199 = arith.constant 0 : i32
      %dma_wait3A_200 = tpu.memref_slice %arg2[%dma_wait3A_198, %dma_wait3A_199] : memref<250000x128xf32, #tpu.memory_space<hbm>> -> memref<250000x128xf32, #tpu.memory_space<hbm>>
      tpu.wait_indirect_dma semaphore(%arg11 : memref<!tpu.dma_semaphore, #tpu.memory_space<semaphore_mem>>) src(%dma_wait3A_200 : memref<250000x128xf32, #tpu.memory_space<hbm>>) dst(%dma_wait3A_194 : memref<128x128xf32, #tpu.memory_space<vmem>>)
      %ge3A_201 = arith.constant 2 : i32
      %ge3A_202 = arith.cmpi sge, %add3A_181, %ge3A_201 : i32
      %or3A_203 = arith.constant false
      %or3A_204 = arith.ori %or3A_203, %ge3A_202 : i1
      %convert_element_type3A_205 = arith.extui %or3A_204 : i1 to i32
      %cond3A_206 = arith.constant 0 : i32
      %cond3A_207 = arith.cmpi ne, %convert_element_type3A_205, %cond3A_206 : i32
      scf.if %cond3A_207 {
        %dma_wait3A_280 = arith.constant 0 : i32
        %dma_wait3A_281 = arith.constant 0 : i32
        %dma_wait3A_282 = arith.constant 0 : i32
        %dma_wait3A_283 = arith.constant 0 : i32
        %dma_wait3A_284 = tpu.memref_slice %arg8[%dma_wait3A_280, %dma_wait3A_282, %dma_wait3A_283] : memref<2x32x128xf32, #tpu.memory_space<vmem>> -> memref<1x32x128xf32, #tpu.memory_space<vmem>>
        %dma_wait3A_285 = tpu.memref_squeeze %dma_wait3A_284 : memref<1x32x128xf32, #tpu.memory_space<vmem>> -> memref<32x128xf32, #tpu.memory_space<vmem>>
        %dma_wait3A_286 = arith.constant 0 : i32
        %dma_wait3A_287 = tpu.memref_slice %arg4[%dma_wait3A_281, %dma_wait3A_286, %mul3A_2] : memref<200x32x4096xf32, #tpu.memory_space<hbm>> -> memref<1x32x128xf32, #tpu.memory_space<hbm>>
        %dma_wait3A_288 = tpu.memref_squeeze %dma_wait3A_287 : memref<1x32x128xf32, #tpu.memory_space<hbm>> -> memref<32x128xf32, #tpu.memory_space<hbm>>
        %dma_wait3A_289 = arith.constant 0 : i32
        %dma_wait3A_290 = tpu.memref_slice %arg4[%dma_wait3A_281, %dma_wait3A_289, %mul3A_2] : memref<200x32x4096xf32, #tpu.memory_space<hbm>> -> memref<1x32x128xf32, #tpu.memory_space<hbm>>
        %dma_wait3A_291 = tpu.memref_squeeze %dma_wait3A_290 : memref<1x32x128xf32, #tpu.memory_space<hbm>> -> memref<32x128xf32, #tpu.memory_space<hbm>>
        %dma_wait3A_292 = arith.constant 0 : i32
        %dma_wait3A_293 = arith.constant 0 : i32
        %dma_wait3A_294 = tpu.memref_slice %arg8[%dma_wait3A_280, %dma_wait3A_292, %dma_wait3A_293] : memref<2x32x128xf32, #tpu.memory_space<vmem>> -> memref<1x32x128xf32, #tpu.memory_space<vmem>>
        %dma_wait3A_295 = tpu.memref_squeeze %dma_wait3A_294 : memref<1x32x128xf32, #tpu.memory_space<vmem>> -> memref<32x128xf32, #tpu.memory_space<vmem>>
        tpu.wait_dma2 semaphore(%arg13 : memref<!tpu.dma_semaphore, #tpu.memory_space<semaphore_mem>>) src(%dma_wait3A_295 : memref<32x128xf32, #tpu.memory_space<vmem>>) dst(%dma_wait3A_291 : memref<32x128xf32, #tpu.memory_space<hbm>>)
      } else {
      }
      %scan3A_208 = arith.constant 0 : i32
      %scan3A_209 = arith.constant 8 : i32
      %scan3A_210 = arith.addi %scan3A_208, %scan3A_209 : i32
      %scan3A_211 = arith.constant 1 : i32
      scf.for %scan3A_280 = %scan3A_208 to %scan3A_210 step %scan3A_211  : i32 {
        %mul3A_281 = arith.constant 1 : i32
        %mul3A_282 = arith.muli %scan3A_280, %mul3A_281 : i32
        %add3A_283 = arith.constant 0 : i32
        %add3A_284 = arith.addi %add3A_283, %mul3A_282 : i32
        %mul3A_285 = arith.constant 16 : i32
        %mul3A_286 = arith.muli %add3A_284, %mul3A_285 : i32
        %get3A = arith.index_cast %add3A_181 : i32 to index
        %get3A_287 = arith.index_cast %mul3A_286 : i32 to index
        %get3A_288 = tpu.vector_load %arg5[%get3A, %get3A_287] {strides = array<i32>} : memref<200x128xi32, #tpu.memory_space<vmem>>, vector<16xi32>,
        %and3A = arith.constant 3 : i32
        %and3A_289 = vector.broadcast %and3A : i32 to vector<16xi32>
        %and3A_290 = arith.andi %get3A_288, %and3A_289 : vector<16xi32>
        %mul3A_291 = arith.constant 32 : i32
        %mul3A_292 = vector.broadcast %mul3A_291 : i32 to vector<16xi32>
        %mul3A_293 = arith.muli %and3A_290, %mul3A_292 : vector<16xi32>
        %add3A_294 = vector.broadcast %mul3A_286 : i32 to vector<16xi32>
        %add3A_295 = arith.addi %iota3A, %add3A_294 : vector<16xi32>
        %add3A_296 = arith.constant 0 : i32
        %add3A_297 = vector.broadcast %add3A_296 : i32 to vector<16xi32>
        %add3A_298 = arith.addi %mul3A_293, %add3A_297 : vector<16xi32>
        %gather3A = arith.constant 2 : i32
        %gather3A_299 = arith.constant 0 : i32
        %gather3A_300 = arith.constant 0 : i32
        %gather3A_301 = tpu.memref_slice %arg7[%gather3A, %gather3A_299, %gather3A_300] : memref<4x128x128xf32, #tpu.memory_space<vmem>> -> memref<1x128x128xf32, #tpu.memory_space<vmem>>
        %gather3A_302 = tpu.memref_squeeze %gather3A_301 : memref<1x128x128xf32, #tpu.memory_space<vmem>> -> memref<128x128xf32, #tpu.memory_space<vmem>>
        %gather3A_303 = tpu.vector_load_idx %gather3A_302[%add3A_295, %add3A_298] : memref<128x128xf32, #tpu.memory_space<vmem>>[vector<16xi32>, vector<16xi32>], vector<16xf32>,
        %add3A_304 = arith.constant 1 : i32
        %add3A_305 = vector.broadcast %add3A_304 : i32 to vector<16xi32>
        %add3A_306 = arith.addi %mul3A_293, %add3A_305 : vector<16xi32>
        %gather3A_307 = arith.constant 2 : i32
        %gather3A_308 = arith.constant 0 : i32
        %gather3A_309 = arith.constant 0 : i32
        %gather3A_310 = tpu.memref_slice %arg7[%gather3A_307, %gather3A_308, %gather3A_309] : memref<4x128x128xf32, #tpu.memory_space<vmem>> -> memref<1x128x128xf32, #tpu.memory_space<vmem>>
        %gather3A_311 = tpu.memref_squeeze %gather3A_310 : memref<1x128x128xf32, #tpu.memory_space<vmem>> -> memref<128x128xf32, #tpu.memory_space<vmem>>
        %gather3A_312 = tpu.vector_load_idx %gather3A_311[%add3A_295, %add3A_306] : memref<128x128xf32, #tpu.memory_space<vmem>>[vector<16xi32>, vector<16xi32>], vector<16xf32>,
        %add3A_313 = arith.constant 2 : i32
        %add3A_314 = vector.broadcast %add3A_313 : i32 to vector<16xi32>
        %add3A_315 = arith.addi %mul3A_293, %add3A_314 : vector<16xi32>
        %gather3A_316 = arith.constant 2 : i32
        %gather3A_317 = arith.constant 0 : i32
        %gather3A_318 = arith.constant 0 : i32
        %gather3A_319 = tpu.memref_slice %arg7[%gather3A_316, %gather3A_317, %gather3A_318] : memref<4x128x128xf32, #tpu.memory_space<vmem>> -> memref<1x128x128xf32, #tpu.memory_space<vmem>>
        %gather3A_320 = tpu.memref_squeeze %gather3A_319 : memref<1x128x128xf32, #tpu.memory_space<vmem>> -> memref<128x128xf32, #tpu.memory_space<vmem>>
        %gather3A_321 = tpu.vector_load_idx %gather3A_320[%add3A_295, %add3A_315] : memref<128x128xf32, #tpu.memory_space<vmem>>[vector<16xi32>, vector<16xi32>], vector<16xf32>,
        %add3A_322 = arith.constant 3 : i32
        %add3A_323 = vector.broadcast %add3A_322 : i32 to vector<16xi32>
        %add3A_324 = arith.addi %mul3A_293, %add3A_323 : vector<16xi32>
        %gather3A_325 = arith.constant 2 : i32
        %gather3A_326 = arith.constant 0 : i32
        %gather3A_327 = arith.constant 0 : i32
        %gather3A_328 = tpu.memref_slice %arg7[%gather3A_325, %gather3A_326, %gather3A_327] : memref<4x128x128xf32, #tpu.memory_space<vmem>> -> memref<1x128x128xf32, #tpu.memory_space<vmem>>
        %gather3A_329 = tpu.memref_squeeze %gather3A_328 : memref<1x128x128xf32, #tpu.memory_space<vmem>> -> memref<128x128xf32, #tpu.memory_space<vmem>>
        %gather3A_330 = tpu.vector_load_idx %gather3A_329[%add3A_295, %add3A_324] : memref<128x128xf32, #tpu.memory_space<vmem>>[vector<16xi32>, vector<16xi32>], vector<16xf32>,
        %add3A_331 = arith.constant 4 : i32
        %add3A_332 = vector.broadcast %add3A_331 : i32 to vector<16xi32>
        %add3A_333 = arith.addi %mul3A_293, %add3A_332 : vector<16xi32>
        %gather3A_334 = arith.constant 2 : i32
        %gather3A_335 = arith.constant 0 : i32
        %gather3A_336 = arith.constant 0 : i32
        %gather3A_337 = tpu.memref_slice %arg7[%gather3A_334, %gather3A_335, %gather3A_336] : memref<4x128x128xf32, #tpu.memory_space<vmem>> -> memref<1x128x128xf32, #tpu.memory_space<vmem>>
        %gather3A_338 = tpu.memref_squeeze %gather3A_337 : memref<1x128x128xf32, #tpu.memory_space<vmem>> -> memref<128x128xf32, #tpu.memory_space<vmem>>
        %gather3A_339 = tpu.vector_load_idx %gather3A_338[%add3A_295, %add3A_333] : memref<128x128xf32, #tpu.memory_space<vmem>>[vector<16xi32>, vector<16xi32>], vector<16xf32>,
        %add3A_340 = arith.constant 5 : i32
        %add3A_341 = vector.broadcast %add3A_340 : i32 to vector<16xi32>
        %add3A_342 = arith.addi %mul3A_293, %add3A_341 : vector<16xi32>
        %gather3A_343 = arith.constant 2 : i32
        %gather3A_344 = arith.constant 0 : i32
        %gather3A_345 = arith.constant 0 : i32
        %gather3A_346 = tpu.memref_slice %arg7[%gather3A_343, %gather3A_344, %gather3A_345] : memref<4x128x128xf32, #tpu.memory_space<vmem>> -> memref<1x128x128xf32, #tpu.memory_space<vmem>>
        %gather3A_347 = tpu.memref_squeeze %gather3A_346 : memref<1x128x128xf32, #tpu.memory_space<vmem>> -> memref<128x128xf32, #tpu.memory_space<vmem>>
        %gather3A_348 = tpu.vector_load_idx %gather3A_347[%add3A_295, %add3A_342] : memref<128x128xf32, #tpu.memory_space<vmem>>[vector<16xi32>, vector<16xi32>], vector<16xf32>,
        %add3A_349 = arith.constant 6 : i32
        %add3A_350 = vector.broadcast %add3A_349 : i32 to vector<16xi32>
        %add3A_351 = arith.addi %mul3A_293, %add3A_350 : vector<16xi32>
        %gather3A_352 = arith.constant 2 : i32
        %gather3A_353 = arith.constant 0 : i32
        %gather3A_354 = arith.constant 0 : i32
        %gather3A_355 = tpu.memref_slice %arg7[%gather3A_352, %gather3A_353, %gather3A_354] : memref<4x128x128xf32, #tpu.memory_space<vmem>> -> memref<1x128x128xf32, #tpu.memory_space<vmem>>
        %gather3A_356 = tpu.memref_squeeze %gather3A_355 : memref<1x128x128xf32, #tpu.memory_space<vmem>> -> memref<128x128xf32, #tpu.memory_space<vmem>>
        %gather3A_357 = tpu.vector_load_idx %gather3A_356[%add3A_295, %add3A_351] : memref<128x128xf32, #tpu.memory_space<vmem>>[vector<16xi32>, vector<16xi32>], vector<16xf32>,
        %add3A_358 = arith.constant 7 : i32
        %add3A_359 = vector.broadcast %add3A_358 : i32 to vector<16xi32>
        %add3A_360 = arith.addi %mul3A_293, %add3A_359 : vector<16xi32>
        %gather3A_361 = arith.constant 2 : i32
        %gather3A_362 = arith.constant 0 : i32
        %gather3A_363 = arith.constant 0 : i32
        %gather3A_364 = tpu.memref_slice %arg7[%gather3A_361, %gather3A_362, %gather3A_363] : memref<4x128x128xf32, #tpu.memory_space<vmem>> -> memref<1x128x128xf32, #tpu.memory_space<vmem>>
        %gather3A_365 = tpu.memref_squeeze %gather3A_364 : memref<1x128x128xf32, #tpu.memory_space<vmem>> -> memref<128x128xf32, #tpu.memory_space<vmem>>
        %gather3A_366 = tpu.vector_load_idx %gather3A_365[%add3A_295, %add3A_360] : memref<128x128xf32, #tpu.memory_space<vmem>>[vector<16xi32>, vector<16xi32>], vector<16xf32>,
        %add3A_367 = arith.constant 8 : i32
        %add3A_368 = vector.broadcast %add3A_367 : i32 to vector<16xi32>
        %add3A_369 = arith.addi %mul3A_293, %add3A_368 : vector<16xi32>
        %gather3A_370 = arith.constant 2 : i32
        %gather3A_371 = arith.constant 0 : i32
        %gather3A_372 = arith.constant 0 : i32
        %gather3A_373 = tpu.memref_slice %arg7[%gather3A_370, %gather3A_371, %gather3A_372] : memref<4x128x128xf32, #tpu.memory_space<vmem>> -> memref<1x128x128xf32, #tpu.memory_space<vmem>>
        %gather3A_374 = tpu.memref_squeeze %gather3A_373 : memref<1x128x128xf32, #tpu.memory_space<vmem>> -> memref<128x128xf32, #tpu.memory_space<vmem>>
        %gather3A_375 = tpu.vector_load_idx %gather3A_374[%add3A_295, %add3A_369] : memref<128x128xf32, #tpu.memory_space<vmem>>[vector<16xi32>, vector<16xi32>], vector<16xf32>,
        %add3A_376 = arith.constant 9 : i32
        %add3A_377 = vector.broadcast %add3A_376 : i32 to vector<16xi32>
        %add3A_378 = arith.addi %mul3A_293, %add3A_377 : vector<16xi32>
        %gather3A_379 = arith.constant 2 : i32
        %gather3A_380 = arith.constant 0 : i32
        %gather3A_381 = arith.constant 0 : i32
        %gather3A_382 = tpu.memref_slice %arg7[%gather3A_379, %gather3A_380, %gather3A_381] : memref<4x128x128xf32, #tpu.memory_space<vmem>> -> memref<1x128x128xf32, #tpu.memory_space<vmem>>
        %gather3A_383 = tpu.memref_squeeze %gather3A_382 : memref<1x128x128xf32, #tpu.memory_space<vmem>> -> memref<128x128xf32, #tpu.memory_space<vmem>>
        %gather3A_384 = tpu.vector_load_idx %gather3A_383[%add3A_295, %add3A_378] : memref<128x128xf32, #tpu.memory_space<vmem>>[vector<16xi32>, vector<16xi32>], vector<16xf32>,
        %add3A_385 = arith.constant 10 : i32
        %add3A_386 = vector.broadcast %add3A_385 : i32 to vector<16xi32>
        %add3A_387 = arith.addi %mul3A_293, %add3A_386 : vector<16xi32>
        %gather3A_388 = arith.constant 2 : i32
        %gather3A_389 = arith.constant 0 : i32
        %gather3A_390 = arith.constant 0 : i32
        %gather3A_391 = tpu.memref_slice %arg7[%gather3A_388, %gather3A_389, %gather3A_390] : memref<4x128x128xf32, #tpu.memory_space<vmem>> -> memref<1x128x128xf32, #tpu.memory_space<vmem>>
        %gather3A_392 = tpu.memref_squeeze %gather3A_391 : memref<1x128x128xf32, #tpu.memory_space<vmem>> -> memref<128x128xf32, #tpu.memory_space<vmem>>
        %gather3A_393 = tpu.vector_load_idx %gather3A_392[%add3A_295, %add3A_387] : memref<128x128xf32, #tpu.memory_space<vmem>>[vector<16xi32>, vector<16xi32>], vector<16xf32>,
        %add3A_394 = arith.constant 11 : i32
        %add3A_395 = vector.broadcast %add3A_394 : i32 to vector<16xi32>
        %add3A_396 = arith.addi %mul3A_293, %add3A_395 : vector<16xi32>
        %gather3A_397 = arith.constant 2 : i32
        %gather3A_398 = arith.constant 0 : i32
        %gather3A_399 = arith.constant 0 : i32
        %gather3A_400 = tpu.memref_slice %arg7[%gather3A_397, %gather3A_398, %gather3A_399] : memref<4x128x128xf32, #tpu.memory_space<vmem>> -> memref<1x128x128xf32, #tpu.memory_space<vmem>>
        %gather3A_401 = tpu.memref_squeeze %gather3A_400 : memref<1x128x128xf32, #tpu.memory_space<vmem>> -> memref<128x128xf32, #tpu.memory_space<vmem>>
        %gather3A_402 = tpu.vector_load_idx %gather3A_401[%add3A_295, %add3A_396] : memref<128x128xf32, #tpu.memory_space<vmem>>[vector<16xi32>, vector<16xi32>], vector<16xf32>,
        %add3A_403 = arith.constant 12 : i32
        %add3A_404 = vector.broadcast %add3A_403 : i32 to vector<16xi32>
        %add3A_405 = arith.addi %mul3A_293, %add3A_404 : vector<16xi32>
        %gather3A_406 = arith.constant 2 : i32
        %gather3A_407 = arith.constant 0 : i32
        %gather3A_408 = arith.constant 0 : i32
        %gather3A_409 = tpu.memref_slice %arg7[%gather3A_406, %gather3A_407, %gather3A_408] : memref<4x128x128xf32, #tpu.memory_space<vmem>> -> memref<1x128x128xf32, #tpu.memory_space<vmem>>
        %gather3A_410 = tpu.memref_squeeze %gather3A_409 : memref<1x128x128xf32, #tpu.memory_space<vmem>> -> memref<128x128xf32, #tpu.memory_space<vmem>>
        %gather3A_411 = tpu.vector_load_idx %gather3A_410[%add3A_295, %add3A_405] : memref<128x128xf32, #tpu.memory_space<vmem>>[vector<16xi32>, vector<16xi32>], vector<16xf32>,
        %add3A_412 = arith.constant 13 : i32
        %add3A_413 = vector.broadcast %add3A_412 : i32 to vector<16xi32>
        %add3A_414 = arith.addi %mul3A_293, %add3A_413 : vector<16xi32>
        %gather3A_415 = arith.constant 2 : i32
        %gather3A_416 = arith.constant 0 : i32
        %gather3A_417 = arith.constant 0 : i32
        %gather3A_418 = tpu.memref_slice %arg7[%gather3A_415, %gather3A_416, %gather3A_417] : memref<4x128x128xf32, #tpu.memory_space<vmem>> -> memref<1x128x128xf32, #tpu.memory_space<vmem>>
        %gather3A_419 = tpu.memref_squeeze %gather3A_418 : memref<1x128x128xf32, #tpu.memory_space<vmem>> -> memref<128x128xf32, #tpu.memory_space<vmem>>
        %gather3A_420 = tpu.vector_load_idx %gather3A_419[%add3A_295, %add3A_414] : memref<128x128xf32, #tpu.memory_space<vmem>>[vector<16xi32>, vector<16xi32>], vector<16xf32>,
        %add3A_421 = arith.constant 14 : i32
        %add3A_422 = vector.broadcast %add3A_421 : i32 to vector<16xi32>
        %add3A_423 = arith.addi %mul3A_293, %add3A_422 : vector<16xi32>
        %gather3A_424 = arith.constant 2 : i32
        %gather3A_425 = arith.constant 0 : i32
        %gather3A_426 = arith.constant 0 : i32
        %gather3A_427 = tpu.memref_slice %arg7[%gather3A_424, %gather3A_425, %gather3A_426] : memref<4x128x128xf32, #tpu.memory_space<vmem>> -> memref<1x128x128xf32, #tpu.memory_space<vmem>>
        %gather3A_428 = tpu.memref_squeeze %gather3A_427 : memref<1x128x128xf32, #tpu.memory_space<vmem>> -> memref<128x128xf32, #tpu.memory_space<vmem>>
        %gather3A_429 = tpu.vector_load_idx %gather3A_428[%add3A_295, %add3A_423] : memref<128x128xf32, #tpu.memory_space<vmem>>[vector<16xi32>, vector<16xi32>], vector<16xf32>,
        %add3A_430 = arith.constant 15 : i32
        %add3A_431 = vector.broadcast %add3A_430 : i32 to vector<16xi32>
        %add3A_432 = arith.addi %mul3A_293, %add3A_431 : vector<16xi32>
        %gather3A_433 = arith.constant 2 : i32
        %gather3A_434 = arith.constant 0 : i32
        %gather3A_435 = arith.constant 0 : i32
        %gather3A_436 = tpu.memref_slice %arg7[%gather3A_433, %gather3A_434, %gather3A_435] : memref<4x128x128xf32, #tpu.memory_space<vmem>> -> memref<1x128x128xf32, #tpu.memory_space<vmem>>
        %gather3A_437 = tpu.memref_squeeze %gather3A_436 : memref<1x128x128xf32, #tpu.memory_space<vmem>> -> memref<128x128xf32, #tpu.memory_space<vmem>>
        %gather3A_438 = tpu.vector_load_idx %gather3A_437[%add3A_295, %add3A_432] : memref<128x128xf32, #tpu.memory_space<vmem>>[vector<16xi32>, vector<16xi32>], vector<16xf32>,
        %swap3A = arith.constant 0 : i32
        %swap3A_439 = arith.constant 0 : i32
        %swap3A_440 = arith.index_cast %swap3A : i32 to index
        %swap3A_441 = arith.index_cast %swap3A_439 : i32 to index
        %swap3A_442 = arith.index_cast %mul3A_286 : i32 to index
        %swap3A_443 = tpu.vector_load %arg8[%swap3A_440, %swap3A_441, %swap3A_442] {strides = array<i32>} : memref<2x32x128xf32, #tpu.memory_space<vmem>>, vector<16xf32>,
        tpu.vector_store %arg8[%swap3A_440, %swap3A_441, %swap3A_442], %gather3A_303 {strides = array<i32>} : memref<2x32x128xf32, #tpu.memory_space<vmem>>, vector<16xf32>,
        %swap3A_444 = arith.constant 0 : i32
        %swap3A_445 = arith.constant 1 : i32
        %swap3A_446 = arith.index_cast %swap3A_444 : i32 to index
        %swap3A_447 = arith.index_cast %swap3A_445 : i32 to index
        %swap3A_448 = arith.index_cast %mul3A_286 : i32 to index
        %swap3A_449 = tpu.vector_load %arg8[%swap3A_446, %swap3A_447, %swap3A_448] {strides = array<i32>} : memref<2x32x128xf32, #tpu.memory_space<vmem>>, vector<16xf32>,
        tpu.vector_store %arg8[%swap3A_446, %swap3A_447, %swap3A_448], %gather3A_312 {strides = array<i32>} : memref<2x32x128xf32, #tpu.memory_space<vmem>>, vector<16xf32>,
        %swap3A_450 = arith.constant 0 : i32
        %swap3A_451 = arith.constant 2 : i32
        %swap3A_452 = arith.index_cast %swap3A_450 : i32 to index
        %swap3A_453 = arith.index_cast %swap3A_451 : i32 to index
        %swap3A_454 = arith.index_cast %mul3A_286 : i32 to index
        %swap3A_455 = tpu.vector_load %arg8[%swap3A_452, %swap3A_453, %swap3A_454] {strides = array<i32>} : memref<2x32x128xf32, #tpu.memory_space<vmem>>, vector<16xf32>,
        tpu.vector_store %arg8[%swap3A_452, %swap3A_453, %swap3A_454], %gather3A_321 {strides = array<i32>} : memref<2x32x128xf32, #tpu.memory_space<vmem>>, vector<16xf32>,
        %swap3A_456 = arith.constant 0 : i32
        %swap3A_457 = arith.constant 3 : i32
        %swap3A_458 = arith.index_cast %swap3A_456 : i32 to index
        %swap3A_459 = arith.index_cast %swap3A_457 : i32 to index
        %swap3A_460 = arith.index_cast %mul3A_286 : i32 to index
        %swap3A_461 = tpu.vector_load %arg8[%swap3A_458, %swap3A_459, %swap3A_460] {strides = array<i32>} : memref<2x32x128xf32, #tpu.memory_space<vmem>>, vector<16xf32>,
        tpu.vector_store %arg8[%swap3A_458, %swap3A_459, %swap3A_460], %gather3A_330 {strides = array<i32>} : memref<2x32x128xf32, #tpu.memory_space<vmem>>, vector<16xf32>,
        %swap3A_462 = arith.constant 0 : i32
        %swap3A_463 = arith.constant 4 : i32
        %swap3A_464 = arith.index_cast %swap3A_462 : i32 to index
        %swap3A_465 = arith.index_cast %swap3A_463 : i32 to index
        %swap3A_466 = arith.index_cast %mul3A_286 : i32 to index
        %swap3A_467 = tpu.vector_load %arg8[%swap3A_464, %swap3A_465, %swap3A_466] {strides = array<i32>} : memref<2x32x128xf32, #tpu.memory_space<vmem>>, vector<16xf32>,
        tpu.vector_store %arg8[%swap3A_464, %swap3A_465, %swap3A_466], %gather3A_339 {strides = array<i32>} : memref<2x32x128xf32, #tpu.memory_space<vmem>>, vector<16xf32>,
        %swap3A_468 = arith.constant 0 : i32
        %swap3A_469 = arith.constant 5 : i32
        %swap3A_470 = arith.index_cast %swap3A_468 : i32 to index
        %swap3A_471 = arith.index_cast %swap3A_469 : i32 to index
        %swap3A_472 = arith.index_cast %mul3A_286 : i32 to index
        %swap3A_473 = tpu.vector_load %arg8[%swap3A_470, %swap3A_471, %swap3A_472] {strides = array<i32>} : memref<2x32x128xf32, #tpu.memory_space<vmem>>, vector<16xf32>,
        tpu.vector_store %arg8[%swap3A_470, %swap3A_471, %swap3A_472], %gather3A_348 {strides = array<i32>} : memref<2x32x128xf32, #tpu.memory_space<vmem>>, vector<16xf32>,
        %swap3A_474 = arith.constant 0 : i32
        %swap3A_475 = arith.constant 6 : i32
        %swap3A_476 = arith.index_cast %swap3A_474 : i32 to index
        %swap3A_477 = arith.index_cast %swap3A_475 : i32 to index
        %swap3A_478 = arith.index_cast %mul3A_286 : i32 to index
        %swap3A_479 = tpu.vector_load %arg8[%swap3A_476, %swap3A_477, %swap3A_478] {strides = array<i32>} : memref<2x32x128xf32, #tpu.memory_space<vmem>>, vector<16xf32>,
        tpu.vector_store %arg8[%swap3A_476, %swap3A_477, %swap3A_478], %gather3A_357 {strides = array<i32>} : memref<2x32x128xf32, #tpu.memory_space<vmem>>, vector<16xf32>,
        %swap3A_480 = arith.constant 0 : i32
        %swap3A_481 = arith.constant 7 : i32
        %swap3A_482 = arith.index_cast %swap3A_480 : i32 to index
        %swap3A_483 = arith.index_cast %swap3A_481 : i32 to index
        %swap3A_484 = arith.index_cast %mul3A_286 : i32 to index
        %swap3A_485 = tpu.vector_load %arg8[%swap3A_482, %swap3A_483, %swap3A_484] {strides = array<i32>} : memref<2x32x128xf32, #tpu.memory_space<vmem>>, vector<16xf32>,
        tpu.vector_store %arg8[%swap3A_482, %swap3A_483, %swap3A_484], %gather3A_366 {strides = array<i32>} : memref<2x32x128xf32, #tpu.memory_space<vmem>>, vector<16xf32>,
        %swap3A_486 = arith.constant 0 : i32
        %swap3A_487 = arith.constant 8 : i32
        %swap3A_488 = arith.index_cast %swap3A_486 : i32 to index
        %swap3A_489 = arith.index_cast %swap3A_487 : i32 to index
        %swap3A_490 = arith.index_cast %mul3A_286 : i32 to index
        %swap3A_491 = tpu.vector_load %arg8[%swap3A_488, %swap3A_489, %swap3A_490] {strides = array<i32>} : memref<2x32x128xf32, #tpu.memory_space<vmem>>, vector<16xf32>,
        tpu.vector_store %arg8[%swap3A_488, %swap3A_489, %swap3A_490], %gather3A_375 {strides = array<i32>} : memref<2x32x128xf32, #tpu.memory_space<vmem>>, vector<16xf32>,
        %swap3A_492 = arith.constant 0 : i32
        %swap3A_493 = arith.constant 9 : i32
        %swap3A_494 = arith.index_cast %swap3A_492 : i32 to index
        %swap3A_495 = arith.index_cast %swap3A_493 : i32 to index
        %swap3A_496 = arith.index_cast %mul3A_286 : i32 to index
        %swap3A_497 = tpu.vector_load %arg8[%swap3A_494, %swap3A_495, %swap3A_496] {strides = array<i32>} : memref<2x32x128xf32, #tpu.memory_space<vmem>>, vector<16xf32>,
        tpu.vector_store %arg8[%swap3A_494, %swap3A_495, %swap3A_496], %gather3A_384 {strides = array<i32>} : memref<2x32x128xf32, #tpu.memory_space<vmem>>, vector<16xf32>,
        %swap3A_498 = arith.constant 0 : i32
        %swap3A_499 = arith.constant 10 : i32
        %swap3A_500 = arith.index_cast %swap3A_498 : i32 to index
        %swap3A_501 = arith.index_cast %swap3A_499 : i32 to index
        %swap3A_502 = arith.index_cast %mul3A_286 : i32 to index
        %swap3A_503 = tpu.vector_load %arg8[%swap3A_500, %swap3A_501, %swap3A_502] {strides = array<i32>} : memref<2x32x128xf32, #tpu.memory_space<vmem>>, vector<16xf32>,
        tpu.vector_store %arg8[%swap3A_500, %swap3A_501, %swap3A_502], %gather3A_393 {strides = array<i32>} : memref<2x32x128xf32, #tpu.memory_space<vmem>>, vector<16xf32>,
        %swap3A_504 = arith.constant 0 : i32
        %swap3A_505 = arith.constant 11 : i32
        %swap3A_506 = arith.index_cast %swap3A_504 : i32 to index
        %swap3A_507 = arith.index_cast %swap3A_505 : i32 to index
        %swap3A_508 = arith.index_cast %mul3A_286 : i32 to index
        %swap3A_509 = tpu.vector_load %arg8[%swap3A_506, %swap3A_507, %swap3A_508] {strides = array<i32>} : memref<2x32x128xf32, #tpu.memory_space<vmem>>, vector<16xf32>,
        tpu.vector_store %arg8[%swap3A_506, %swap3A_507, %swap3A_508], %gather3A_402 {strides = array<i32>} : memref<2x32x128xf32, #tpu.memory_space<vmem>>, vector<16xf32>,
        %swap3A_510 = arith.constant 0 : i32
        %swap3A_511 = arith.constant 12 : i32
        %swap3A_512 = arith.index_cast %swap3A_510 : i32 to index
        %swap3A_513 = arith.index_cast %swap3A_511 : i32 to index
        %swap3A_514 = arith.index_cast %mul3A_286 : i32 to index
        %swap3A_515 = tpu.vector_load %arg8[%swap3A_512, %swap3A_513, %swap3A_514] {strides = array<i32>} : memref<2x32x128xf32, #tpu.memory_space<vmem>>, vector<16xf32>,
        tpu.vector_store %arg8[%swap3A_512, %swap3A_513, %swap3A_514], %gather3A_411 {strides = array<i32>} : memref<2x32x128xf32, #tpu.memory_space<vmem>>, vector<16xf32>,
        %swap3A_516 = arith.constant 0 : i32
        %swap3A_517 = arith.constant 13 : i32
        %swap3A_518 = arith.index_cast %swap3A_516 : i32 to index
        %swap3A_519 = arith.index_cast %swap3A_517 : i32 to index
        %swap3A_520 = arith.index_cast %mul3A_286 : i32 to index
        %swap3A_521 = tpu.vector_load %arg8[%swap3A_518, %swap3A_519, %swap3A_520] {strides = array<i32>} : memref<2x32x128xf32, #tpu.memory_space<vmem>>, vector<16xf32>,
        tpu.vector_store %arg8[%swap3A_518, %swap3A_519, %swap3A_520], %gather3A_420 {strides = array<i32>} : memref<2x32x128xf32, #tpu.memory_space<vmem>>, vector<16xf32>,
        %swap3A_522 = arith.constant 0 : i32
        %swap3A_523 = arith.constant 14 : i32
        %swap3A_524 = arith.index_cast %swap3A_522 : i32 to index
        %swap3A_525 = arith.index_cast %swap3A_523 : i32 to index
        %swap3A_526 = arith.index_cast %mul3A_286 : i32 to index
        %swap3A_527 = tpu.vector_load %arg8[%swap3A_524, %swap3A_525, %swap3A_526] {strides = array<i32>} : memref<2x32x128xf32, #tpu.memory_space<vmem>>, vector<16xf32>,
        tpu.vector_store %arg8[%swap3A_524, %swap3A_525, %swap3A_526], %gather3A_429 {strides = array<i32>} : memref<2x32x128xf32, #tpu.memory_space<vmem>>, vector<16xf32>,
        %swap3A_528 = arith.constant 0 : i32
        %swap3A_529 = arith.constant 15 : i32
        %swap3A_530 = arith.index_cast %swap3A_528 : i32 to index
        %swap3A_531 = arith.index_cast %swap3A_529 : i32 to index
        %swap3A_532 = arith.index_cast %mul3A_286 : i32 to index
        %swap3A_533 = tpu.vector_load %arg8[%swap3A_530, %swap3A_531, %swap3A_532] {strides = array<i32>} : memref<2x32x128xf32, #tpu.memory_space<vmem>>, vector<16xf32>,
        tpu.vector_store %arg8[%swap3A_530, %swap3A_531, %swap3A_532], %gather3A_438 {strides = array<i32>} : memref<2x32x128xf32, #tpu.memory_space<vmem>>, vector<16xf32>,
        %add3A_534 = arith.constant 16 : i32
        %add3A_535 = vector.broadcast %add3A_534 : i32 to vector<16xi32>
        %add3A_536 = arith.addi %mul3A_293, %add3A_535 : vector<16xi32>
        %gather3A_537 = arith.constant 2 : i32
        %gather3A_538 = arith.constant 0 : i32
        %gather3A_539 = arith.constant 0 : i32
        %gather3A_540 = tpu.memref_slice %arg7[%gather3A_537, %gather3A_538, %gather3A_539] : memref<4x128x128xf32, #tpu.memory_space<vmem>> -> memref<1x128x128xf32, #tpu.memory_space<vmem>>
        %gather3A_541 = tpu.memref_squeeze %gather3A_540 : memref<1x128x128xf32, #tpu.memory_space<vmem>> -> memref<128x128xf32, #tpu.memory_space<vmem>>
        %gather3A_542 = tpu.vector_load_idx %gather3A_541[%add3A_295, %add3A_536] : memref<128x128xf32, #tpu.memory_space<vmem>>[vector<16xi32>, vector<16xi32>], vector<16xf32>,
        %add3A_543 = arith.constant 17 : i32
        %add3A_544 = vector.broadcast %add3A_543 : i32 to vector<16xi32>
        %add3A_545 = arith.addi %mul3A_293, %add3A_544 : vector<16xi32>
        %gather3A_546 = arith.constant 2 : i32
        %gather3A_547 = arith.constant 0 : i32
        %gather3A_548 = arith.constant 0 : i32
        %gather3A_549 = tpu.memref_slice %arg7[%gather3A_546, %gather3A_547, %gather3A_548] : memref<4x128x128xf32, #tpu.memory_space<vmem>> -> memref<1x128x128xf32, #tpu.memory_space<vmem>>
        %gather3A_550 = tpu.memref_squeeze %gather3A_549 : memref<1x128x128xf32, #tpu.memory_space<vmem>> -> memref<128x128xf32, #tpu.memory_space<vmem>>
        %gather3A_551 = tpu.vector_load_idx %gather3A_550[%add3A_295, %add3A_545] : memref<128x128xf32, #tpu.memory_space<vmem>>[vector<16xi32>, vector<16xi32>], vector<16xf32>,
        %add3A_552 = arith.constant 18 : i32
        %add3A_553 = vector.broadcast %add3A_552 : i32 to vector<16xi32>
        %add3A_554 = arith.addi %mul3A_293, %add3A_553 : vector<16xi32>
        %gather3A_555 = arith.constant 2 : i32
        %gather3A_556 = arith.constant 0 : i32
        %gather3A_557 = arith.constant 0 : i32
        %gather3A_558 = tpu.memref_slice %arg7[%gather3A_555, %gather3A_556, %gather3A_557] : memref<4x128x128xf32, #tpu.memory_space<vmem>> -> memref<1x128x128xf32, #tpu.memory_space<vmem>>
        %gather3A_559 = tpu.memref_squeeze %gather3A_558 : memref<1x128x128xf32, #tpu.memory_space<vmem>> -> memref<128x128xf32, #tpu.memory_space<vmem>>
        %gather3A_560 = tpu.vector_load_idx %gather3A_559[%add3A_295, %add3A_554] : memref<128x128xf32, #tpu.memory_space<vmem>>[vector<16xi32>, vector<16xi32>], vector<16xf32>,
        %add3A_561 = arith.constant 19 : i32
        %add3A_562 = vector.broadcast %add3A_561 : i32 to vector<16xi32>
        %add3A_563 = arith.addi %mul3A_293, %add3A_562 : vector<16xi32>
        %gather3A_564 = arith.constant 2 : i32
        %gather3A_565 = arith.constant 0 : i32
        %gather3A_566 = arith.constant 0 : i32
        %gather3A_567 = tpu.memref_slice %arg7[%gather3A_564, %gather3A_565, %gather3A_566] : memref<4x128x128xf32, #tpu.memory_space<vmem>> -> memref<1x128x128xf32, #tpu.memory_space<vmem>>
        %gather3A_568 = tpu.memref_squeeze %gather3A_567 : memref<1x128x128xf32, #tpu.memory_space<vmem>> -> memref<128x128xf32, #tpu.memory_space<vmem>>
        %gather3A_569 = tpu.vector_load_idx %gather3A_568[%add3A_295, %add3A_563] : memref<128x128xf32, #tpu.memory_space<vmem>>[vector<16xi32>, vector<16xi32>], vector<16xf32>,
        %add3A_570 = arith.constant 20 : i32
        %add3A_571 = vector.broadcast %add3A_570 : i32 to vector<16xi32>
        %add3A_572 = arith.addi %mul3A_293, %add3A_571 : vector<16xi32>
        %gather3A_573 = arith.constant 2 : i32
        %gather3A_574 = arith.constant 0 : i32
        %gather3A_575 = arith.constant 0 : i32
        %gather3A_576 = tpu.memref_slice %arg7[%gather3A_573, %gather3A_574, %gather3A_575] : memref<4x128x128xf32, #tpu.memory_space<vmem>> -> memref<1x128x128xf32, #tpu.memory_space<vmem>>
        %gather3A_577 = tpu.memref_squeeze %gather3A_576 : memref<1x128x128xf32, #tpu.memory_space<vmem>> -> memref<128x128xf32, #tpu.memory_space<vmem>>
        %gather3A_578 = tpu.vector_load_idx %gather3A_577[%add3A_295, %add3A_572] : memref<128x128xf32, #tpu.memory_space<vmem>>[vector<16xi32>, vector<16xi32>], vector<16xf32>,
        %add3A_579 = arith.constant 21 : i32
        %add3A_580 = vector.broadcast %add3A_579 : i32 to vector<16xi32>
        %add3A_581 = arith.addi %mul3A_293, %add3A_580 : vector<16xi32>
        %gather3A_582 = arith.constant 2 : i32
        %gather3A_583 = arith.constant 0 : i32
        %gather3A_584 = arith.constant 0 : i32
        %gather3A_585 = tpu.memref_slice %arg7[%gather3A_582, %gather3A_583, %gather3A_584] : memref<4x128x128xf32, #tpu.memory_space<vmem>> -> memref<1x128x128xf32, #tpu.memory_space<vmem>>
        %gather3A_586 = tpu.memref_squeeze %gather3A_585 : memref<1x128x128xf32, #tpu.memory_space<vmem>> -> memref<128x128xf32, #tpu.memory_space<vmem>>
        %gather3A_587 = tpu.vector_load_idx %gather3A_586[%add3A_295, %add3A_581] : memref<128x128xf32, #tpu.memory_space<vmem>>[vector<16xi32>, vector<16xi32>], vector<16xf32>,
        %add3A_588 = arith.constant 22 : i32
        %add3A_589 = vector.broadcast %add3A_588 : i32 to vector<16xi32>
        %add3A_590 = arith.addi %mul3A_293, %add3A_589 : vector<16xi32>
        %gather3A_591 = arith.constant 2 : i32
        %gather3A_592 = arith.constant 0 : i32
        %gather3A_593 = arith.constant 0 : i32
        %gather3A_594 = tpu.memref_slice %arg7[%gather3A_591, %gather3A_592, %gather3A_593] : memref<4x128x128xf32, #tpu.memory_space<vmem>> -> memref<1x128x128xf32, #tpu.memory_space<vmem>>
        %gather3A_595 = tpu.memref_squeeze %gather3A_594 : memref<1x128x128xf32, #tpu.memory_space<vmem>> -> memref<128x128xf32, #tpu.memory_space<vmem>>
        %gather3A_596 = tpu.vector_load_idx %gather3A_595[%add3A_295, %add3A_590] : memref<128x128xf32, #tpu.memory_space<vmem>>[vector<16xi32>, vector<16xi32>], vector<16xf32>,
        %add3A_597 = arith.constant 23 : i32
        %add3A_598 = vector.broadcast %add3A_597 : i32 to vector<16xi32>
        %add3A_599 = arith.addi %mul3A_293, %add3A_598 : vector<16xi32>
        %gather3A_600 = arith.constant 2 : i32
        %gather3A_601 = arith.constant 0 : i32
        %gather3A_602 = arith.constant 0 : i32
        %gather3A_603 = tpu.memref_slice %arg7[%gather3A_600, %gather3A_601, %gather3A_602] : memref<4x128x128xf32, #tpu.memory_space<vmem>> -> memref<1x128x128xf32, #tpu.memory_space<vmem>>
        %gather3A_604 = tpu.memref_squeeze %gather3A_603 : memref<1x128x128xf32, #tpu.memory_space<vmem>> -> memref<128x128xf32, #tpu.memory_space<vmem>>
        %gather3A_605 = tpu.vector_load_idx %gather3A_604[%add3A_295, %add3A_599] : memref<128x128xf32, #tpu.memory_space<vmem>>[vector<16xi32>, vector<16xi32>], vector<16xf32>,
        %add3A_606 = arith.constant 24 : i32
        %add3A_607 = vector.broadcast %add3A_606 : i32 to vector<16xi32>
        %add3A_608 = arith.addi %mul3A_293, %add3A_607 : vector<16xi32>
        %gather3A_609 = arith.constant 2 : i32
        %gather3A_610 = arith.constant 0 : i32
        %gather3A_611 = arith.constant 0 : i32
        %gather3A_612 = tpu.memref_slice %arg7[%gather3A_609, %gather3A_610, %gather3A_611] : memref<4x128x128xf32, #tpu.memory_space<vmem>> -> memref<1x128x128xf32, #tpu.memory_space<vmem>>
        %gather3A_613 = tpu.memref_squeeze %gather3A_612 : memref<1x128x128xf32, #tpu.memory_space<vmem>> -> memref<128x128xf32, #tpu.memory_space<vmem>>
        %gather3A_614 = tpu.vector_load_idx %gather3A_613[%add3A_295, %add3A_608] : memref<128x128xf32, #tpu.memory_space<vmem>>[vector<16xi32>, vector<16xi32>], vector<16xf32>,
        %add3A_615 = arith.constant 25 : i32
        %add3A_616 = vector.broadcast %add3A_615 : i32 to vector<16xi32>
        %add3A_617 = arith.addi %mul3A_293, %add3A_616 : vector<16xi32>
        %gather3A_618 = arith.constant 2 : i32
        %gather3A_619 = arith.constant 0 : i32
        %gather3A_620 = arith.constant 0 : i32
        %gather3A_621 = tpu.memref_slice %arg7[%gather3A_618, %gather3A_619, %gather3A_620] : memref<4x128x128xf32, #tpu.memory_space<vmem>> -> memref<1x128x128xf32, #tpu.memory_space<vmem>>
        %gather3A_622 = tpu.memref_squeeze %gather3A_621 : memref<1x128x128xf32, #tpu.memory_space<vmem>> -> memref<128x128xf32, #tpu.memory_space<vmem>>
        %gather3A_623 = tpu.vector_load_idx %gather3A_622[%add3A_295, %add3A_617] : memref<128x128xf32, #tpu.memory_space<vmem>>[vector<16xi32>, vector<16xi32>], vector<16xf32>,
        %add3A_624 = arith.constant 26 : i32
        %add3A_625 = vector.broadcast %add3A_624 : i32 to vector<16xi32>
        %add3A_626 = arith.addi %mul3A_293, %add3A_625 : vector<16xi32>
        %gather3A_627 = arith.constant 2 : i32
        %gather3A_628 = arith.constant 0 : i32
        %gather3A_629 = arith.constant 0 : i32
        %gather3A_630 = tpu.memref_slice %arg7[%gather3A_627, %gather3A_628, %gather3A_629] : memref<4x128x128xf32, #tpu.memory_space<vmem>> -> memref<1x128x128xf32, #tpu.memory_space<vmem>>
        %gather3A_631 = tpu.memref_squeeze %gather3A_630 : memref<1x128x128xf32, #tpu.memory_space<vmem>> -> memref<128x128xf32, #tpu.memory_space<vmem>>
        %gather3A_632 = tpu.vector_load_idx %gather3A_631[%add3A_295, %add3A_626] : memref<128x128xf32, #tpu.memory_space<vmem>>[vector<16xi32>, vector<16xi32>], vector<16xf32>,
        %add3A_633 = arith.constant 27 : i32
        %add3A_634 = vector.broadcast %add3A_633 : i32 to vector<16xi32>
        %add3A_635 = arith.addi %mul3A_293, %add3A_634 : vector<16xi32>
        %gather3A_636 = arith.constant 2 : i32
        %gather3A_637 = arith.constant 0 : i32
        %gather3A_638 = arith.constant 0 : i32
        %gather3A_639 = tpu.memref_slice %arg7[%gather3A_636, %gather3A_637, %gather3A_638] : memref<4x128x128xf32, #tpu.memory_space<vmem>> -> memref<1x128x128xf32, #tpu.memory_space<vmem>>
        %gather3A_640 = tpu.memref_squeeze %gather3A_639 : memref<1x128x128xf32, #tpu.memory_space<vmem>> -> memref<128x128xf32, #tpu.memory_space<vmem>>
        %gather3A_641 = tpu.vector_load_idx %gather3A_640[%add3A_295, %add3A_635] : memref<128x128xf32, #tpu.memory_space<vmem>>[vector<16xi32>, vector<16xi32>], vector<16xf32>,
        %add3A_642 = arith.constant 28 : i32
        %add3A_643 = vector.broadcast %add3A_642 : i32 to vector<16xi32>
        %add3A_644 = arith.addi %mul3A_293, %add3A_643 : vector<16xi32>
        %gather3A_645 = arith.constant 2 : i32
        %gather3A_646 = arith.constant 0 : i32
        %gather3A_647 = arith.constant 0 : i32
        %gather3A_648 = tpu.memref_slice %arg7[%gather3A_645, %gather3A_646, %gather3A_647] : memref<4x128x128xf32, #tpu.memory_space<vmem>> -> memref<1x128x128xf32, #tpu.memory_space<vmem>>
        %gather3A_649 = tpu.memref_squeeze %gather3A_648 : memref<1x128x128xf32, #tpu.memory_space<vmem>> -> memref<128x128xf32, #tpu.memory_space<vmem>>
        %gather3A_650 = tpu.vector_load_idx %gather3A_649[%add3A_295, %add3A_644] : memref<128x128xf32, #tpu.memory_space<vmem>>[vector<16xi32>, vector<16xi32>], vector<16xf32>,
        %add3A_651 = arith.constant 29 : i32
        %add3A_652 = vector.broadcast %add3A_651 : i32 to vector<16xi32>
        %add3A_653 = arith.addi %mul3A_293, %add3A_652 : vector<16xi32>
        %gather3A_654 = arith.constant 2 : i32
        %gather3A_655 = arith.constant 0 : i32
        %gather3A_656 = arith.constant 0 : i32
        %gather3A_657 = tpu.memref_slice %arg7[%gather3A_654, %gather3A_655, %gather3A_656] : memref<4x128x128xf32, #tpu.memory_space<vmem>> -> memref<1x128x128xf32, #tpu.memory_space<vmem>>
        %gather3A_658 = tpu.memref_squeeze %gather3A_657 : memref<1x128x128xf32, #tpu.memory_space<vmem>> -> memref<128x128xf32, #tpu.memory_space<vmem>>
        %gather3A_659 = tpu.vector_load_idx %gather3A_658[%add3A_295, %add3A_653] : memref<128x128xf32, #tpu.memory_space<vmem>>[vector<16xi32>, vector<16xi32>], vector<16xf32>,
        %add3A_660 = arith.constant 30 : i32
        %add3A_661 = vector.broadcast %add3A_660 : i32 to vector<16xi32>
        %add3A_662 = arith.addi %mul3A_293, %add3A_661 : vector<16xi32>
        %gather3A_663 = arith.constant 2 : i32
        %gather3A_664 = arith.constant 0 : i32
        %gather3A_665 = arith.constant 0 : i32
        %gather3A_666 = tpu.memref_slice %arg7[%gather3A_663, %gather3A_664, %gather3A_665] : memref<4x128x128xf32, #tpu.memory_space<vmem>> -> memref<1x128x128xf32, #tpu.memory_space<vmem>>
        %gather3A_667 = tpu.memref_squeeze %gather3A_666 : memref<1x128x128xf32, #tpu.memory_space<vmem>> -> memref<128x128xf32, #tpu.memory_space<vmem>>
        %gather3A_668 = tpu.vector_load_idx %gather3A_667[%add3A_295, %add3A_662] : memref<128x128xf32, #tpu.memory_space<vmem>>[vector<16xi32>, vector<16xi32>], vector<16xf32>,
        %add3A_669 = arith.constant 31 : i32
        %add3A_670 = vector.broadcast %add3A_669 : i32 to vector<16xi32>
        %add3A_671 = arith.addi %mul3A_293, %add3A_670 : vector<16xi32>
        %gather3A_672 = arith.constant 2 : i32
        %gather3A_673 = arith.constant 0 : i32
        %gather3A_674 = arith.constant 0 : i32
        %gather3A_675 = tpu.memref_slice %arg7[%gather3A_672, %gather3A_673, %gather3A_674] : memref<4x128x128xf32, #tpu.memory_space<vmem>> -> memref<1x128x128xf32, #tpu.memory_space<vmem>>
        %gather3A_676 = tpu.memref_squeeze %gather3A_675 : memref<1x128x128xf32, #tpu.memory_space<vmem>> -> memref<128x128xf32, #tpu.memory_space<vmem>>
        %gather3A_677 = tpu.vector_load_idx %gather3A_676[%add3A_295, %add3A_671] : memref<128x128xf32, #tpu.memory_space<vmem>>[vector<16xi32>, vector<16xi32>], vector<16xf32>,
        %swap3A_678 = arith.constant 0 : i32
        %swap3A_679 = arith.constant 16 : i32
        %swap3A_680 = arith.index_cast %swap3A_678 : i32 to index
        %swap3A_681 = arith.index_cast %swap3A_679 : i32 to index
        %swap3A_682 = arith.index_cast %mul3A_286 : i32 to index
        %swap3A_683 = tpu.vector_load %arg8[%swap3A_680, %swap3A_681, %swap3A_682] {strides = array<i32>} : memref<2x32x128xf32, #tpu.memory_space<vmem>>, vector<16xf32>,
        tpu.vector_store %arg8[%swap3A_680, %swap3A_681, %swap3A_682], %gather3A_542 {strides = array<i32>} : memref<2x32x128xf32, #tpu.memory_space<vmem>>, vector<16xf32>,
        %swap3A_684 = arith.constant 0 : i32
        %swap3A_685 = arith.constant 17 : i32
        %swap3A_686 = arith.index_cast %swap3A_684 : i32 to index
        %swap3A_687 = arith.index_cast %swap3A_685 : i32 to index
        %swap3A_688 = arith.index_cast %mul3A_286 : i32 to index
        %swap3A_689 = tpu.vector_load %arg8[%swap3A_686, %swap3A_687, %swap3A_688] {strides = array<i32>} : memref<2x32x128xf32, #tpu.memory_space<vmem>>, vector<16xf32>,
        tpu.vector_store %arg8[%swap3A_686, %swap3A_687, %swap3A_688], %gather3A_551 {strides = array<i32>} : memref<2x32x128xf32, #tpu.memory_space<vmem>>, vector<16xf32>,
        %swap3A_690 = arith.constant 0 : i32
        %swap3A_691 = arith.constant 18 : i32
        %swap3A_692 = arith.index_cast %swap3A_690 : i32 to index
        %swap3A_693 = arith.index_cast %swap3A_691 : i32 to index
        %swap3A_694 = arith.index_cast %mul3A_286 : i32 to index
        %swap3A_695 = tpu.vector_load %arg8[%swap3A_692, %swap3A_693, %swap3A_694] {strides = array<i32>} : memref<2x32x128xf32, #tpu.memory_space<vmem>>, vector<16xf32>,
        tpu.vector_store %arg8[%swap3A_692, %swap3A_693, %swap3A_694], %gather3A_560 {strides = array<i32>} : memref<2x32x128xf32, #tpu.memory_space<vmem>>, vector<16xf32>,
        %swap3A_696 = arith.constant 0 : i32
        %swap3A_697 = arith.constant 19 : i32
        %swap3A_698 = arith.index_cast %swap3A_696 : i32 to index
        %swap3A_699 = arith.index_cast %swap3A_697 : i32 to index
        %swap3A_700 = arith.index_cast %mul3A_286 : i32 to index
        %swap3A_701 = tpu.vector_load %arg8[%swap3A_698, %swap3A_699, %swap3A_700] {strides = array<i32>} : memref<2x32x128xf32, #tpu.memory_space<vmem>>, vector<16xf32>,
        tpu.vector_store %arg8[%swap3A_698, %swap3A_699, %swap3A_700], %gather3A_569 {strides = array<i32>} : memref<2x32x128xf32, #tpu.memory_space<vmem>>, vector<16xf32>,
        %swap3A_702 = arith.constant 0 : i32
        %swap3A_703 = arith.constant 20 : i32
        %swap3A_704 = arith.index_cast %swap3A_702 : i32 to index
        %swap3A_705 = arith.index_cast %swap3A_703 : i32 to index
        %swap3A_706 = arith.index_cast %mul3A_286 : i32 to index
        %swap3A_707 = tpu.vector_load %arg8[%swap3A_704, %swap3A_705, %swap3A_706] {strides = array<i32>} : memref<2x32x128xf32, #tpu.memory_space<vmem>>, vector<16xf32>,
        tpu.vector_store %arg8[%swap3A_704, %swap3A_705, %swap3A_706], %gather3A_578 {strides = array<i32>} : memref<2x32x128xf32, #tpu.memory_space<vmem>>, vector<16xf32>,
        %swap3A_708 = arith.constant 0 : i32
        %swap3A_709 = arith.constant 21 : i32
        %swap3A_710 = arith.index_cast %swap3A_708 : i32 to index
        %swap3A_711 = arith.index_cast %swap3A_709 : i32 to index
        %swap3A_712 = arith.index_cast %mul3A_286 : i32 to index
        %swap3A_713 = tpu.vector_load %arg8[%swap3A_710, %swap3A_711, %swap3A_712] {strides = array<i32>} : memref<2x32x128xf32, #tpu.memory_space<vmem>>, vector<16xf32>,
        tpu.vector_store %arg8[%swap3A_710, %swap3A_711, %swap3A_712], %gather3A_587 {strides = array<i32>} : memref<2x32x128xf32, #tpu.memory_space<vmem>>, vector<16xf32>,
        %swap3A_714 = arith.constant 0 : i32
        %swap3A_715 = arith.constant 22 : i32
        %swap3A_716 = arith.index_cast %swap3A_714 : i32 to index
        %swap3A_717 = arith.index_cast %swap3A_715 : i32 to index
        %swap3A_718 = arith.index_cast %mul3A_286 : i32 to index
        %swap3A_719 = tpu.vector_load %arg8[%swap3A_716, %swap3A_717, %swap3A_718] {strides = array<i32>} : memref<2x32x128xf32, #tpu.memory_space<vmem>>, vector<16xf32>,
        tpu.vector_store %arg8[%swap3A_716, %swap3A_717, %swap3A_718], %gather3A_596 {strides = array<i32>} : memref<2x32x128xf32, #tpu.memory_space<vmem>>, vector<16xf32>,
        %swap3A_720 = arith.constant 0 : i32
        %swap3A_721 = arith.constant 23 : i32
        %swap3A_722 = arith.index_cast %swap3A_720 : i32 to index
        %swap3A_723 = arith.index_cast %swap3A_721 : i32 to index
        %swap3A_724 = arith.index_cast %mul3A_286 : i32 to index
        %swap3A_725 = tpu.vector_load %arg8[%swap3A_722, %swap3A_723, %swap3A_724] {strides = array<i32>} : memref<2x32x128xf32, #tpu.memory_space<vmem>>, vector<16xf32>,
        tpu.vector_store %arg8[%swap3A_722, %swap3A_723, %swap3A_724], %gather3A_605 {strides = array<i32>} : memref<2x32x128xf32, #tpu.memory_space<vmem>>, vector<16xf32>,
        %swap3A_726 = arith.constant 0 : i32
        %swap3A_727 = arith.constant 24 : i32
        %swap3A_728 = arith.index_cast %swap3A_726 : i32 to index
        %swap3A_729 = arith.index_cast %swap3A_727 : i32 to index
        %swap3A_730 = arith.index_cast %mul3A_286 : i32 to index
        %swap3A_731 = tpu.vector_load %arg8[%swap3A_728, %swap3A_729, %swap3A_730] {strides = array<i32>} : memref<2x32x128xf32, #tpu.memory_space<vmem>>, vector<16xf32>,
        tpu.vector_store %arg8[%swap3A_728, %swap3A_729, %swap3A_730], %gather3A_614 {strides = array<i32>} : memref<2x32x128xf32, #tpu.memory_space<vmem>>, vector<16xf32>,
        %swap3A_732 = arith.constant 0 : i32
        %swap3A_733 = arith.constant 25 : i32
        %swap3A_734 = arith.index_cast %swap3A_732 : i32 to index
        %swap3A_735 = arith.index_cast %swap3A_733 : i32 to index
        %swap3A_736 = arith.index_cast %mul3A_286 : i32 to index
        %swap3A_737 = tpu.vector_load %arg8[%swap3A_734, %swap3A_735, %swap3A_736] {strides = array<i32>} : memref<2x32x128xf32, #tpu.memory_space<vmem>>, vector<16xf32>,
        tpu.vector_store %arg8[%swap3A_734, %swap3A_735, %swap3A_736], %gather3A_623 {strides = array<i32>} : memref<2x32x128xf32, #tpu.memory_space<vmem>>, vector<16xf32>,
        %swap3A_738 = arith.constant 0 : i32
        %swap3A_739 = arith.constant 26 : i32
        %swap3A_740 = arith.index_cast %swap3A_738 : i32 to index
        %swap3A_741 = arith.index_cast %swap3A_739 : i32 to index
        %swap3A_742 = arith.index_cast %mul3A_286 : i32 to index
        %swap3A_743 = tpu.vector_load %arg8[%swap3A_740, %swap3A_741, %swap3A_742] {strides = array<i32>} : memref<2x32x128xf32, #tpu.memory_space<vmem>>, vector<16xf32>,
        tpu.vector_store %arg8[%swap3A_740, %swap3A_741, %swap3A_742], %gather3A_632 {strides = array<i32>} : memref<2x32x128xf32, #tpu.memory_space<vmem>>, vector<16xf32>,
        %swap3A_744 = arith.constant 0 : i32
        %swap3A_745 = arith.constant 27 : i32
        %swap3A_746 = arith.index_cast %swap3A_744 : i32 to index
        %swap3A_747 = arith.index_cast %swap3A_745 : i32 to index
        %swap3A_748 = arith.index_cast %mul3A_286 : i32 to index
        %swap3A_749 = tpu.vector_load %arg8[%swap3A_746, %swap3A_747, %swap3A_748] {strides = array<i32>} : memref<2x32x128xf32, #tpu.memory_space<vmem>>, vector<16xf32>,
        tpu.vector_store %arg8[%swap3A_746, %swap3A_747, %swap3A_748], %gather3A_641 {strides = array<i32>} : memref<2x32x128xf32, #tpu.memory_space<vmem>>, vector<16xf32>,
        %swap3A_750 = arith.constant 0 : i32
        %swap3A_751 = arith.constant 28 : i32
        %swap3A_752 = arith.index_cast %swap3A_750 : i32 to index
        %swap3A_753 = arith.index_cast %swap3A_751 : i32 to index
        %swap3A_754 = arith.index_cast %mul3A_286 : i32 to index
        %swap3A_755 = tpu.vector_load %arg8[%swap3A_752, %swap3A_753, %swap3A_754] {strides = array<i32>} : memref<2x32x128xf32, #tpu.memory_space<vmem>>, vector<16xf32>,
        tpu.vector_store %arg8[%swap3A_752, %swap3A_753, %swap3A_754], %gather3A_650 {strides = array<i32>} : memref<2x32x128xf32, #tpu.memory_space<vmem>>, vector<16xf32>,
        %swap3A_756 = arith.constant 0 : i32
        %swap3A_757 = arith.constant 29 : i32
        %swap3A_758 = arith.index_cast %swap3A_756 : i32 to index
        %swap3A_759 = arith.index_cast %swap3A_757 : i32 to index
        %swap3A_760 = arith.index_cast %mul3A_286 : i32 to index
        %swap3A_761 = tpu.vector_load %arg8[%swap3A_758, %swap3A_759, %swap3A_760] {strides = array<i32>} : memref<2x32x128xf32, #tpu.memory_space<vmem>>, vector<16xf32>,
        tpu.vector_store %arg8[%swap3A_758, %swap3A_759, %swap3A_760], %gather3A_659 {strides = array<i32>} : memref<2x32x128xf32, #tpu.memory_space<vmem>>, vector<16xf32>,
        %swap3A_762 = arith.constant 0 : i32
        %swap3A_763 = arith.constant 30 : i32
        %swap3A_764 = arith.index_cast %swap3A_762 : i32 to index
        %swap3A_765 = arith.index_cast %swap3A_763 : i32 to index
        %swap3A_766 = arith.index_cast %mul3A_286 : i32 to index
        %swap3A_767 = tpu.vector_load %arg8[%swap3A_764, %swap3A_765, %swap3A_766] {strides = array<i32>} : memref<2x32x128xf32, #tpu.memory_space<vmem>>, vector<16xf32>,
        tpu.vector_store %arg8[%swap3A_764, %swap3A_765, %swap3A_766], %gather3A_668 {strides = array<i32>} : memref<2x32x128xf32, #tpu.memory_space<vmem>>, vector<16xf32>,
        %swap3A_768 = arith.constant 0 : i32
        %swap3A_769 = arith.constant 31 : i32
        %swap3A_770 = arith.index_cast %swap3A_768 : i32 to index
        %swap3A_771 = arith.index_cast %swap3A_769 : i32 to index
        %swap3A_772 = arith.index_cast %mul3A_286 : i32 to index
        %swap3A_773 = tpu.vector_load %arg8[%swap3A_770, %swap3A_771, %swap3A_772] {strides = array<i32>} : memref<2x32x128xf32, #tpu.memory_space<vmem>>, vector<16xf32>,
        tpu.vector_store %arg8[%swap3A_770, %swap3A_771, %swap3A_772], %gather3A_677 {strides = array<i32>} : memref<2x32x128xf32, #tpu.memory_space<vmem>>, vector<16xf32>,
      }
      %scan3A_212 = arith.constant 8 : i32
      %add3A_213 = arith.constant 0 : i32
      %add3A_214 = arith.addi %add3A_213, %add3A_181 : i32
      %dma_start3A_215 = arith.constant 0 : i32
      %dma_start3A_216 = arith.constant 0 : i32
      %dma_start3A_217 = arith.constant 0 : i32
      %dma_start3A_218 = tpu.memref_slice %arg8[%dma_start3A_215, %dma_start3A_216, %dma_start3A_217] : memref<2x32x128xf32, #tpu.memory_space<vmem>> -> memref<1x32x128xf32, #tpu.memory_space<vmem>>
      %dma_start3A_219 = tpu.memref_squeeze %dma_start3A_218 : memref<1x32x128xf32, #tpu.memory_space<vmem>> -> memref<32x128xf32, #tpu.memory_space<vmem>>
      %dma_start3A_220 = arith.constant 0 : i32
      %dma_start3A_221 = tpu.memref_slice %arg4[%add3A_214, %dma_start3A_220, %mul3A_2] : memref<200x32x4096xf32, #tpu.memory_space<hbm>> -> memref<1x32x128xf32, #tpu.memory_space<hbm>>
      %dma_start3A_222 = tpu.memref_squeeze %dma_start3A_221 : memref<1x32x128xf32, #tpu.memory_space<hbm>> -> memref<32x128xf32, #tpu.memory_space<hbm>>
      %dma_start3A_223 = arith.constant 0 : i32
      %dma_start3A_224 = tpu.memref_slice %arg4[%add3A_214, %dma_start3A_223, %mul3A_2] : memref<200x32x4096xf32, #tpu.memory_space<hbm>> -> memref<1x32x128xf32, #tpu.memory_space<hbm>>
      %dma_start3A_225 = tpu.memref_squeeze %dma_start3A_224 : memref<1x32x128xf32, #tpu.memory_space<hbm>> -> memref<32x128xf32, #tpu.memory_space<hbm>>
      %dma_start3A_226 = arith.constant 0 : i32
      %dma_start3A_227 = arith.constant 0 : i32
      %dma_start3A_228 = tpu.memref_slice %arg8[%dma_start3A_215, %dma_start3A_226, %dma_start3A_227] : memref<2x32x128xf32, #tpu.memory_space<vmem>> -> memref<1x32x128xf32, #tpu.memory_space<vmem>>
      %dma_start3A_229 = tpu.memref_squeeze %dma_start3A_228 : memref<1x32x128xf32, #tpu.memory_space<vmem>> -> memref<32x128xf32, #tpu.memory_space<vmem>>
      tpu.enqueue_dma source(%dma_start3A_229 : memref<32x128xf32, #tpu.memory_space<vmem>>) target(%dma_start3A_225 : memref<32x128xf32, #tpu.memory_space<hbm>>) target_semaphore(%arg13 : memref<!tpu.dma_semaphore, #tpu.memory_space<semaphore_mem>>)
      %add3A_230 = arith.constant 3 : i32
      %add3A_231 = arith.addi %mul3A_84, %add3A_230 : i32
      %add3A_232 = arith.constant 3 : i32
      %add3A_233 = arith.addi %add3A_231, %add3A_232 : i32
      %lt3A_234 = arith.constant 200 : i32
      %lt3A_235 = arith.cmpi slt, %add3A_233, %lt3A_234 : i32
      %convert_element_type3A_236 = arith.extui %lt3A_235 : i1 to i32
      %cond3A_237 = arith.constant 0 : i32
      %cond3A_238 = arith.cmpi ne, %convert_element_type3A_236, %cond3A_237 : i32
      scf.if %cond3A_238 {
        %add3A_280 = arith.constant 3 : i32
        %add3A_281 = arith.addi %add3A_231, %add3A_280 : i32
        %dma_start3A_282 = arith.constant 2 : i32
        %dma_start3A_283 = arith.constant 0 : i32
        %dma_start3A_284 = arith.constant 0 : i32
        %dma_start3A_285 = tpu.memref_slice %arg7[%dma_start3A_282, %dma_start3A_283, %dma_start3A_284] : memref<4x128x128xf32, #tpu.memory_space<vmem>> -> memref<1x128x128xf32, #tpu.memory_space<vmem>>
        %dma_start3A_286 = tpu.memref_squeeze %dma_start3A_285 : memref<1x128x128xf32, #tpu.memory_space<vmem>> -> memref<128x128xf32, #tpu.memory_space<vmem>>
        %dma_start3A_287 = arith.constant 0 : i32
        %dma_start3A_288 = tpu.memref_slice %arg6[%add3A_281, %dma_start3A_287] : memref<200x128xi32, #tpu.memory_space<vmem>> -> memref<1x128xi32, #tpu.memory_space<vmem>>
        %dma_start3A_289 = tpu.memref_squeeze %dma_start3A_288 : memref<1x128xi32, #tpu.memory_space<vmem>> -> memref<128xi32, #tpu.memory_space<vmem>>
        %dma_start3A_290 = arith.constant 0 : i32
        %dma_start3A_291 = arith.constant 0 : i32
        %dma_start3A_292 = tpu.memref_slice %arg2[%dma_start3A_290, %dma_start3A_291] : memref<250000x128xf32, #tpu.memory_space<hbm>> -> memref<250000x128xf32, #tpu.memory_space<hbm>>
        tpu.enqueue_indirect_dma source(%dma_start3A_292 : memref<250000x128xf32, #tpu.memory_space<hbm>>) target(%dma_start3A_286 : memref<128x128xf32, #tpu.memory_space<vmem>>) offsets(%dma_start3A_289 : memref<128xi32, #tpu.memory_space<vmem>>) semaphore(%arg11 : memref<!tpu.dma_semaphore, #tpu.memory_space<semaphore_mem>>)
      } else {
      }
      %dma_wait3A_239 = arith.constant 0 : i32
      %dma_wait3A_240 = arith.constant 3 : i32
      %dma_wait3A_241 = arith.constant 0 : i32
      %dma_wait3A_242 = arith.constant 0 : i32
      %dma_wait3A_243 = tpu.memref_slice %arg7[%dma_wait3A_240, %dma_wait3A_241, %dma_wait3A_242] : memref<4x128x128xf32, #tpu.memory_space<vmem>> -> memref<1x128x128xf32, #tpu.memory_space<vmem>>
      %dma_wait3A_244 = tpu.memref_squeeze %dma_wait3A_243 : memref<1x128x128xf32, #tpu.memory_space<vmem>> -> memref<128x128xf32, #tpu.memory_space<vmem>>
      %dma_wait3A_245 = arith.constant 0 : i32
      %dma_wait3A_246 = tpu.memref_slice %arg6[%dma_wait3A_239, %dma_wait3A_245] : memref<200x128xi32, #tpu.memory_space<vmem>> -> memref<1x128xi32, #tpu.memory_space<vmem>>
      %dma_wait3A_247 = tpu.memref_squeeze %dma_wait3A_246 : memref<1x128xi32, #tpu.memory_space<vmem>> -> memref<128xi32, #tpu.memory_space<vmem>>
      %dma_wait3A_248 = arith.constant 0 : i32
      %dma_wait3A_249 = arith.constant 0 : i32
      %dma_wait3A_250 = tpu.memref_slice %arg2[%dma_wait3A_248, %dma_wait3A_249] : memref<250000x128xf32, #tpu.memory_space<hbm>> -> memref<250000x128xf32, #tpu.memory_space<hbm>>
      tpu.wait_indirect_dma semaphore(%arg12 : memref<!tpu.dma_semaphore, #tpu.memory_space<semaphore_mem>>) src(%dma_wait3A_250 : memref<250000x128xf32, #tpu.memory_space<hbm>>) dst(%dma_wait3A_244 : memref<128x128xf32, #tpu.memory_space<vmem>>)
      %ge3A_251 = arith.constant 2 : i32
      %ge3A_252 = arith.cmpi sge, %add3A_231, %ge3A_251 : i32
      %or3A_253 = arith.constant false
      %or3A_254 = arith.ori %or3A_253, %ge3A_252 : i1
      %convert_element_type3A_255 = arith.extui %or3A_254 : i1 to i32
      %cond3A_256 = arith.constant 0 : i32
      %cond3A_257 = arith.cmpi ne, %convert_element_type3A_255, %cond3A_256 : i32
      scf.if %cond3A_257 {
        %dma_wait3A_280 = arith.constant 1 : i32
        %dma_wait3A_281 = arith.constant 0 : i32
        %dma_wait3A_282 = arith.constant 0 : i32
        %dma_wait3A_283 = arith.constant 0 : i32
        %dma_wait3A_284 = tpu.memref_slice %arg8[%dma_wait3A_280, %dma_wait3A_282, %dma_wait3A_283] : memref<2x32x128xf32, #tpu.memory_space<vmem>> -> memref<1x32x128xf32, #tpu.memory_space<vmem>>
        %dma_wait3A_285 = tpu.memref_squeeze %dma_wait3A_284 : memref<1x32x128xf32, #tpu.memory_space<vmem>> -> memref<32x128xf32, #tpu.memory_space<vmem>>
        %dma_wait3A_286 = arith.constant 0 : i32
        %dma_wait3A_287 = tpu.memref_slice %arg4[%dma_wait3A_281, %dma_wait3A_286, %mul3A_2] : memref<200x32x4096xf32, #tpu.memory_space<hbm>> -> memref<1x32x128xf32, #tpu.memory_space<hbm>>
        %dma_wait3A_288 = tpu.memref_squeeze %dma_wait3A_287 : memref<1x32x128xf32, #tpu.memory_space<hbm>> -> memref<32x128xf32, #tpu.memory_space<hbm>>
        %dma_wait3A_289 = arith.constant 0 : i32
        %dma_wait3A_290 = tpu.memref_slice %arg4[%dma_wait3A_281, %dma_wait3A_289, %mul3A_2] : memref<200x32x4096xf32, #tpu.memory_space<hbm>> -> memref<1x32x128xf32, #tpu.memory_space<hbm>>
        %dma_wait3A_291 = tpu.memref_squeeze %dma_wait3A_290 : memref<1x32x128xf32, #tpu.memory_space<hbm>> -> memref<32x128xf32, #tpu.memory_space<hbm>>
        %dma_wait3A_292 = arith.constant 0 : i32
        %dma_wait3A_293 = arith.constant 0 : i32
        %dma_wait3A_294 = tpu.memref_slice %arg8[%dma_wait3A_280, %dma_wait3A_292, %dma_wait3A_293] : memref<2x32x128xf32, #tpu.memory_space<vmem>> -> memref<1x32x128xf32, #tpu.memory_space<vmem>>
        %dma_wait3A_295 = tpu.memref_squeeze %dma_wait3A_294 : memref<1x32x128xf32, #tpu.memory_space<vmem>> -> memref<32x128xf32, #tpu.memory_space<vmem>>
        tpu.wait_dma2 semaphore(%arg14 : memref<!tpu.dma_semaphore, #tpu.memory_space<semaphore_mem>>) src(%dma_wait3A_295 : memref<32x128xf32, #tpu.memory_space<vmem>>) dst(%dma_wait3A_291 : memref<32x128xf32, #tpu.memory_space<hbm>>)
      } else {
      }
      %scan3A_258 = arith.constant 0 : i32
      %scan3A_259 = arith.constant 8 : i32
      %scan3A_260 = arith.addi %scan3A_258, %scan3A_259 : i32
      %scan3A_261 = arith.constant 1 : i32
      scf.for %scan3A_280 = %scan3A_258 to %scan3A_260 step %scan3A_261  : i32 {
        %mul3A_281 = arith.constant 1 : i32
        %mul3A_282 = arith.muli %scan3A_280, %mul3A_281 : i32
        %add3A_283 = arith.constant 0 : i32
        %add3A_284 = arith.addi %add3A_283, %mul3A_282 : i32
        %mul3A_285 = arith.constant 16 : i32
        %mul3A_286 = arith.muli %add3A_284, %mul3A_285 : i32
        %get3A = arith.index_cast %add3A_231 : i32 to index
        %get3A_287 = arith.index_cast %mul3A_286 : i32 to index
        %get3A_288 = tpu.vector_load %arg5[%get3A, %get3A_287] {strides = array<i32>} : memref<200x128xi32, #tpu.memory_space<vmem>>, vector<16xi32>,
        %and3A = arith.constant 3 : i32
        %and3A_289 = vector.broadcast %and3A : i32 to vector<16xi32>
        %and3A_290 = arith.andi %get3A_288, %and3A_289 : vector<16xi32>
        %mul3A_291 = arith.constant 32 : i32
        %mul3A_292 = vector.broadcast %mul3A_291 : i32 to vector<16xi32>
        %mul3A_293 = arith.muli %and3A_290, %mul3A_292 : vector<16xi32>
        %add3A_294 = vector.broadcast %mul3A_286 : i32 to vector<16xi32>
        %add3A_295 = arith.addi %iota3A, %add3A_294 : vector<16xi32>
        %add3A_296 = arith.constant 0 : i32
        %add3A_297 = vector.broadcast %add3A_296 : i32 to vector<16xi32>
        %add3A_298 = arith.addi %mul3A_293, %add3A_297 : vector<16xi32>
        %gather3A = arith.constant 3 : i32
        %gather3A_299 = arith.constant 0 : i32
        %gather3A_300 = arith.constant 0 : i32
        %gather3A_301 = tpu.memref_slice %arg7[%gather3A, %gather3A_299, %gather3A_300] : memref<4x128x128xf32, #tpu.memory_space<vmem>> -> memref<1x128x128xf32, #tpu.memory_space<vmem>>
        %gather3A_302 = tpu.memref_squeeze %gather3A_301 : memref<1x128x128xf32, #tpu.memory_space<vmem>> -> memref<128x128xf32, #tpu.memory_space<vmem>>
        %gather3A_303 = tpu.vector_load_idx %gather3A_302[%add3A_295, %add3A_298] : memref<128x128xf32, #tpu.memory_space<vmem>>[vector<16xi32>, vector<16xi32>], vector<16xf32>,
        %add3A_304 = arith.constant 1 : i32
        %add3A_305 = vector.broadcast %add3A_304 : i32 to vector<16xi32>
        %add3A_306 = arith.addi %mul3A_293, %add3A_305 : vector<16xi32>
        %gather3A_307 = arith.constant 3 : i32
        %gather3A_308 = arith.constant 0 : i32
        %gather3A_309 = arith.constant 0 : i32
        %gather3A_310 = tpu.memref_slice %arg7[%gather3A_307, %gather3A_308, %gather3A_309] : memref<4x128x128xf32, #tpu.memory_space<vmem>> -> memref<1x128x128xf32, #tpu.memory_space<vmem>>
        %gather3A_311 = tpu.memref_squeeze %gather3A_310 : memref<1x128x128xf32, #tpu.memory_space<vmem>> -> memref<128x128xf32, #tpu.memory_space<vmem>>
        %gather3A_312 = tpu.vector_load_idx %gather3A_311[%add3A_295, %add3A_306] : memref<128x128xf32, #tpu.memory_space<vmem>>[vector<16xi32>, vector<16xi32>], vector<16xf32>,
        %add3A_313 = arith.constant 2 : i32
        %add3A_314 = vector.broadcast %add3A_313 : i32 to vector<16xi32>
        %add3A_315 = arith.addi %mul3A_293, %add3A_314 : vector<16xi32>
        %gather3A_316 = arith.constant 3 : i32
        %gather3A_317 = arith.constant 0 : i32
        %gather3A_318 = arith.constant 0 : i32
        %gather3A_319 = tpu.memref_slice %arg7[%gather3A_316, %gather3A_317, %gather3A_318] : memref<4x128x128xf32, #tpu.memory_space<vmem>> -> memref<1x128x128xf32, #tpu.memory_space<vmem>>
        %gather3A_320 = tpu.memref_squeeze %gather3A_319 : memref<1x128x128xf32, #tpu.memory_space<vmem>> -> memref<128x128xf32, #tpu.memory_space<vmem>>
        %gather3A_321 = tpu.vector_load_idx %gather3A_320[%add3A_295, %add3A_315] : memref<128x128xf32, #tpu.memory_space<vmem>>[vector<16xi32>, vector<16xi32>], vector<16xf32>,
        %add3A_322 = arith.constant 3 : i32
        %add3A_323 = vector.broadcast %add3A_322 : i32 to vector<16xi32>
        %add3A_324 = arith.addi %mul3A_293, %add3A_323 : vector<16xi32>
        %gather3A_325 = arith.constant 3 : i32
        %gather3A_326 = arith.constant 0 : i32
        %gather3A_327 = arith.constant 0 : i32
        %gather3A_328 = tpu.memref_slice %arg7[%gather3A_325, %gather3A_326, %gather3A_327] : memref<4x128x128xf32, #tpu.memory_space<vmem>> -> memref<1x128x128xf32, #tpu.memory_space<vmem>>
        %gather3A_329 = tpu.memref_squeeze %gather3A_328 : memref<1x128x128xf32, #tpu.memory_space<vmem>> -> memref<128x128xf32, #tpu.memory_space<vmem>>
        %gather3A_330 = tpu.vector_load_idx %gather3A_329[%add3A_295, %add3A_324] : memref<128x128xf32, #tpu.memory_space<vmem>>[vector<16xi32>, vector<16xi32>], vector<16xf32>,
        %add3A_331 = arith.constant 4 : i32
        %add3A_332 = vector.broadcast %add3A_331 : i32 to vector<16xi32>
        %add3A_333 = arith.addi %mul3A_293, %add3A_332 : vector<16xi32>
        %gather3A_334 = arith.constant 3 : i32
        %gather3A_335 = arith.constant 0 : i32
        %gather3A_336 = arith.constant 0 : i32
        %gather3A_337 = tpu.memref_slice %arg7[%gather3A_334, %gather3A_335, %gather3A_336] : memref<4x128x128xf32, #tpu.memory_space<vmem>> -> memref<1x128x128xf32, #tpu.memory_space<vmem>>
        %gather3A_338 = tpu.memref_squeeze %gather3A_337 : memref<1x128x128xf32, #tpu.memory_space<vmem>> -> memref<128x128xf32, #tpu.memory_space<vmem>>
        %gather3A_339 = tpu.vector_load_idx %gather3A_338[%add3A_295, %add3A_333] : memref<128x128xf32, #tpu.memory_space<vmem>>[vector<16xi32>, vector<16xi32>], vector<16xf32>,
        %add3A_340 = arith.constant 5 : i32
        %add3A_341 = vector.broadcast %add3A_340 : i32 to vector<16xi32>
        %add3A_342 = arith.addi %mul3A_293, %add3A_341 : vector<16xi32>
        %gather3A_343 = arith.constant 3 : i32
        %gather3A_344 = arith.constant 0 : i32
        %gather3A_345 = arith.constant 0 : i32
        %gather3A_346 = tpu.memref_slice %arg7[%gather3A_343, %gather3A_344, %gather3A_345] : memref<4x128x128xf32, #tpu.memory_space<vmem>> -> memref<1x128x128xf32, #tpu.memory_space<vmem>>
        %gather3A_347 = tpu.memref_squeeze %gather3A_346 : memref<1x128x128xf32, #tpu.memory_space<vmem>> -> memref<128x128xf32, #tpu.memory_space<vmem>>
        %gather3A_348 = tpu.vector_load_idx %gather3A_347[%add3A_295, %add3A_342] : memref<128x128xf32, #tpu.memory_space<vmem>>[vector<16xi32>, vector<16xi32>], vector<16xf32>,
        %add3A_349 = arith.constant 6 : i32
        %add3A_350 = vector.broadcast %add3A_349 : i32 to vector<16xi32>
        %add3A_351 = arith.addi %mul3A_293, %add3A_350 : vector<16xi32>
        %gather3A_352 = arith.constant 3 : i32
        %gather3A_353 = arith.constant 0 : i32
        %gather3A_354 = arith.constant 0 : i32
        %gather3A_355 = tpu.memref_slice %arg7[%gather3A_352, %gather3A_353, %gather3A_354] : memref<4x128x128xf32, #tpu.memory_space<vmem>> -> memref<1x128x128xf32, #tpu.memory_space<vmem>>
        %gather3A_356 = tpu.memref_squeeze %gather3A_355 : memref<1x128x128xf32, #tpu.memory_space<vmem>> -> memref<128x128xf32, #tpu.memory_space<vmem>>
        %gather3A_357 = tpu.vector_load_idx %gather3A_356[%add3A_295, %add3A_351] : memref<128x128xf32, #tpu.memory_space<vmem>>[vector<16xi32>, vector<16xi32>], vector<16xf32>,
        %add3A_358 = arith.constant 7 : i32
        %add3A_359 = vector.broadcast %add3A_358 : i32 to vector<16xi32>
        %add3A_360 = arith.addi %mul3A_293, %add3A_359 : vector<16xi32>
        %gather3A_361 = arith.constant 3 : i32
        %gather3A_362 = arith.constant 0 : i32
        %gather3A_363 = arith.constant 0 : i32
        %gather3A_364 = tpu.memref_slice %arg7[%gather3A_361, %gather3A_362, %gather3A_363] : memref<4x128x128xf32, #tpu.memory_space<vmem>> -> memref<1x128x128xf32, #tpu.memory_space<vmem>>
        %gather3A_365 = tpu.memref_squeeze %gather3A_364 : memref<1x128x128xf32, #tpu.memory_space<vmem>> -> memref<128x128xf32, #tpu.memory_space<vmem>>
        %gather3A_366 = tpu.vector_load_idx %gather3A_365[%add3A_295, %add3A_360] : memref<128x128xf32, #tpu.memory_space<vmem>>[vector<16xi32>, vector<16xi32>], vector<16xf32>,
        %add3A_367 = arith.constant 8 : i32
        %add3A_368 = vector.broadcast %add3A_367 : i32 to vector<16xi32>
        %add3A_369 = arith.addi %mul3A_293, %add3A_368 : vector<16xi32>
        %gather3A_370 = arith.constant 3 : i32
        %gather3A_371 = arith.constant 0 : i32
        %gather3A_372 = arith.constant 0 : i32
        %gather3A_373 = tpu.memref_slice %arg7[%gather3A_370, %gather3A_371, %gather3A_372] : memref<4x128x128xf32, #tpu.memory_space<vmem>> -> memref<1x128x128xf32, #tpu.memory_space<vmem>>
        %gather3A_374 = tpu.memref_squeeze %gather3A_373 : memref<1x128x128xf32, #tpu.memory_space<vmem>> -> memref<128x128xf32, #tpu.memory_space<vmem>>
        %gather3A_375 = tpu.vector_load_idx %gather3A_374[%add3A_295, %add3A_369] : memref<128x128xf32, #tpu.memory_space<vmem>>[vector<16xi32>, vector<16xi32>], vector<16xf32>,
        %add3A_376 = arith.constant 9 : i32
        %add3A_377 = vector.broadcast %add3A_376 : i32 to vector<16xi32>
        %add3A_378 = arith.addi %mul3A_293, %add3A_377 : vector<16xi32>
        %gather3A_379 = arith.constant 3 : i32
        %gather3A_380 = arith.constant 0 : i32
        %gather3A_381 = arith.constant 0 : i32
        %gather3A_382 = tpu.memref_slice %arg7[%gather3A_379, %gather3A_380, %gather3A_381] : memref<4x128x128xf32, #tpu.memory_space<vmem>> -> memref<1x128x128xf32, #tpu.memory_space<vmem>>
        %gather3A_383 = tpu.memref_squeeze %gather3A_382 : memref<1x128x128xf32, #tpu.memory_space<vmem>> -> memref<128x128xf32, #tpu.memory_space<vmem>>
        %gather3A_384 = tpu.vector_load_idx %gather3A_383[%add3A_295, %add3A_378] : memref<128x128xf32, #tpu.memory_space<vmem>>[vector<16xi32>, vector<16xi32>], vector<16xf32>,
        %add3A_385 = arith.constant 10 : i32
        %add3A_386 = vector.broadcast %add3A_385 : i32 to vector<16xi32>
        %add3A_387 = arith.addi %mul3A_293, %add3A_386 : vector<16xi32>
        %gather3A_388 = arith.constant 3 : i32
        %gather3A_389 = arith.constant 0 : i32
        %gather3A_390 = arith.constant 0 : i32
        %gather3A_391 = tpu.memref_slice %arg7[%gather3A_388, %gather3A_389, %gather3A_390] : memref<4x128x128xf32, #tpu.memory_space<vmem>> -> memref<1x128x128xf32, #tpu.memory_space<vmem>>
        %gather3A_392 = tpu.memref_squeeze %gather3A_391 : memref<1x128x128xf32, #tpu.memory_space<vmem>> -> memref<128x128xf32, #tpu.memory_space<vmem>>
        %gather3A_393 = tpu.vector_load_idx %gather3A_392[%add3A_295, %add3A_387] : memref<128x128xf32, #tpu.memory_space<vmem>>[vector<16xi32>, vector<16xi32>], vector<16xf32>,
        %add3A_394 = arith.constant 11 : i32
        %add3A_395 = vector.broadcast %add3A_394 : i32 to vector<16xi32>
        %add3A_396 = arith.addi %mul3A_293, %add3A_395 : vector<16xi32>
        %gather3A_397 = arith.constant 3 : i32
        %gather3A_398 = arith.constant 0 : i32
        %gather3A_399 = arith.constant 0 : i32
        %gather3A_400 = tpu.memref_slice %arg7[%gather3A_397, %gather3A_398, %gather3A_399] : memref<4x128x128xf32, #tpu.memory_space<vmem>> -> memref<1x128x128xf32, #tpu.memory_space<vmem>>
        %gather3A_401 = tpu.memref_squeeze %gather3A_400 : memref<1x128x128xf32, #tpu.memory_space<vmem>> -> memref<128x128xf32, #tpu.memory_space<vmem>>
        %gather3A_402 = tpu.vector_load_idx %gather3A_401[%add3A_295, %add3A_396] : memref<128x128xf32, #tpu.memory_space<vmem>>[vector<16xi32>, vector<16xi32>], vector<16xf32>,
        %add3A_403 = arith.constant 12 : i32
        %add3A_404 = vector.broadcast %add3A_403 : i32 to vector<16xi32>
        %add3A_405 = arith.addi %mul3A_293, %add3A_404 : vector<16xi32>
        %gather3A_406 = arith.constant 3 : i32
        %gather3A_407 = arith.constant 0 : i32
        %gather3A_408 = arith.constant 0 : i32
        %gather3A_409 = tpu.memref_slice %arg7[%gather3A_406, %gather3A_407, %gather3A_408] : memref<4x128x128xf32, #tpu.memory_space<vmem>> -> memref<1x128x128xf32, #tpu.memory_space<vmem>>
        %gather3A_410 = tpu.memref_squeeze %gather3A_409 : memref<1x128x128xf32, #tpu.memory_space<vmem>> -> memref<128x128xf32, #tpu.memory_space<vmem>>
        %gather3A_411 = tpu.vector_load_idx %gather3A_410[%add3A_295, %add3A_405] : memref<128x128xf32, #tpu.memory_space<vmem>>[vector<16xi32>, vector<16xi32>], vector<16xf32>,
        %add3A_412 = arith.constant 13 : i32
        %add3A_413 = vector.broadcast %add3A_412 : i32 to vector<16xi32>
        %add3A_414 = arith.addi %mul3A_293, %add3A_413 : vector<16xi32>
        %gather3A_415 = arith.constant 3 : i32
        %gather3A_416 = arith.constant 0 : i32
        %gather3A_417 = arith.constant 0 : i32
        %gather3A_418 = tpu.memref_slice %arg7[%gather3A_415, %gather3A_416, %gather3A_417] : memref<4x128x128xf32, #tpu.memory_space<vmem>> -> memref<1x128x128xf32, #tpu.memory_space<vmem>>
        %gather3A_419 = tpu.memref_squeeze %gather3A_418 : memref<1x128x128xf32, #tpu.memory_space<vmem>> -> memref<128x128xf32, #tpu.memory_space<vmem>>
        %gather3A_420 = tpu.vector_load_idx %gather3A_419[%add3A_295, %add3A_414] : memref<128x128xf32, #tpu.memory_space<vmem>>[vector<16xi32>, vector<16xi32>], vector<16xf32>,
        %add3A_421 = arith.constant 14 : i32
        %add3A_422 = vector.broadcast %add3A_421 : i32 to vector<16xi32>
        %add3A_423 = arith.addi %mul3A_293, %add3A_422 : vector<16xi32>
        %gather3A_424 = arith.constant 3 : i32
        %gather3A_425 = arith.constant 0 : i32
        %gather3A_426 = arith.constant 0 : i32
        %gather3A_427 = tpu.memref_slice %arg7[%gather3A_424, %gather3A_425, %gather3A_426] : memref<4x128x128xf32, #tpu.memory_space<vmem>> -> memref<1x128x128xf32, #tpu.memory_space<vmem>>
        %gather3A_428 = tpu.memref_squeeze %gather3A_427 : memref<1x128x128xf32, #tpu.memory_space<vmem>> -> memref<128x128xf32, #tpu.memory_space<vmem>>
        %gather3A_429 = tpu.vector_load_idx %gather3A_428[%add3A_295, %add3A_423] : memref<128x128xf32, #tpu.memory_space<vmem>>[vector<16xi32>, vector<16xi32>], vector<16xf32>,
        %add3A_430 = arith.constant 15 : i32
        %add3A_431 = vector.broadcast %add3A_430 : i32 to vector<16xi32>
        %add3A_432 = arith.addi %mul3A_293, %add3A_431 : vector<16xi32>
        %gather3A_433 = arith.constant 3 : i32
        %gather3A_434 = arith.constant 0 : i32
        %gather3A_435 = arith.constant 0 : i32
        %gather3A_436 = tpu.memref_slice %arg7[%gather3A_433, %gather3A_434, %gather3A_435] : memref<4x128x128xf32, #tpu.memory_space<vmem>> -> memref<1x128x128xf32, #tpu.memory_space<vmem>>
        %gather3A_437 = tpu.memref_squeeze %gather3A_436 : memref<1x128x128xf32, #tpu.memory_space<vmem>> -> memref<128x128xf32, #tpu.memory_space<vmem>>
        %gather3A_438 = tpu.vector_load_idx %gather3A_437[%add3A_295, %add3A_432] : memref<128x128xf32, #tpu.memory_space<vmem>>[vector<16xi32>, vector<16xi32>], vector<16xf32>,
        %swap3A = arith.constant 1 : i32
        %swap3A_439 = arith.constant 0 : i32
        %swap3A_440 = arith.index_cast %swap3A : i32 to index
        %swap3A_441 = arith.index_cast %swap3A_439 : i32 to index
        %swap3A_442 = arith.index_cast %mul3A_286 : i32 to index
        %swap3A_443 = tpu.vector_load %arg8[%swap3A_440, %swap3A_441, %swap3A_442] {strides = array<i32>} : memref<2x32x128xf32, #tpu.memory_space<vmem>>, vector<16xf32>,
        tpu.vector_store %arg8[%swap3A_440, %swap3A_441, %swap3A_442], %gather3A_303 {strides = array<i32>} : memref<2x32x128xf32, #tpu.memory_space<vmem>>, vector<16xf32>,
        %swap3A_444 = arith.constant 1 : i32
        %swap3A_445 = arith.constant 1 : i32
        %swap3A_446 = arith.index_cast %swap3A_444 : i32 to index
        %swap3A_447 = arith.index_cast %swap3A_445 : i32 to index
        %swap3A_448 = arith.index_cast %mul3A_286 : i32 to index
        %swap3A_449 = tpu.vector_load %arg8[%swap3A_446, %swap3A_447, %swap3A_448] {strides = array<i32>} : memref<2x32x128xf32, #tpu.memory_space<vmem>>, vector<16xf32>,
        tpu.vector_store %arg8[%swap3A_446, %swap3A_447, %swap3A_448], %gather3A_312 {strides = array<i32>} : memref<2x32x128xf32, #tpu.memory_space<vmem>>, vector<16xf32>,
        %swap3A_450 = arith.constant 1 : i32
        %swap3A_451 = arith.constant 2 : i32
        %swap3A_452 = arith.index_cast %swap3A_450 : i32 to index
        %swap3A_453 = arith.index_cast %swap3A_451 : i32 to index
        %swap3A_454 = arith.index_cast %mul3A_286 : i32 to index
        %swap3A_455 = tpu.vector_load %arg8[%swap3A_452, %swap3A_453, %swap3A_454] {strides = array<i32>} : memref<2x32x128xf32, #tpu.memory_space<vmem>>, vector<16xf32>,
        tpu.vector_store %arg8[%swap3A_452, %swap3A_453, %swap3A_454], %gather3A_321 {strides = array<i32>} : memref<2x32x128xf32, #tpu.memory_space<vmem>>, vector<16xf32>,
        %swap3A_456 = arith.constant 1 : i32
        %swap3A_457 = arith.constant 3 : i32
        %swap3A_458 = arith.index_cast %swap3A_456 : i32 to index
        %swap3A_459 = arith.index_cast %swap3A_457 : i32 to index
        %swap3A_460 = arith.index_cast %mul3A_286 : i32 to index
        %swap3A_461 = tpu.vector_load %arg8[%swap3A_458, %swap3A_459, %swap3A_460] {strides = array<i32>} : memref<2x32x128xf32, #tpu.memory_space<vmem>>, vector<16xf32>,
        tpu.vector_store %arg8[%swap3A_458, %swap3A_459, %swap3A_460], %gather3A_330 {strides = array<i32>} : memref<2x32x128xf32, #tpu.memory_space<vmem>>, vector<16xf32>,
        %swap3A_462 = arith.constant 1 : i32
        %swap3A_463 = arith.constant 4 : i32
        %swap3A_464 = arith.index_cast %swap3A_462 : i32 to index
        %swap3A_465 = arith.index_cast %swap3A_463 : i32 to index
        %swap3A_466 = arith.index_cast %mul3A_286 : i32 to index
        %swap3A_467 = tpu.vector_load %arg8[%swap3A_464, %swap3A_465, %swap3A_466] {strides = array<i32>} : memref<2x32x128xf32, #tpu.memory_space<vmem>>, vector<16xf32>,
        tpu.vector_store %arg8[%swap3A_464, %swap3A_465, %swap3A_466], %gather3A_339 {strides = array<i32>} : memref<2x32x128xf32, #tpu.memory_space<vmem>>, vector<16xf32>,
        %swap3A_468 = arith.constant 1 : i32
        %swap3A_469 = arith.constant 5 : i32
        %swap3A_470 = arith.index_cast %swap3A_468 : i32 to index
        %swap3A_471 = arith.index_cast %swap3A_469 : i32 to index
        %swap3A_472 = arith.index_cast %mul3A_286 : i32 to index
        %swap3A_473 = tpu.vector_load %arg8[%swap3A_470, %swap3A_471, %swap3A_472] {strides = array<i32>} : memref<2x32x128xf32, #tpu.memory_space<vmem>>, vector<16xf32>,
        tpu.vector_store %arg8[%swap3A_470, %swap3A_471, %swap3A_472], %gather3A_348 {strides = array<i32>} : memref<2x32x128xf32, #tpu.memory_space<vmem>>, vector<16xf32>,
        %swap3A_474 = arith.constant 1 : i32
        %swap3A_475 = arith.constant 6 : i32
        %swap3A_476 = arith.index_cast %swap3A_474 : i32 to index
        %swap3A_477 = arith.index_cast %swap3A_475 : i32 to index
        %swap3A_478 = arith.index_cast %mul3A_286 : i32 to index
        %swap3A_479 = tpu.vector_load %arg8[%swap3A_476, %swap3A_477, %swap3A_478] {strides = array<i32>} : memref<2x32x128xf32, #tpu.memory_space<vmem>>, vector<16xf32>,
        tpu.vector_store %arg8[%swap3A_476, %swap3A_477, %swap3A_478], %gather3A_357 {strides = array<i32>} : memref<2x32x128xf32, #tpu.memory_space<vmem>>, vector<16xf32>,
        %swap3A_480 = arith.constant 1 : i32
        %swap3A_481 = arith.constant 7 : i32
        %swap3A_482 = arith.index_cast %swap3A_480 : i32 to index
        %swap3A_483 = arith.index_cast %swap3A_481 : i32 to index
        %swap3A_484 = arith.index_cast %mul3A_286 : i32 to index
        %swap3A_485 = tpu.vector_load %arg8[%swap3A_482, %swap3A_483, %swap3A_484] {strides = array<i32>} : memref<2x32x128xf32, #tpu.memory_space<vmem>>, vector<16xf32>,
        tpu.vector_store %arg8[%swap3A_482, %swap3A_483, %swap3A_484], %gather3A_366 {strides = array<i32>} : memref<2x32x128xf32, #tpu.memory_space<vmem>>, vector<16xf32>,
        %swap3A_486 = arith.constant 1 : i32
        %swap3A_487 = arith.constant 8 : i32
        %swap3A_488 = arith.index_cast %swap3A_486 : i32 to index
        %swap3A_489 = arith.index_cast %swap3A_487 : i32 to index
        %swap3A_490 = arith.index_cast %mul3A_286 : i32 to index
        %swap3A_491 = tpu.vector_load %arg8[%swap3A_488, %swap3A_489, %swap3A_490] {strides = array<i32>} : memref<2x32x128xf32, #tpu.memory_space<vmem>>, vector<16xf32>,
        tpu.vector_store %arg8[%swap3A_488, %swap3A_489, %swap3A_490], %gather3A_375 {strides = array<i32>} : memref<2x32x128xf32, #tpu.memory_space<vmem>>, vector<16xf32>,
        %swap3A_492 = arith.constant 1 : i32
        %swap3A_493 = arith.constant 9 : i32
        %swap3A_494 = arith.index_cast %swap3A_492 : i32 to index
        %swap3A_495 = arith.index_cast %swap3A_493 : i32 to index
        %swap3A_496 = arith.index_cast %mul3A_286 : i32 to index
        %swap3A_497 = tpu.vector_load %arg8[%swap3A_494, %swap3A_495, %swap3A_496] {strides = array<i32>} : memref<2x32x128xf32, #tpu.memory_space<vmem>>, vector<16xf32>,
        tpu.vector_store %arg8[%swap3A_494, %swap3A_495, %swap3A_496], %gather3A_384 {strides = array<i32>} : memref<2x32x128xf32, #tpu.memory_space<vmem>>, vector<16xf32>,
        %swap3A_498 = arith.constant 1 : i32
        %swap3A_499 = arith.constant 10 : i32
        %swap3A_500 = arith.index_cast %swap3A_498 : i32 to index
        %swap3A_501 = arith.index_cast %swap3A_499 : i32 to index
        %swap3A_502 = arith.index_cast %mul3A_286 : i32 to index
        %swap3A_503 = tpu.vector_load %arg8[%swap3A_500, %swap3A_501, %swap3A_502] {strides = array<i32>} : memref<2x32x128xf32, #tpu.memory_space<vmem>>, vector<16xf32>,
        tpu.vector_store %arg8[%swap3A_500, %swap3A_501, %swap3A_502], %gather3A_393 {strides = array<i32>} : memref<2x32x128xf32, #tpu.memory_space<vmem>>, vector<16xf32>,
        %swap3A_504 = arith.constant 1 : i32
        %swap3A_505 = arith.constant 11 : i32
        %swap3A_506 = arith.index_cast %swap3A_504 : i32 to index
        %swap3A_507 = arith.index_cast %swap3A_505 : i32 to index
        %swap3A_508 = arith.index_cast %mul3A_286 : i32 to index
        %swap3A_509 = tpu.vector_load %arg8[%swap3A_506, %swap3A_507, %swap3A_508] {strides = array<i32>} : memref<2x32x128xf32, #tpu.memory_space<vmem>>, vector<16xf32>,
        tpu.vector_store %arg8[%swap3A_506, %swap3A_507, %swap3A_508], %gather3A_402 {strides = array<i32>} : memref<2x32x128xf32, #tpu.memory_space<vmem>>, vector<16xf32>,
        %swap3A_510 = arith.constant 1 : i32
        %swap3A_511 = arith.constant 12 : i32
        %swap3A_512 = arith.index_cast %swap3A_510 : i32 to index
        %swap3A_513 = arith.index_cast %swap3A_511 : i32 to index
        %swap3A_514 = arith.index_cast %mul3A_286 : i32 to index
        %swap3A_515 = tpu.vector_load %arg8[%swap3A_512, %swap3A_513, %swap3A_514] {strides = array<i32>} : memref<2x32x128xf32, #tpu.memory_space<vmem>>, vector<16xf32>,
        tpu.vector_store %arg8[%swap3A_512, %swap3A_513, %swap3A_514], %gather3A_411 {strides = array<i32>} : memref<2x32x128xf32, #tpu.memory_space<vmem>>, vector<16xf32>,
        %swap3A_516 = arith.constant 1 : i32
        %swap3A_517 = arith.constant 13 : i32
        %swap3A_518 = arith.index_cast %swap3A_516 : i32 to index
        %swap3A_519 = arith.index_cast %swap3A_517 : i32 to index
        %swap3A_520 = arith.index_cast %mul3A_286 : i32 to index
        %swap3A_521 = tpu.vector_load %arg8[%swap3A_518, %swap3A_519, %swap3A_520] {strides = array<i32>} : memref<2x32x128xf32, #tpu.memory_space<vmem>>, vector<16xf32>,
        tpu.vector_store %arg8[%swap3A_518, %swap3A_519, %swap3A_520], %gather3A_420 {strides = array<i32>} : memref<2x32x128xf32, #tpu.memory_space<vmem>>, vector<16xf32>,
        %swap3A_522 = arith.constant 1 : i32
        %swap3A_523 = arith.constant 14 : i32
        %swap3A_524 = arith.index_cast %swap3A_522 : i32 to index
        %swap3A_525 = arith.index_cast %swap3A_523 : i32 to index
        %swap3A_526 = arith.index_cast %mul3A_286 : i32 to index
        %swap3A_527 = tpu.vector_load %arg8[%swap3A_524, %swap3A_525, %swap3A_526] {strides = array<i32>} : memref<2x32x128xf32, #tpu.memory_space<vmem>>, vector<16xf32>,
        tpu.vector_store %arg8[%swap3A_524, %swap3A_525, %swap3A_526], %gather3A_429 {strides = array<i32>} : memref<2x32x128xf32, #tpu.memory_space<vmem>>, vector<16xf32>,
        %swap3A_528 = arith.constant 1 : i32
        %swap3A_529 = arith.constant 15 : i32
        %swap3A_530 = arith.index_cast %swap3A_528 : i32 to index
        %swap3A_531 = arith.index_cast %swap3A_529 : i32 to index
        %swap3A_532 = arith.index_cast %mul3A_286 : i32 to index
        %swap3A_533 = tpu.vector_load %arg8[%swap3A_530, %swap3A_531, %swap3A_532] {strides = array<i32>} : memref<2x32x128xf32, #tpu.memory_space<vmem>>, vector<16xf32>,
        tpu.vector_store %arg8[%swap3A_530, %swap3A_531, %swap3A_532], %gather3A_438 {strides = array<i32>} : memref<2x32x128xf32, #tpu.memory_space<vmem>>, vector<16xf32>,
        %add3A_534 = arith.constant 16 : i32
        %add3A_535 = vector.broadcast %add3A_534 : i32 to vector<16xi32>
        %add3A_536 = arith.addi %mul3A_293, %add3A_535 : vector<16xi32>
        %gather3A_537 = arith.constant 3 : i32
        %gather3A_538 = arith.constant 0 : i32
        %gather3A_539 = arith.constant 0 : i32
        %gather3A_540 = tpu.memref_slice %arg7[%gather3A_537, %gather3A_538, %gather3A_539] : memref<4x128x128xf32, #tpu.memory_space<vmem>> -> memref<1x128x128xf32, #tpu.memory_space<vmem>>
        %gather3A_541 = tpu.memref_squeeze %gather3A_540 : memref<1x128x128xf32, #tpu.memory_space<vmem>> -> memref<128x128xf32, #tpu.memory_space<vmem>>
        %gather3A_542 = tpu.vector_load_idx %gather3A_541[%add3A_295, %add3A_536] : memref<128x128xf32, #tpu.memory_space<vmem>>[vector<16xi32>, vector<16xi32>], vector<16xf32>,
        %add3A_543 = arith.constant 17 : i32
        %add3A_544 = vector.broadcast %add3A_543 : i32 to vector<16xi32>
        %add3A_545 = arith.addi %mul3A_293, %add3A_544 : vector<16xi32>
        %gather3A_546 = arith.constant 3 : i32
        %gather3A_547 = arith.constant 0 : i32
        %gather3A_548 = arith.constant 0 : i32
        %gather3A_549 = tpu.memref_slice %arg7[%gather3A_546, %gather3A_547, %gather3A_548] : memref<4x128x128xf32, #tpu.memory_space<vmem>> -> memref<1x128x128xf32, #tpu.memory_space<vmem>>
        %gather3A_550 = tpu.memref_squeeze %gather3A_549 : memref<1x128x128xf32, #tpu.memory_space<vmem>> -> memref<128x128xf32, #tpu.memory_space<vmem>>
        %gather3A_551 = tpu.vector_load_idx %gather3A_550[%add3A_295, %add3A_545] : memref<128x128xf32, #tpu.memory_space<vmem>>[vector<16xi32>, vector<16xi32>], vector<16xf32>,
        %add3A_552 = arith.constant 18 : i32
        %add3A_553 = vector.broadcast %add3A_552 : i32 to vector<16xi32>
        %add3A_554 = arith.addi %mul3A_293, %add3A_553 : vector<16xi32>
        %gather3A_555 = arith.constant 3 : i32
        %gather3A_556 = arith.constant 0 : i32
        %gather3A_557 = arith.constant 0 : i32
        %gather3A_558 = tpu.memref_slice %arg7[%gather3A_555, %gather3A_556, %gather3A_557] : memref<4x128x128xf32, #tpu.memory_space<vmem>> -> memref<1x128x128xf32, #tpu.memory_space<vmem>>
        %gather3A_559 = tpu.memref_squeeze %gather3A_558 : memref<1x128x128xf32, #tpu.memory_space<vmem>> -> memref<128x128xf32, #tpu.memory_space<vmem>>
        %gather3A_560 = tpu.vector_load_idx %gather3A_559[%add3A_295, %add3A_554] : memref<128x128xf32, #tpu.memory_space<vmem>>[vector<16xi32>, vector<16xi32>], vector<16xf32>,
        %add3A_561 = arith.constant 19 : i32
        %add3A_562 = vector.broadcast %add3A_561 : i32 to vector<16xi32>
        %add3A_563 = arith.addi %mul3A_293, %add3A_562 : vector<16xi32>
        %gather3A_564 = arith.constant 3 : i32
        %gather3A_565 = arith.constant 0 : i32
        %gather3A_566 = arith.constant 0 : i32
        %gather3A_567 = tpu.memref_slice %arg7[%gather3A_564, %gather3A_565, %gather3A_566] : memref<4x128x128xf32, #tpu.memory_space<vmem>> -> memref<1x128x128xf32, #tpu.memory_space<vmem>>
        %gather3A_568 = tpu.memref_squeeze %gather3A_567 : memref<1x128x128xf32, #tpu.memory_space<vmem>> -> memref<128x128xf32, #tpu.memory_space<vmem>>
        %gather3A_569 = tpu.vector_load_idx %gather3A_568[%add3A_295, %add3A_563] : memref<128x128xf32, #tpu.memory_space<vmem>>[vector<16xi32>, vector<16xi32>], vector<16xf32>,
        %add3A_570 = arith.constant 20 : i32
        %add3A_571 = vector.broadcast %add3A_570 : i32 to vector<16xi32>
        %add3A_572 = arith.addi %mul3A_293, %add3A_571 : vector<16xi32>
        %gather3A_573 = arith.constant 3 : i32
        %gather3A_574 = arith.constant 0 : i32
        %gather3A_575 = arith.constant 0 : i32
        %gather3A_576 = tpu.memref_slice %arg7[%gather3A_573, %gather3A_574, %gather3A_575] : memref<4x128x128xf32, #tpu.memory_space<vmem>> -> memref<1x128x128xf32, #tpu.memory_space<vmem>>
        %gather3A_577 = tpu.memref_squeeze %gather3A_576 : memref<1x128x128xf32, #tpu.memory_space<vmem>> -> memref<128x128xf32, #tpu.memory_space<vmem>>
        %gather3A_578 = tpu.vector_load_idx %gather3A_577[%add3A_295, %add3A_572] : memref<128x128xf32, #tpu.memory_space<vmem>>[vector<16xi32>, vector<16xi32>], vector<16xf32>,
        %add3A_579 = arith.constant 21 : i32
        %add3A_580 = vector.broadcast %add3A_579 : i32 to vector<16xi32>
        %add3A_581 = arith.addi %mul3A_293, %add3A_580 : vector<16xi32>
        %gather3A_582 = arith.constant 3 : i32
        %gather3A_583 = arith.constant 0 : i32
        %gather3A_584 = arith.constant 0 : i32
        %gather3A_585 = tpu.memref_slice %arg7[%gather3A_582, %gather3A_583, %gather3A_584] : memref<4x128x128xf32, #tpu.memory_space<vmem>> -> memref<1x128x128xf32, #tpu.memory_space<vmem>>
        %gather3A_586 = tpu.memref_squeeze %gather3A_585 : memref<1x128x128xf32, #tpu.memory_space<vmem>> -> memref<128x128xf32, #tpu.memory_space<vmem>>
        %gather3A_587 = tpu.vector_load_idx %gather3A_586[%add3A_295, %add3A_581] : memref<128x128xf32, #tpu.memory_space<vmem>>[vector<16xi32>, vector<16xi32>], vector<16xf32>,
        %add3A_588 = arith.constant 22 : i32
        %add3A_589 = vector.broadcast %add3A_588 : i32 to vector<16xi32>
        %add3A_590 = arith.addi %mul3A_293, %add3A_589 : vector<16xi32>
        %gather3A_591 = arith.constant 3 : i32
        %gather3A_592 = arith.constant 0 : i32
        %gather3A_593 = arith.constant 0 : i32
        %gather3A_594 = tpu.memref_slice %arg7[%gather3A_591, %gather3A_592, %gather3A_593] : memref<4x128x128xf32, #tpu.memory_space<vmem>> -> memref<1x128x128xf32, #tpu.memory_space<vmem>>
        %gather3A_595 = tpu.memref_squeeze %gather3A_594 : memref<1x128x128xf32, #tpu.memory_space<vmem>> -> memref<128x128xf32, #tpu.memory_space<vmem>>
        %gather3A_596 = tpu.vector_load_idx %gather3A_595[%add3A_295, %add3A_590] : memref<128x128xf32, #tpu.memory_space<vmem>>[vector<16xi32>, vector<16xi32>], vector<16xf32>,
        %add3A_597 = arith.constant 23 : i32
        %add3A_598 = vector.broadcast %add3A_597 : i32 to vector<16xi32>
        %add3A_599 = arith.addi %mul3A_293, %add3A_598 : vector<16xi32>
        %gather3A_600 = arith.constant 3 : i32
        %gather3A_601 = arith.constant 0 : i32
        %gather3A_602 = arith.constant 0 : i32
        %gather3A_603 = tpu.memref_slice %arg7[%gather3A_600, %gather3A_601, %gather3A_602] : memref<4x128x128xf32, #tpu.memory_space<vmem>> -> memref<1x128x128xf32, #tpu.memory_space<vmem>>
        %gather3A_604 = tpu.memref_squeeze %gather3A_603 : memref<1x128x128xf32, #tpu.memory_space<vmem>> -> memref<128x128xf32, #tpu.memory_space<vmem>>
        %gather3A_605 = tpu.vector_load_idx %gather3A_604[%add3A_295, %add3A_599] : memref<128x128xf32, #tpu.memory_space<vmem>>[vector<16xi32>, vector<16xi32>], vector<16xf32>,
        %add3A_606 = arith.constant 24 : i32
        %add3A_607 = vector.broadcast %add3A_606 : i32 to vector<16xi32>
        %add3A_608 = arith.addi %mul3A_293, %add3A_607 : vector<16xi32>
        %gather3A_609 = arith.constant 3 : i32
        %gather3A_610 = arith.constant 0 : i32
        %gather3A_611 = arith.constant 0 : i32
        %gather3A_612 = tpu.memref_slice %arg7[%gather3A_609, %gather3A_610, %gather3A_611] : memref<4x128x128xf32, #tpu.memory_space<vmem>> -> memref<1x128x128xf32, #tpu.memory_space<vmem>>
        %gather3A_613 = tpu.memref_squeeze %gather3A_612 : memref<1x128x128xf32, #tpu.memory_space<vmem>> -> memref<128x128xf32, #tpu.memory_space<vmem>>
        %gather3A_614 = tpu.vector_load_idx %gather3A_613[%add3A_295, %add3A_608] : memref<128x128xf32, #tpu.memory_space<vmem>>[vector<16xi32>, vector<16xi32>], vector<16xf32>,
        %add3A_615 = arith.constant 25 : i32
        %add3A_616 = vector.broadcast %add3A_615 : i32 to vector<16xi32>
        %add3A_617 = arith.addi %mul3A_293, %add3A_616 : vector<16xi32>
        %gather3A_618 = arith.constant 3 : i32
        %gather3A_619 = arith.constant 0 : i32
        %gather3A_620 = arith.constant 0 : i32
        %gather3A_621 = tpu.memref_slice %arg7[%gather3A_618, %gather3A_619, %gather3A_620] : memref<4x128x128xf32, #tpu.memory_space<vmem>> -> memref<1x128x128xf32, #tpu.memory_space<vmem>>
        %gather3A_622 = tpu.memref_squeeze %gather3A_621 : memref<1x128x128xf32, #tpu.memory_space<vmem>> -> memref<128x128xf32, #tpu.memory_space<vmem>>
        %gather3A_623 = tpu.vector_load_idx %gather3A_622[%add3A_295, %add3A_617] : memref<128x128xf32, #tpu.memory_space<vmem>>[vector<16xi32>, vector<16xi32>], vector<16xf32>,
        %add3A_624 = arith.constant 26 : i32
        %add3A_625 = vector.broadcast %add3A_624 : i32 to vector<16xi32>
        %add3A_626 = arith.addi %mul3A_293, %add3A_625 : vector<16xi32>
        %gather3A_627 = arith.constant 3 : i32
        %gather3A_628 = arith.constant 0 : i32
        %gather3A_629 = arith.constant 0 : i32
        %gather3A_630 = tpu.memref_slice %arg7[%gather3A_627, %gather3A_628, %gather3A_629] : memref<4x128x128xf32, #tpu.memory_space<vmem>> -> memref<1x128x128xf32, #tpu.memory_space<vmem>>
        %gather3A_631 = tpu.memref_squeeze %gather3A_630 : memref<1x128x128xf32, #tpu.memory_space<vmem>> -> memref<128x128xf32, #tpu.memory_space<vmem>>
        %gather3A_632 = tpu.vector_load_idx %gather3A_631[%add3A_295, %add3A_626] : memref<128x128xf32, #tpu.memory_space<vmem>>[vector<16xi32>, vector<16xi32>], vector<16xf32>,
        %add3A_633 = arith.constant 27 : i32
        %add3A_634 = vector.broadcast %add3A_633 : i32 to vector<16xi32>
        %add3A_635 = arith.addi %mul3A_293, %add3A_634 : vector<16xi32>
        %gather3A_636 = arith.constant 3 : i32
        %gather3A_637 = arith.constant 0 : i32
        %gather3A_638 = arith.constant 0 : i32
        %gather3A_639 = tpu.memref_slice %arg7[%gather3A_636, %gather3A_637, %gather3A_638] : memref<4x128x128xf32, #tpu.memory_space<vmem>> -> memref<1x128x128xf32, #tpu.memory_space<vmem>>
        %gather3A_640 = tpu.memref_squeeze %gather3A_639 : memref<1x128x128xf32, #tpu.memory_space<vmem>> -> memref<128x128xf32, #tpu.memory_space<vmem>>
        %gather3A_641 = tpu.vector_load_idx %gather3A_640[%add3A_295, %add3A_635] : memref<128x128xf32, #tpu.memory_space<vmem>>[vector<16xi32>, vector<16xi32>], vector<16xf32>,
        %add3A_642 = arith.constant 28 : i32
        %add3A_643 = vector.broadcast %add3A_642 : i32 to vector<16xi32>
        %add3A_644 = arith.addi %mul3A_293, %add3A_643 : vector<16xi32>
        %gather3A_645 = arith.constant 3 : i32
        %gather3A_646 = arith.constant 0 : i32
        %gather3A_647 = arith.constant 0 : i32
        %gather3A_648 = tpu.memref_slice %arg7[%gather3A_645, %gather3A_646, %gather3A_647] : memref<4x128x128xf32, #tpu.memory_space<vmem>> -> memref<1x128x128xf32, #tpu.memory_space<vmem>>
        %gather3A_649 = tpu.memref_squeeze %gather3A_648 : memref<1x128x128xf32, #tpu.memory_space<vmem>> -> memref<128x128xf32, #tpu.memory_space<vmem>>
        %gather3A_650 = tpu.vector_load_idx %gather3A_649[%add3A_295, %add3A_644] : memref<128x128xf32, #tpu.memory_space<vmem>>[vector<16xi32>, vector<16xi32>], vector<16xf32>,
        %add3A_651 = arith.constant 29 : i32
        %add3A_652 = vector.broadcast %add3A_651 : i32 to vector<16xi32>
        %add3A_653 = arith.addi %mul3A_293, %add3A_652 : vector<16xi32>
        %gather3A_654 = arith.constant 3 : i32
        %gather3A_655 = arith.constant 0 : i32
        %gather3A_656 = arith.constant 0 : i32
        %gather3A_657 = tpu.memref_slice %arg7[%gather3A_654, %gather3A_655, %gather3A_656] : memref<4x128x128xf32, #tpu.memory_space<vmem>> -> memref<1x128x128xf32, #tpu.memory_space<vmem>>
        %gather3A_658 = tpu.memref_squeeze %gather3A_657 : memref<1x128x128xf32, #tpu.memory_space<vmem>> -> memref<128x128xf32, #tpu.memory_space<vmem>>
        %gather3A_659 = tpu.vector_load_idx %gather3A_658[%add3A_295, %add3A_653] : memref<128x128xf32, #tpu.memory_space<vmem>>[vector<16xi32>, vector<16xi32>], vector<16xf32>,
        %add3A_660 = arith.constant 30 : i32
        %add3A_661 = vector.broadcast %add3A_660 : i32 to vector<16xi32>
        %add3A_662 = arith.addi %mul3A_293, %add3A_661 : vector<16xi32>
        %gather3A_663 = arith.constant 3 : i32
        %gather3A_664 = arith.constant 0 : i32
        %gather3A_665 = arith.constant 0 : i32
        %gather3A_666 = tpu.memref_slice %arg7[%gather3A_663, %gather3A_664, %gather3A_665] : memref<4x128x128xf32, #tpu.memory_space<vmem>> -> memref<1x128x128xf32, #tpu.memory_space<vmem>>
        %gather3A_667 = tpu.memref_squeeze %gather3A_666 : memref<1x128x128xf32, #tpu.memory_space<vmem>> -> memref<128x128xf32, #tpu.memory_space<vmem>>
        %gather3A_668 = tpu.vector_load_idx %gather3A_667[%add3A_295, %add3A_662] : memref<128x128xf32, #tpu.memory_space<vmem>>[vector<16xi32>, vector<16xi32>], vector<16xf32>,
        %add3A_669 = arith.constant 31 : i32
        %add3A_670 = vector.broadcast %add3A_669 : i32 to vector<16xi32>
        %add3A_671 = arith.addi %mul3A_293, %add3A_670 : vector<16xi32>
        %gather3A_672 = arith.constant 3 : i32
        %gather3A_673 = arith.constant 0 : i32
        %gather3A_674 = arith.constant 0 : i32
        %gather3A_675 = tpu.memref_slice %arg7[%gather3A_672, %gather3A_673, %gather3A_674] : memref<4x128x128xf32, #tpu.memory_space<vmem>> -> memref<1x128x128xf32, #tpu.memory_space<vmem>>
        %gather3A_676 = tpu.memref_squeeze %gather3A_675 : memref<1x128x128xf32, #tpu.memory_space<vmem>> -> memref<128x128xf32, #tpu.memory_space<vmem>>
        %gather3A_677 = tpu.vector_load_idx %gather3A_676[%add3A_295, %add3A_671] : memref<128x128xf32, #tpu.memory_space<vmem>>[vector<16xi32>, vector<16xi32>], vector<16xf32>,
        %swap3A_678 = arith.constant 1 : i32
        %swap3A_679 = arith.constant 16 : i32
        %swap3A_680 = arith.index_cast %swap3A_678 : i32 to index
        %swap3A_681 = arith.index_cast %swap3A_679 : i32 to index
        %swap3A_682 = arith.index_cast %mul3A_286 : i32 to index
        %swap3A_683 = tpu.vector_load %arg8[%swap3A_680, %swap3A_681, %swap3A_682] {strides = array<i32>} : memref<2x32x128xf32, #tpu.memory_space<vmem>>, vector<16xf32>,
        tpu.vector_store %arg8[%swap3A_680, %swap3A_681, %swap3A_682], %gather3A_542 {strides = array<i32>} : memref<2x32x128xf32, #tpu.memory_space<vmem>>, vector<16xf32>,
        %swap3A_684 = arith.constant 1 : i32
        %swap3A_685 = arith.constant 17 : i32
        %swap3A_686 = arith.index_cast %swap3A_684 : i32 to index
        %swap3A_687 = arith.index_cast %swap3A_685 : i32 to index
        %swap3A_688 = arith.index_cast %mul3A_286 : i32 to index
        %swap3A_689 = tpu.vector_load %arg8[%swap3A_686, %swap3A_687, %swap3A_688] {strides = array<i32>} : memref<2x32x128xf32, #tpu.memory_space<vmem>>, vector<16xf32>,
        tpu.vector_store %arg8[%swap3A_686, %swap3A_687, %swap3A_688], %gather3A_551 {strides = array<i32>} : memref<2x32x128xf32, #tpu.memory_space<vmem>>, vector<16xf32>,
        %swap3A_690 = arith.constant 1 : i32
        %swap3A_691 = arith.constant 18 : i32
        %swap3A_692 = arith.index_cast %swap3A_690 : i32 to index
        %swap3A_693 = arith.index_cast %swap3A_691 : i32 to index
        %swap3A_694 = arith.index_cast %mul3A_286 : i32 to index
        %swap3A_695 = tpu.vector_load %arg8[%swap3A_692, %swap3A_693, %swap3A_694] {strides = array<i32>} : memref<2x32x128xf32, #tpu.memory_space<vmem>>, vector<16xf32>,
        tpu.vector_store %arg8[%swap3A_692, %swap3A_693, %swap3A_694], %gather3A_560 {strides = array<i32>} : memref<2x32x128xf32, #tpu.memory_space<vmem>>, vector<16xf32>,
        %swap3A_696 = arith.constant 1 : i32
        %swap3A_697 = arith.constant 19 : i32
        %swap3A_698 = arith.index_cast %swap3A_696 : i32 to index
        %swap3A_699 = arith.index_cast %swap3A_697 : i32 to index
        %swap3A_700 = arith.index_cast %mul3A_286 : i32 to index
        %swap3A_701 = tpu.vector_load %arg8[%swap3A_698, %swap3A_699, %swap3A_700] {strides = array<i32>} : memref<2x32x128xf32, #tpu.memory_space<vmem>>, vector<16xf32>,
        tpu.vector_store %arg8[%swap3A_698, %swap3A_699, %swap3A_700], %gather3A_569 {strides = array<i32>} : memref<2x32x128xf32, #tpu.memory_space<vmem>>, vector<16xf32>,
        %swap3A_702 = arith.constant 1 : i32
        %swap3A_703 = arith.constant 20 : i32
        %swap3A_704 = arith.index_cast %swap3A_702 : i32 to index
        %swap3A_705 = arith.index_cast %swap3A_703 : i32 to index
        %swap3A_706 = arith.index_cast %mul3A_286 : i32 to index
        %swap3A_707 = tpu.vector_load %arg8[%swap3A_704, %swap3A_705, %swap3A_706] {strides = array<i32>} : memref<2x32x128xf32, #tpu.memory_space<vmem>>, vector<16xf32>,
        tpu.vector_store %arg8[%swap3A_704, %swap3A_705, %swap3A_706], %gather3A_578 {strides = array<i32>} : memref<2x32x128xf32, #tpu.memory_space<vmem>>, vector<16xf32>,
        %swap3A_708 = arith.constant 1 : i32
        %swap3A_709 = arith.constant 21 : i32
        %swap3A_710 = arith.index_cast %swap3A_708 : i32 to index
        %swap3A_711 = arith.index_cast %swap3A_709 : i32 to index
        %swap3A_712 = arith.index_cast %mul3A_286 : i32 to index
        %swap3A_713 = tpu.vector_load %arg8[%swap3A_710, %swap3A_711, %swap3A_712] {strides = array<i32>} : memref<2x32x128xf32, #tpu.memory_space<vmem>>, vector<16xf32>,
        tpu.vector_store %arg8[%swap3A_710, %swap3A_711, %swap3A_712], %gather3A_587 {strides = array<i32>} : memref<2x32x128xf32, #tpu.memory_space<vmem>>, vector<16xf32>,
        %swap3A_714 = arith.constant 1 : i32
        %swap3A_715 = arith.constant 22 : i32
        %swap3A_716 = arith.index_cast %swap3A_714 : i32 to index
        %swap3A_717 = arith.index_cast %swap3A_715 : i32 to index
        %swap3A_718 = arith.index_cast %mul3A_286 : i32 to index
        %swap3A_719 = tpu.vector_load %arg8[%swap3A_716, %swap3A_717, %swap3A_718] {strides = array<i32>} : memref<2x32x128xf32, #tpu.memory_space<vmem>>, vector<16xf32>,
        tpu.vector_store %arg8[%swap3A_716, %swap3A_717, %swap3A_718], %gather3A_596 {strides = array<i32>} : memref<2x32x128xf32, #tpu.memory_space<vmem>>, vector<16xf32>,
        %swap3A_720 = arith.constant 1 : i32
        %swap3A_721 = arith.constant 23 : i32
        %swap3A_722 = arith.index_cast %swap3A_720 : i32 to index
        %swap3A_723 = arith.index_cast %swap3A_721 : i32 to index
        %swap3A_724 = arith.index_cast %mul3A_286 : i32 to index
        %swap3A_725 = tpu.vector_load %arg8[%swap3A_722, %swap3A_723, %swap3A_724] {strides = array<i32>} : memref<2x32x128xf32, #tpu.memory_space<vmem>>, vector<16xf32>,
        tpu.vector_store %arg8[%swap3A_722, %swap3A_723, %swap3A_724], %gather3A_605 {strides = array<i32>} : memref<2x32x128xf32, #tpu.memory_space<vmem>>, vector<16xf32>,
        %swap3A_726 = arith.constant 1 : i32
        %swap3A_727 = arith.constant 24 : i32
        %swap3A_728 = arith.index_cast %swap3A_726 : i32 to index
        %swap3A_729 = arith.index_cast %swap3A_727 : i32 to index
        %swap3A_730 = arith.index_cast %mul3A_286 : i32 to index
        %swap3A_731 = tpu.vector_load %arg8[%swap3A_728, %swap3A_729, %swap3A_730] {strides = array<i32>} : memref<2x32x128xf32, #tpu.memory_space<vmem>>, vector<16xf32>,
        tpu.vector_store %arg8[%swap3A_728, %swap3A_729, %swap3A_730], %gather3A_614 {strides = array<i32>} : memref<2x32x128xf32, #tpu.memory_space<vmem>>, vector<16xf32>,
        %swap3A_732 = arith.constant 1 : i32
        %swap3A_733 = arith.constant 25 : i32
        %swap3A_734 = arith.index_cast %swap3A_732 : i32 to index
        %swap3A_735 = arith.index_cast %swap3A_733 : i32 to index
        %swap3A_736 = arith.index_cast %mul3A_286 : i32 to index
        %swap3A_737 = tpu.vector_load %arg8[%swap3A_734, %swap3A_735, %swap3A_736] {strides = array<i32>} : memref<2x32x128xf32, #tpu.memory_space<vmem>>, vector<16xf32>,
        tpu.vector_store %arg8[%swap3A_734, %swap3A_735, %swap3A_736], %gather3A_623 {strides = array<i32>} : memref<2x32x128xf32, #tpu.memory_space<vmem>>, vector<16xf32>,
        %swap3A_738 = arith.constant 1 : i32
        %swap3A_739 = arith.constant 26 : i32
        %swap3A_740 = arith.index_cast %swap3A_738 : i32 to index
        %swap3A_741 = arith.index_cast %swap3A_739 : i32 to index
        %swap3A_742 = arith.index_cast %mul3A_286 : i32 to index
        %swap3A_743 = tpu.vector_load %arg8[%swap3A_740, %swap3A_741, %swap3A_742] {strides = array<i32>} : memref<2x32x128xf32, #tpu.memory_space<vmem>>, vector<16xf32>,
        tpu.vector_store %arg8[%swap3A_740, %swap3A_741, %swap3A_742], %gather3A_632 {strides = array<i32>} : memref<2x32x128xf32, #tpu.memory_space<vmem>>, vector<16xf32>,
        %swap3A_744 = arith.constant 1 : i32
        %swap3A_745 = arith.constant 27 : i32
        %swap3A_746 = arith.index_cast %swap3A_744 : i32 to index
        %swap3A_747 = arith.index_cast %swap3A_745 : i32 to index
        %swap3A_748 = arith.index_cast %mul3A_286 : i32 to index
        %swap3A_749 = tpu.vector_load %arg8[%swap3A_746, %swap3A_747, %swap3A_748] {strides = array<i32>} : memref<2x32x128xf32, #tpu.memory_space<vmem>>, vector<16xf32>,
        tpu.vector_store %arg8[%swap3A_746, %swap3A_747, %swap3A_748], %gather3A_641 {strides = array<i32>} : memref<2x32x128xf32, #tpu.memory_space<vmem>>, vector<16xf32>,
        %swap3A_750 = arith.constant 1 : i32
        %swap3A_751 = arith.constant 28 : i32
        %swap3A_752 = arith.index_cast %swap3A_750 : i32 to index
        %swap3A_753 = arith.index_cast %swap3A_751 : i32 to index
        %swap3A_754 = arith.index_cast %mul3A_286 : i32 to index
        %swap3A_755 = tpu.vector_load %arg8[%swap3A_752, %swap3A_753, %swap3A_754] {strides = array<i32>} : memref<2x32x128xf32, #tpu.memory_space<vmem>>, vector<16xf32>,
        tpu.vector_store %arg8[%swap3A_752, %swap3A_753, %swap3A_754], %gather3A_650 {strides = array<i32>} : memref<2x32x128xf32, #tpu.memory_space<vmem>>, vector<16xf32>,
        %swap3A_756 = arith.constant 1 : i32
        %swap3A_757 = arith.constant 29 : i32
        %swap3A_758 = arith.index_cast %swap3A_756 : i32 to index
        %swap3A_759 = arith.index_cast %swap3A_757 : i32 to index
        %swap3A_760 = arith.index_cast %mul3A_286 : i32 to index
        %swap3A_761 = tpu.vector_load %arg8[%swap3A_758, %swap3A_759, %swap3A_760] {strides = array<i32>} : memref<2x32x128xf32, #tpu.memory_space<vmem>>, vector<16xf32>,
        tpu.vector_store %arg8[%swap3A_758, %swap3A_759, %swap3A_760], %gather3A_659 {strides = array<i32>} : memref<2x32x128xf32, #tpu.memory_space<vmem>>, vector<16xf32>,
        %swap3A_762 = arith.constant 1 : i32
        %swap3A_763 = arith.constant 30 : i32
        %swap3A_764 = arith.index_cast %swap3A_762 : i32 to index
        %swap3A_765 = arith.index_cast %swap3A_763 : i32 to index
        %swap3A_766 = arith.index_cast %mul3A_286 : i32 to index
        %swap3A_767 = tpu.vector_load %arg8[%swap3A_764, %swap3A_765, %swap3A_766] {strides = array<i32>} : memref<2x32x128xf32, #tpu.memory_space<vmem>>, vector<16xf32>,
        tpu.vector_store %arg8[%swap3A_764, %swap3A_765, %swap3A_766], %gather3A_668 {strides = array<i32>} : memref<2x32x128xf32, #tpu.memory_space<vmem>>, vector<16xf32>,
        %swap3A_768 = arith.constant 1 : i32
        %swap3A_769 = arith.constant 31 : i32
        %swap3A_770 = arith.index_cast %swap3A_768 : i32 to index
        %swap3A_771 = arith.index_cast %swap3A_769 : i32 to index
        %swap3A_772 = arith.index_cast %mul3A_286 : i32 to index
        %swap3A_773 = tpu.vector_load %arg8[%swap3A_770, %swap3A_771, %swap3A_772] {strides = array<i32>} : memref<2x32x128xf32, #tpu.memory_space<vmem>>, vector<16xf32>,
        tpu.vector_store %arg8[%swap3A_770, %swap3A_771, %swap3A_772], %gather3A_677 {strides = array<i32>} : memref<2x32x128xf32, #tpu.memory_space<vmem>>, vector<16xf32>,
      }
      %scan3A_262 = arith.constant 8 : i32
      %add3A_263 = arith.constant 0 : i32
      %add3A_264 = arith.addi %add3A_263, %add3A_231 : i32
      %dma_start3A_265 = arith.constant 1 : i32
      %dma_start3A_266 = arith.constant 0 : i32
      %dma_start3A_267 = arith.constant 0 : i32
      %dma_start3A_268 = tpu.memref_slice %arg8[%dma_start3A_265, %dma_start3A_266, %dma_start3A_267] : memref<2x32x128xf32, #tpu.memory_space<vmem>> -> memref<1x32x128xf32, #tpu.memory_space<vmem>>
      %dma_start3A_269 = tpu.memref_squeeze %dma_start3A_268 : memref<1x32x128xf32, #tpu.memory_space<vmem>> -> memref<32x128xf32, #tpu.memory_space<vmem>>
      %dma_start3A_270 = arith.constant 0 : i32
      %dma_start3A_271 = tpu.memref_slice %arg4[%add3A_264, %dma_start3A_270, %mul3A_2] : memref<200x32x4096xf32, #tpu.memory_space<hbm>> -> memref<1x32x128xf32, #tpu.memory_space<hbm>>
      %dma_start3A_272 = tpu.memref_squeeze %dma_start3A_271 : memref<1x32x128xf32, #tpu.memory_space<hbm>> -> memref<32x128xf32, #tpu.memory_space<hbm>>
      %dma_start3A_273 = arith.constant 0 : i32
      %dma_start3A_274 = tpu.memref_slice %arg4[%add3A_264, %dma_start3A_273, %mul3A_2] : memref<200x32x4096xf32, #tpu.memory_space<hbm>> -> memref<1x32x128xf32, #tpu.memory_space<hbm>>
      %dma_start3A_275 = tpu.memref_squeeze %dma_start3A_274 : memref<1x32x128xf32, #tpu.memory_space<hbm>> -> memref<32x128xf32, #tpu.memory_space<hbm>>
      %dma_start3A_276 = arith.constant 0 : i32
      %dma_start3A_277 = arith.constant 0 : i32
      %dma_start3A_278 = tpu.memref_slice %arg8[%dma_start3A_265, %dma_start3A_276, %dma_start3A_277] : memref<2x32x128xf32, #tpu.memory_space<vmem>> -> memref<1x32x128xf32, #tpu.memory_space<vmem>>
      %dma_start3A_279 = tpu.memref_squeeze %dma_start3A_278 : memref<1x32x128xf32, #tpu.memory_space<vmem>> -> memref<32x128xf32, #tpu.memory_space<vmem>>
      tpu.enqueue_dma source(%dma_start3A_279 : memref<32x128xf32, #tpu.memory_space<vmem>>) target(%dma_start3A_275 : memref<32x128xf32, #tpu.memory_space<hbm>>) target_semaphore(%arg14 : memref<!tpu.dma_semaphore, #tpu.memory_space<semaphore_mem>>)
    }
    %scan3A_46 = arith.constant 50 : i32
    %dma_wait3A = arith.constant 0 : i32
    %dma_wait3A_47 = arith.constant 0 : i32
    %dma_wait3A_48 = arith.constant 0 : i32
    %dma_wait3A_49 = arith.constant 0 : i32
    %dma_wait3A_50 = tpu.memref_slice %arg8[%dma_wait3A, %dma_wait3A_48, %dma_wait3A_49] : memref<2x32x128xf32, #tpu.memory_space<vmem>> -> memref<1x32x128xf32, #tpu.memory_space<vmem>>
    %dma_wait3A_51 = tpu.memref_squeeze %dma_wait3A_50 : memref<1x32x128xf32, #tpu.memory_space<vmem>> -> memref<32x128xf32, #tpu.memory_space<vmem>>
    %dma_wait3A_52 = arith.constant 0 : i32
    %dma_wait3A_53 = tpu.memref_slice %arg4[%dma_wait3A_47, %dma_wait3A_52, %mul3A_2] : memref<200x32x4096xf32, #tpu.memory_space<hbm>> -> memref<1x32x128xf32, #tpu.memory_space<hbm>>
    %dma_wait3A_54 = tpu.memref_squeeze %dma_wait3A_53 : memref<1x32x128xf32, #tpu.memory_space<hbm>> -> memref<32x128xf32, #tpu.memory_space<hbm>>
    %dma_wait3A_55 = arith.constant 0 : i32
    %dma_wait3A_56 = tpu.memref_slice %arg4[%dma_wait3A_47, %dma_wait3A_55, %mul3A_2] : memref<200x32x4096xf32, #tpu.memory_space<hbm>> -> memref<1x32x128xf32, #tpu.memory_space<hbm>>
    %dma_wait3A_57 = tpu.memref_squeeze %dma_wait3A_56 : memref<1x32x128xf32, #tpu.memory_space<hbm>> -> memref<32x128xf32, #tpu.memory_space<hbm>>
    %dma_wait3A_58 = arith.constant 0 : i32
    %dma_wait3A_59 = arith.constant 0 : i32
    %dma_wait3A_60 = tpu.memref_slice %arg8[%dma_wait3A, %dma_wait3A_58, %dma_wait3A_59] : memref<2x32x128xf32, #tpu.memory_space<vmem>> -> memref<1x32x128xf32, #tpu.memory_space<vmem>>
    %dma_wait3A_61 = tpu.memref_squeeze %dma_wait3A_60 : memref<1x32x128xf32, #tpu.memory_space<vmem>> -> memref<32x128xf32, #tpu.memory_space<vmem>>
    tpu.wait_dma2 semaphore(%arg13 : memref<!tpu.dma_semaphore, #tpu.memory_space<semaphore_mem>>) src(%dma_wait3A_61 : memref<32x128xf32, #tpu.memory_space<vmem>>) dst(%dma_wait3A_57 : memref<32x128xf32, #tpu.memory_space<hbm>>)
    %dma_wait3A_62 = arith.constant 1 : i32
    %dma_wait3A_63 = arith.constant 0 : i32
    %dma_wait3A_64 = arith.constant 0 : i32
    %dma_wait3A_65 = arith.constant 0 : i32
    %dma_wait3A_66 = tpu.memref_slice %arg8[%dma_wait3A_62, %dma_wait3A_64, %dma_wait3A_65] : memref<2x32x128xf32, #tpu.memory_space<vmem>> -> memref<1x32x128xf32, #tpu.memory_space<vmem>>
    %dma_wait3A_67 = tpu.memref_squeeze %dma_wait3A_66 : memref<1x32x128xf32, #tpu.memory_space<vmem>> -> memref<32x128xf32, #tpu.memory_space<vmem>>
    %dma_wait3A_68 = arith.constant 0 : i32
    %dma_wait3A_69 = tpu.memref_slice %arg4[%dma_wait3A_63, %dma_wait3A_68, %mul3A_2] : memref<200x32x4096xf32, #tpu.memory_space<hbm>> -> memref<1x32x128xf32, #tpu.memory_space<hbm>>
    %dma_wait3A_70 = tpu.memref_squeeze %dma_wait3A_69 : memref<1x32x128xf32, #tpu.memory_space<hbm>> -> memref<32x128xf32, #tpu.memory_space<hbm>>
    %dma_wait3A_71 = arith.constant 0 : i32
    %dma_wait3A_72 = tpu.memref_slice %arg4[%dma_wait3A_63, %dma_wait3A_71, %mul3A_2] : memref<200x32x4096xf32, #tpu.memory_space<hbm>> -> memref<1x32x128xf32, #tpu.memory_space<hbm>>
    %dma_wait3A_73 = tpu.memref_squeeze %dma_wait3A_72 : memref<1x32x128xf32, #tpu.memory_space<hbm>> -> memref<32x128xf32, #tpu.memory_space<hbm>>
    %dma_wait3A_74 = arith.constant 0 : i32
    %dma_wait3A_75 = arith.constant 0 : i32
    %dma_wait3A_76 = tpu.memref_slice %arg8[%dma_wait3A_62, %dma_wait3A_74, %dma_wait3A_75] : memref<2x32x128xf32, #tpu.memory_space<vmem>> -> memref<1x32x128xf32, #tpu.memory_space<vmem>>
    %dma_wait3A_77 = tpu.memref_squeeze %dma_wait3A_76 : memref<1x32x128xf32, #tpu.memory_space<vmem>> -> memref<32x128xf32, #tpu.memory_space<vmem>>
    tpu.wait_dma2 semaphore(%arg14 : memref<!tpu.dma_semaphore, #tpu.memory_space<semaphore_mem>>) src(%dma_wait3A_77 : memref<32x128xf32, #tpu.memory_space<vmem>>) dst(%dma_wait3A_73 : memref<32x128xf32, #tpu.memory_space<hbm>>)
    return
  }
}

</mosaic_0001>

<sc_bundles>
// kernel: kernel.3.cloned.1.call-start
scs
__scs_entry_jumppad:
0x0: {  	(pc) =	sbr.rel $0x88, $3  }
0x1: {  	(tag) =	ssettag $0x0;
	lr =	simm.s32 $0x1  }
0x2: {  	[smem:$0x3F9F] =	sst lr;
	_ =	strace $0xD0000000  }
0x3: {  	_ = 	snop  }
0x4: {  	_ = 	snop  }
0x5: {  	_ = 	snop  }
0x6: {  	_ = 	snop  }
0x7: {  	_ = 	snop  }
__scs_overlays_trampoline_lowered:
0x8: {  	[smem:$0x3FAE] =	sst s0  }
0x9: {  	[smem:$0x3FAF] =	sst s1  }
0xa: {  	[smem:$0x3FB0] =	sst s2  }
0xb: {  	[smem:$0x3FB1] =	sst s3  }
0xc: {  	[smem:$0x3FB2] =	sst s4  }
0xd: {  	[smem:$0x3FB3] =	sst s5  }
0xe: {  	[smem:$0x3FB4] =	sst s6  }
0xf: {  	[smem:$0x3FB5] =	sst s7  }
0x10: {  	[smem:$0x3FB6] =	sst s8  }
0x11: {  	[smem:$0x3FB7] =	sst s9;
	s0 =	simm.s32 @!p0 $0x0  }
0x12: {  	s1 =	sld [smem:$0x3F9D];
	s0 =	simm.s32 @p0 $0x1  }
0x13: {  	[smem:$0x3FB8] =	sst s0;
	s0 =	simm.s32 @!p1 $0x0  }
0x14: {  	s2 =	sld [smem:$0x3F9C];
	s0 =	simm.s32 @p1 $0x1  }
0x15: {  	[smem:$0x3FB9] =	sst s0;
	s0 =	simm.s32 @!p2 $0x0  }
0x16: {  	s3 =	sld [smem:$0x3FDB];
	s0 =	simm.s32 @p2 $0x1  }
0x17: {  	s4 =	simm.s32 $0x1BF5;
	[smem:$0x3FBB] =	sst s0  }
0x18: {  	s0 =	sld [smem:$0x3F9E];
	_ =	swait.ge [sflag:s4], $0x0  }
0x19: {  	s7 =	sld [smem:$0x3F9F]  }
0x1a: {  	s8 =	sadd.s32 $0xFFFFE003, lr  }
0x1b: {  	s9 =	sadd.s32 $0xFFFFFEF7, lr;
	s5 =	simm.s32 $0xFFFFFFFF;
	p2 =	slt.u32 s8, $0xFFFFF086  }
0x1c: {  	p1 =	slt.u32 s9, $0xF7A;
	s5 =	simm.s32 @!p2 $0x0  }
0x1d: {  	s5 =	simm.s32 @p1 $0x1;
	p0 =	seq.s32 s7, s2  }
0x1e: {  	s7 =	smul.u32 @!p0 $0xF7A, s2;
	p2 =	seq.s32 @!p0 s5, $0x0  }
0x1f: {  	s9 =	smul.u32 $0xF7A, s1;
	s8 =	simm.s32 @!p0 $0x1BF5;
	p2 =	por !p2, p0  }
0x20: {  	[sflag:s8] =	ssyncset.s32 @!p0 $0xFFFFF086;
	s6 =	sadd.s32 @!p0 s3, s7;
	s7 =	simm.s32 @!p0 $0x108  }
0x21: {  	s3 =	sadd.s32 s3, s9;
	s6 =	sadd.s32 @!p0 $0x88, s6;
	s7 =	simm.s32 @p2 $0x1082  }
0x22: {  	[simem:s7], [sflag:s8] =	dma.local @!p0 [hbm:s6], $0xF7A  }
0x23: {  	s9 =	sor.u32 $0xD0000000, s2;
	s6 =	simm.s32 $0x108;
	_ =	swait.ge @!p0 [sflag:s8], $0x0  }
0x24: {  	s3 =	sadd.s32 $0x88, s3;
	s6 =	simm.s32 @!p1 $0x1082;
	[sflag:s4] =	ssyncset.s32 $0xFFFFF086  }
0x25: {  	[simem:s6], [sflag:s4] =	dma.local [hbm:s3], $0xF7A  }
0x26: {  	[smem:$0x3F9F] =	sst s1;
	(tag) =	ssettag s2;
	_ =	strace s9  }
0x27: {  	s1 =	sld [smem:$0x3FAF]  }
0x28: {  	s2 =	sld [smem:$0x3FB0]  }
0x29: {  	s4 =	sld [smem:$0x3FB2]  }
0x2a: {  	p0 =	seq.s32 s5, $0x0;
	s5 =	sld [smem:$0x3FB3]  }
0x2b: {  	s6 =	sld [smem:$0x3FB4]  }
0x2c: {  	s7 =	sld [smem:$0x3FB5]  }
0x2d: {  	s3 =	simm.s32 $0x108;
	s8 =	sld [smem:$0x3FB6]  }
0x2e: {  	s3 =	simm.s32 @!p0 $0x1082;
	s9 =	sld [smem:$0x3FB7]  }
0x2f: {  	lr =	sadd.s32 s0, s3;
	s0 =	sld [smem:$0x3FAE]  }
0x30: {  	s3 =	sld [smem:$0x3FB1]  }
0x31: {  	[smem:$0x3FBA] =	sst s10  }
0x32: {  	s10 =	sld [smem:$0x3FB8];
	_ =	sdelay $0x3  }
0x33: {  	p0 =	seq.s32 s10, $0x1;
	s10 =	sld [smem:$0x3FBA];
	_ =	sdelay $0x3  }
0x34: {  	[smem:$0x3FBA] =	sst s10  }
0x35: {  	s10 =	sld [smem:$0x3FB9];
	_ =	sdelay $0x3  }
0x36: {  	p1 =	seq.s32 s10, $0x1;
	s10 =	sld [smem:$0x3FBA];
	_ =	sdelay $0x3  }
0x37: {  	[smem:$0x3FBA] =	sst s10  }
0x38: {  	s10 =	sld [smem:$0x3FBB]  }
0x39: {  	_ = 	snop;
	(pc) =	sbr.ind lr, $3  }
0x3a: {  	_ = 	snop  }
0x3b: {  	_ = 	snop  }
0x3c: {  	p2 =	seq.s32 s10, $0x1;
	s10 =	sld [smem:$0x3FBA]  }
0x3d: {  	_ =	shalt  }
0x3e: {  	_ =	shalt  }
0x3f: {  	_ =	shalt  }
0x40: {  	_ =	shalt  }
0x41: {  	_ =	shalt  }
0x42: {  	_ =	shalt  }
0x43: {  	_ =	shalt  }
0x44: {  	_ =	shalt  }
0x45: {  	_ =	shalt  }
0x46: {  	_ =	shalt  }
0x47: {  	_ =	shalt  }
0x48: {  	_ =	shalt  }
0x49: {  	_ =	shalt  }
0x4a: {  	_ =	shalt  }
0x4b: {  	_ =	shalt  }
0x4c: {  	_ =	shalt  }
0x4d: {  	_ =	shalt  }
0x4e: {  	_ =	shalt  }
0x4f: {  	_ =	shalt  }
0x50: {  	_ =	shalt  }
0x51: {  	_ =	shalt  }
0x52: {  	_ =	shalt  }
0x53: {  	_ =	shalt  }
0x54: {  	_ =	shalt  }
0x55: {  	_ =	shalt  }
0x56: {  	_ =	shalt  }
0x57: {  	_ =	shalt  }
0x58: {  	_ =	shalt  }
0x59: {  	_ =	shalt  }
0x5a: {  	_ =	shalt  }
0x5b: {  	_ =	shalt  }
0x5c: {  	_ =	shalt  }
0x5d: {  	_ =	shalt  }
0x5e: {  	_ =	shalt  }
0x5f: {  	_ =	shalt  }
0x60: {  	_ =	shalt  }
0x61: {  	_ =	shalt  }
0x62: {  	_ =	shalt  }
0x63: {  	_ =	shalt  }
0x64: {  	_ =	shalt  }
0x65: {  	_ =	shalt  }
0x66: {  	_ =	shalt  }
0x67: {  	_ =	shalt  }
0x68: {  	_ =	shalt  }
0x69: {  	_ =	shalt  }
0x6a: {  	_ =	shalt  }
0x6b: {  	_ =	shalt  }
0x6c: {  	_ =	shalt  }
0x6d: {  	_ =	shalt  }
0x6e: {  	_ =	shalt  }
0x6f: {  	_ =	shalt  }
0x70: {  	_ =	shalt  }
0x71: {  	_ =	shalt  }
0x72: {  	_ =	shalt  }
0x73: {  	_ =	shalt  }
0x74: {  	_ =	shalt  }
0x75: {  	_ =	shalt  }
0x76: {  	_ =	shalt  }
0x77: {  	_ =	shalt  }
0x78: {  	_ =	shalt  }
0x79: {  	_ =	shalt  }
0x7a: {  	_ =	shalt  }
0x7b: {  	_ =	shalt  }
0x7c: {  	_ =	shalt  }
0x7d: {  	_ =	shalt  }
0x7e: {  	_ =	shalt  }
0x7f: {  	_ =	shalt  }
0x80: {  	_ =	shalt  }
0x81: {  	_ =	shalt  }
0x82: {  	_ =	shalt  }
0x83: {  	_ =	shalt  }
0x84: {  	_ =	shalt  }
0x85: {  	_ =	shalt  }
0x86: {  	_ =	shalt  }
0x87: {  	_ =	shalt  }
.Lfunc_end0:
.L_simem_size_0:
called_computation_lowered:
.L_overlay_start_0:
0x88: {  	s2 =	sld [smem:$0x3FD9]  }
0x89: {  	s3 =	sld [smem:$0x3FFE];
	_ =	sdelay $0x1  }
0x8a: {  	s1 =	srdreg.scid  }
0x8b: {  	s0 =	sand.u32 $0x1, s1  }
0x8c: {  	s17 =	sshll.u32 s0, $0xA;
	s2 =	sadd.s32 s3, s2  }
0x8d: {  	s2 =	sadd.s32 s2, s17  }
0x8e: {  	[smem:$0x3FC6] =	sst s2  }
0x8f: {  	_ = 	snop  }
0x90: {  	s2 =	sld [smem:$0x3FC9]  }
0x91: {  	s18 =	sld [smem:$0x3FD0];
	(tm) =	ssettm $0x1  }
0x92: {  	s4 =	sld [smem:$0x3FFB];
	_ =	sdelay $0x3  }
0x93: {  	_ =	strace s4  }
0x94: {  	s4 =	sld [smem:$0x3FFC];
	_ =	sdelay $0x3  }
0x95: {  	_ =	strace s4  }
0x96: {  	s4 =	sld [smem:$0x3FFD];
	_ =	sdelay $0x3  }
0x97: {  	_ =	strace s4  }
0x98: {  	_ =	strace $0x8FFFFFFF  }
0x99: {  	s19 =	sld [smem:$0x3FDB];
	_ =	sdelay $0x1  }
0x9a: {  	s5 =	simm.s32 $_scs_section_size  }
0x9b: {  	s6 =	simm.s32 $_size__tile_overlayer_lowered;
	s7 =	simm.s32 $_tile_overlayer_lowered  }
0x9c: {  	s22 =	simm.s32 $0x1BFF;
	s21 =	sshll.u32 s7, $0x1;
	s4 =	sadd.s32 s5, s19  }
0x9d: {  	s8 =	simm.s32 $0x0;
	s20 =	sshll.u32 s6, $0x1;
	s6 =	sadd.s32 s21, s4  }
0x9e: {  	[timem:s8], [sflag:s22] =	dma.local [hbm:s6], s20  }
0x9f: {  	_ =	swait.ge [sflag:s22], s20  }
0xa0: {  	s5 =	ssub.s32 $0x0, s20;
	[sflag:s22] =	ssyncset.done $0x0  }
0xa1: {  	[sflag:s22] =	ssyncadd.s32 s5;
	_ =	sdelay $0x1  }
0xa2: {  	s23 =	simm.s32 $0x1B8B  }
0xa3: {  	_ =	swait.ge [sflag:s23], $0x1  }
0xa4: {  	[sflag:s23] =	ssyncset.done $0x0  }
0xa5: {  	s25 =	simm.s32 $0x1B8E;
	s24 =	sld [smem:$0x3FFE];
	[sflag:s23] =	ssyncadd.s32 $0xFFFFFFFF  }
0xa6: {  	s26 =	simm.s32 $execute0_lowered;
	[smem:$0x3FD2] =	sst s25  }
0xa7: {  	s6 =	sshll.u32 s26, $0x1;
	_ =	strace $0x80000046;
	[dreg:$0x1] =	wrdreg $0xFFFFFFFF  }
0xa8: {  	s28 =	simm.s32 $_size_execute0_lowered;
	s4 =	sadd.s32 s4, s6;
	[dreg:$0x0] =	wrdreg $0x0  }
0xa9: {  	s6 =	sshll.u32 s28, $0x1;
	[dreg:$0x2] =	wrdreg s4  }
0xaa: {  	[dreg:$0x3] =	wrdreg s6  }
0xab: {  	[dreg:$0x4] =	wrdreg $0xC0  }
0xac: {  	_ =	task [dreg:s8], $0x5FFFF  }
0xad: {  	[dreg:$0x1] =	wrdreg $0xFFFFFFFF  }
0xae: {  	[dreg:$0x0] =	wrdreg $0x60  }
0xaf: {  	[dreg:$0x2] =	wrdreg s24  }
0xb0: {  	[dreg:$0x3] =	wrdreg s2  }
0xb1: {  	[dreg:$0x4] =	wrdreg s18  }
0xb2: {  	[dreg:$0x5] =	wrdreg $0x9  }
0xb3: {  	_ =	task.clear_ibuf [dreg:s8], $0x6FFFF;
	_ =	strace $0x90000046  }
0xb4: {  	s29 =	simm.s32 $0x9;
	_ =	strace $0x80000048  }
0xb5: {  	_ =	swait.ge [sflag:s29], $0x1  }
0xb6: {  	[sflag:s29] =	ssyncadd.s32 $0xFFFFFFFF  }
0xb7: {  	_ =	strace $0x90000048  }
0xb8: {  	_ =	sfence  }
0xb9: {  	s30 =	sld [smem:$0x0];
	_ =	sdelay $0x2  }
0xba: {  	s31 =	sshll.u32 s1, $0xD;
	s1 =	sshrl.u32 s1, $0x2  }
0xbb: {  	s3 =	sand.u32 $0x4000, s31;
	s1 =	sadd.s32 s1, s30  }
0xbc: {  	s0 =	sor.u32 s3, s0;
	s1 =	sshll.u32 s1, $0x11  }
0xbd: {  	s0 =	sor.u32 s1, s0  }
0xbe: {  	s0 =	sadd.s32 $0x8F2B, s0  }
0xbf: {  	[sflag:s0] =	ssyncadd.remote.s32 $0x1  }
0xc0: {  	_ =	sfence.sel $0xFFFF  }
0xc1: {  	[dreg:$0x0] =	wrdreg $0xFFFFFFFF;
	(pc) =	sbr.abs _section_cstart, $3  }
0xc2: {  	[dreg:$0x1] =	wrdreg $0xFFFFFFFF  }
0xc3: {  	_ =	task.clear_ibuf [dreg:s8], $0x2FFFF;
	_ =	strace $0x9FFFFFFF  }
0xc4: {  	(tm) =	ssettm $0x7FFFFFFF  }
0xc5: {  	_ =	shalt  }
tec
execute0_lowered:
.L_overlay_start_1:
0x0: {  	(tag) =	ssettag $0x1  }
0x1: {  	s0 =	rddreg [dreg:$0x0]  }
0x2: {  	s1 =	rddreg [dreg:$0x1]  }
0x3: {  	s2 =	rddreg [dreg:$0x2];
	s3 =	srdreg.scid  }
0x4: {  	s4 =	stileid.u32;
	s6 =	simm.s32 $0x0;
	s8 =	simm.s32 $0x400  }
0x5: {  	s9 =	simm.s32 $0x8000;
	s12 =	simm.s32 $0xC800;
	s14 =	simm.s32 $0x10800  }
0x6: {  	s16 =	simm.s32 $0x14800;
	s17 =	simm.s32 $0x80;
	s18 =	simm.s32 $0x18800  }
0x7: {  	s19 =	simm.s32 $0x1;
	s20 =	simm.s32 $0x1C800;
	s21 =	simm.s32 $0x2  }
0x8: {  	s22 =	simm.s32 $0x6;
	s23 =	simm.s32 $0x1D800;
	s3 =	sand.u32 $0x1, s3  }
0x9: {  	s24 =	simm.s32 $0x3;
	s4 =	sshll.u32 s4, $0xB;
	s5 =	sshll.u32 s3, $0xA  }
0xa: {  	s25 =	simm.s32 $0x5;
	s3 =	ssub.s32 $0x2, s3;
	s4 =	sor.u32 s5, s4  }
0xb: {  	[smem:$0x7FF] =	sst s6;
	s30 =	sshrl.u32 s3, $0x1;
	s7 =	sshrl.u32 s4, $0x3  }
0xc: {  	_ =	strace $0x80000047;
	s31 =	ssub.s32 s3, s30;
	s1 =	sadd.s32 s1, s7  }
0xd: {  	v0 =	vlaneseq.u32;
	s5 =	sadd.s32 $0xF42800, s0;
	s0 =	smax.u32 s31, $0x1;
	[dreg:$0x4] =	wrdreg s1  }
0xe: {  	s26 =	simm.s32 $0x4;
	s28 =	simm.s32 $0x0;
	v0 =	vmul.u32 $0x80, v0;
	[dreg:$0x5] =	wrdreg s0  }
.LBB2_1:
0xf: {  	s0 =	simm.s32 $0x0;
	s1 =	rddreg [dreg:$0x4];
	s31 =	simm.s32 $0x7  }
0x10: {  	[tilespmem:s0], [sflag:$0x7] =	stream.strided.gather [hbm4b:s1+s8], $0x6400, s9, s8, $0x38;
	[tilespmem:$0x1E800] =	vst v63  }
0x11: {  	_ =	swait.ge [sflag:s31], $0x6400  }
0x12: {  	[sflag:s31] =	ssyncset.done $0x0  }
0x13: {  	s0 =	simm.s32 $0x0;
	[sflag:s31] =	ssyncadd.s32 $0xFFFF9C00  }
0x14: {  	s1 =	simm.s32 $0x40;
	v1 =	vld [tilespmem:s0+$0x0]  }
.LBB2_2:
0x15: {  	p0 =	sne.s32 s1, $0x18FC0  }
.Ltmp0:
0x16: {  	_ = 	snop;
	(pc) =	sbr.rel @p0 .LBB2_2-.Ltmp0, $3  }
0x17: {  	_ =	sdelay $0x1  }
0x18: {  	s3 =	sshra.s32 s1, $0x2;
	s1 =	sadd.s32 $0x40, s1;
	v2 =	vshrl.u32 v1, $0x2  }
0x19: {  	v1 =	vld [tilespmem:s3+$0x0];
	[tilespmem:s0+$0x6400] =	vst v2;
	s0 =	smov.u32 s3  }
0x1a: {  	_ =	sdelay $0x3  }
0x1b: {  	v1 =	vshrl.u32 v1, $0x2  }
0x1c: {  	s10 =	simm.s32 $0x80;
	s13 =	simm.s32 $0x6400;
	[tilespmem:s0+$0x6400] =	vst v1  }
0x1d: {  	[tilespmem:s12], [sflag:$0x1] =	stream.indirect.gather [hbm4b:s5+s10], $0x80, s13, s10, $0xb8;
	[tilespmem:$0x1E800] =	vst v63  }
0x1e: {  	s15 =	simm.s32 $0x6480;
	s29 =	simm.s32 $0x6500;
	s30 =	simm.s32 $0x0  }
0x1f: {  	[tilespmem:s14], [sflag:$0x2] =	stream.indirect.gather [hbm4b:s5+s10], $0x80, s15, s10, $0xb8;
	[tilespmem:$0x1E800] =	vst v63  }
0x20: {  	s31 =	simm.s32 $0x100;
	s1 =	simm.s32 $0x0;
	s0 =	simm.s32 $0x180  }
0x21: {  	[tilespmem:s16], [sflag:$0x3] =	stream.indirect.gather [hbm4b:s5+s10], $0x80, s29, s10, $0xb8;
	[tilespmem:$0x1E800] =	vst v63  }
.LBB2_4:
0x22: {  	s11 =	sshllo.u32 s1, $0x2  }
0x23: {  	s3 =	sshll.u32 s11, $0x7  }
0x24: {  	s3 =	sand.u32 $0x3FFFFF80, s3  }
0x25: {  	s3 =	sadd.s32 $0x6400, s3  }
0x26: {  	[tilespmem:s18], [sflag:$0x4] =	stream.indirect.gather [hbm4b:s5+s17], $0x80, s3, s17, $0xb8;
	[tilespmem:$0x1E800] =	vst v63  }
0x27: {  	_ =	swait.ge [sflag:s19], $0x4000  }
0x28: {  	p0 =	seq.s32 s1, $0x0;
	[sflag:s19] =	ssyncset.done $0x0  }
0x29: {  	s3 =	simm.s32 @!p0 $0x5;
	[sflag:s19] =	ssyncadd.s32 $0xFFFFC000  }
0x2a: {  	s13 =	sshll.u32 s1, $0x2;
	_ =	swait.ge @!p0 [sflag:s3], $0x1000  }
0x2b: {  	s15 =	simm.s32 $0x1D000;
	s6 =	smov.u32 s30;
	[sflag:s3] =	ssyncset.done @!p0 $0x0  }
0x2c: {  	s7 =	simm.s32 $0x0;
	[sflag:s3] =	ssyncadd.s32 @!p0 $0xFFFFF000;
	s3 =	sshll.u32 s1, $0xB  }
.LBB2_5:
0x2d: {  	v1 =	vld [tilespmem:s6+$0x0];
	_ =	sdelay $0x3  }
0x2e: {  	v2 =	vmov s7  }
0x2f: {  	v2 =	vshll.u32 v2, $0x7;
	v1 =	vshll.u32 v1, $0x5  }
0x30: {  	v2 =	vor.u32 v0, v2;
	v1 =	vand.u32 $0x60, v1  }
0x31: {  	v1 =	vor.u32 v2, v1  }
0x32: {  	v2 =	vor.u32 $0x1, v1  }
0x33: {  	v3 =	vor.u32 $0x2, v1  }
0x34: {  	v4 =	vor.u32 $0x3, v1  }
0x35: {  	v5 =	vor.u32 $0x4, v1  }
0x36: {  	v7 =	vor.u32 $0x5, v1;
	v6 =	vld.idx.msk [tilespmem:v1+s12+$0x0], $0xffff  }
0x37: {  	v8 =	vor.u32 $0x6, v1;
	v2 =	vld.idx.msk [tilespmem:v2+s12+$0x0], $0xffff  }
0x38: {  	v9 =	vor.u32 $0x7, v1;
	v3 =	vld.idx.msk [tilespmem:v3+s12+$0x0], $0xffff  }
0x39: {  	v10 =	vor.u32 $0x8, v1;
	v4 =	vld.idx.msk [tilespmem:v4+s12+$0x0], $0xffff  }
0x3a: {  	v11 =	vor.u32 $0x9, v1;
	v5 =	vld.idx.msk [tilespmem:v5+s12+$0x0], $0xffff  }
0x3b: {  	v12 =	vor.u32 $0xA, v1;
	v7 =	vld.idx.msk [tilespmem:v7+s12+$0x0], $0xffff  }
0x3c: {  	v13 =	vor.u32 $0xB, v1;
	v8 =	vld.idx.msk [tilespmem:v8+s12+$0x0], $0xffff  }
0x3d: {  	v14 =	vor.u32 $0xC, v1;
	v9 =	vld.idx.msk [tilespmem:v9+s12+$0x0], $0xffff  }
0x3e: {  	v15 =	vor.u32 $0xD, v1;
	v10 =	vld.idx.msk [tilespmem:v10+s12+$0x0], $0xffff  }
0x3f: {  	v16 =	vor.u32 $0xE, v1;
	v11 =	vld.idx.msk [tilespmem:v11+s12+$0x0], $0xffff  }
0x40: {  	v17 =	vor.u32 $0xF, v1;
	v12 =	vld.idx.msk [tilespmem:v12+s12+$0x0], $0xffff  }
0x41: {  	v13 =	vld.idx.msk [tilespmem:v13+s12+$0x0], $0xffff  }
0x42: {  	v14 =	vld.idx.msk [tilespmem:v14+s12+$0x0], $0xffff  }
0x43: {  	v15 =	vld.idx.msk [tilespmem:v15+s12+$0x0], $0xffff  }
0x44: {  	v16 =	vld.idx.msk [tilespmem:v16+s12+$0x0], $0xffff  }
0x45: {  	v17 =	vld.idx.msk [tilespmem:v17+s12+$0x0], $0xffff;
	[tilespmem:s15+$0xFFFFF800] =	vst v6  }
0x46: {  	[tilespmem:s15+$0xFFFFF880] =	vst v2  }
0x47: {  	[tilespmem:s15+$0xFFFFF900] =	vst v3  }
0x48: {  	[tilespmem:s15+$0xFFFFF980] =	vst v4  }
0x49: {  	[tilespmem:s15+$0xFFFFFA00] =	vst v5  }
0x4a: {  	[tilespmem:s15+$0xFFFFFA80] =	vst v7  }
0x4b: {  	[tilespmem:s15+$0xFFFFFB00] =	vst v8  }
0x4c: {  	[tilespmem:s15+$0xFFFFFB80] =	vst v9  }
0x4d: {  	[tilespmem:s15+$0xFFFFFC00] =	vst v10  }
0x4e: {  	[tilespmem:s15+$0xFFFFFC80] =	vst v11  }
0x4f: {  	[tilespmem:s15+$0xFFFFFD00] =	vst v12  }
0x50: {  	v51 =	vor.u32 $0x12, v1;
	[tilespmem:s15+$0xFFFFFD80] =	vst v13  }
0x51: {  	v52 =	vor.u32 $0x13, v1;
	[tilespmem:s15+$0xFFFFFE00] =	vst v14  }
0x52: {  	v53 =	vor.u32 $0x14, v1;
	[tilespmem:s15+$0xFFFFFE80] =	vst v15  }
0x53: {  	v54 =	vor.u32 $0x15, v1;
	[tilespmem:s15+$0xFFFFFF00] =	vst v16  }
0x54: {  	v55 =	vor.u32 $0x16, v1;
	[tilespmem:s15+$0xFFFFFF80] =	vst v17  }
0x55: {  	v56 =	vor.u32 $0x17, v1;
	v4 =	vld.idx.msk [tilespmem:v51+s12+$0x0], $0xffff  }
0x56: {  	v57 =	vor.u32 $0x18, v1;
	v5 =	vld.idx.msk [tilespmem:v52+s12+$0x0], $0xffff  }
0x57: {  	v58 =	vor.u32 $0x19, v1;
	v6 =	vld.idx.msk [tilespmem:v53+s12+$0x0], $0xffff  }
0x58: {  	v59 =	vor.u32 $0x1A, v1;
	v7 =	vld.idx.msk [tilespmem:v54+s12+$0x0], $0xffff  }
0x59: {  	v60 =	vor.u32 $0x1B, v1;
	v8 =	vld.idx.msk [tilespmem:v55+s12+$0x0], $0xffff  }
0x5a: {  	v61 =	vor.u32 $0x1C, v1;
	v9 =	vld.idx.msk [tilespmem:v56+s12+$0x0], $0xffff  }
0x5b: {  	v62 =	vor.u32 $0x1D, v1;
	v10 =	vld.idx.msk [tilespmem:v57+s12+$0x0], $0xffff  }
0x5c: {  	v63 =	vor.u32 $0x1E, v1;
	v11 =	vld.idx.msk [tilespmem:v58+s12+$0x0], $0xffff  }
0x5d: {  	v2 =	vor.u32 $0x10, v1;
	v12 =	vld.idx.msk [tilespmem:v59+s12+$0x0], $0xffff  }
0x5e: {  	v3 =	vor.u32 $0x11, v1;
	v13 =	vld.idx.msk [tilespmem:v60+s12+$0x0], $0xffff  }
0x5f: {  	v1 =	vor.u32 $0x1F, v1;
	v14 =	vld.idx.msk [tilespmem:v61+s12+$0x0], $0xffff  }
0x60: {  	v15 =	vld.idx.msk [tilespmem:v62+s12+$0x0], $0xffff  }
0x61: {  	v16 =	vld.idx.msk [tilespmem:v63+s12+$0x0], $0xffff  }
0x62: {  	v2 =	vld.idx.msk [tilespmem:v2+s12+$0x0], $0xffff  }
0x63: {  	v3 =	vld.idx.msk [tilespmem:v3+s12+$0x0], $0xffff  }
0x64: {  	v1 =	vld.idx.msk [tilespmem:v1+s12+$0x0], $0xffff;
	[tilespmem:s15+$0x100] =	vst v4  }
0x65: {  	[tilespmem:s15+$0x180] =	vst v5  }
0x66: {  	[tilespmem:s15+$0x200] =	vst v6  }
0x67: {  	[tilespmem:s15+$0x280] =	vst v7  }
0x68: {  	[tilespmem:s15+$0x300] =	vst v8  }
0x69: {  	[tilespmem:s15+$0x380] =	vst v9  }
0x6a: {  	[tilespmem:s15+$0x400] =	vst v10  }
0x6b: {  	[tilespmem:s15+$0x480] =	vst v11  }
0x6c: {  	[tilespmem:s15+$0x500] =	vst v12  }
0x6d: {  	[tilespmem:s15+$0x580] =	vst v13  }
0x6e: {  	p1 =	sne.s32 s7, $0x70;
	[tilespmem:s15+$0x600] =	vst v14  }
.Ltmp1:
0x6f: {  	[tilespmem:s15+$0x680] =	vst v15;
	(pc) =	sbr.rel @p1 .LBB2_5-.Ltmp1, $4  }
0x70: {  	[tilespmem:s15+$0x700] =	vst v16  }
0x71: {  	[tilespmem:s15+$0x0] =	vst v2  }
0x72: {  	[tilespmem:s15+$0x80] =	vst v3  }
0x73: {  	s6 =	sadd.s32 $0x10, s6;
	s7 =	sadd.s32 $0x10, s7;
	[tilespmem:s15+$0x780] =	vst v1;
	s15 =	sadd.s32 $0x10, s15  }
0x74: {  	p1 =	sne.s32 s1, $0x31  }
.Ltmp2:
0x75: {  	s6 =	sshll.u32 s1, $0x13;
	(pc) =	sbr.rel @p1 .LBB2_8-.Ltmp2, $4  }
0x76: {  	s6 =	sor.u32 s4, s6  }
0x77: {  	s6 =	sshrl.u32 s6, $0x3  }
0x78: {  	s6 =	sadd.s32 s2, s6  }
0x79: {  	[hbm4b:s6+s8] =	stream.strided.scatter [tilespmem:s20], [sflag:$0x5], $0x1000, s9, s8, $0x38;
	[tilespmem:$0x1E800] =	vst v63  }
.Ltmp3:
0x7a: {  	(pc) =	sbr.rel .LBB2_9-.Ltmp3, $4  }
0x7b: {  	_ = 	snop  }
0x7c: {  	_ =	swait.ge [sflag:s21], $0x4000  }
0x7d: {  	[sflag:s21] =	ssyncset.done $0x0  }
0x7e: {  	[sflag:s21] =	ssyncadd.s32 $0xFFFFC000  }
.LBB2_8:
0x7f: {  	s6 =	sshrl.u32 s3, $0x2  }
.Ltmp4:
0x80: {  	s6 =	sadd.s32 $0x6600, s6;
	(pc) =	sbr.rel @p0 .LBB2_10-.Ltmp4, $4  }
0x81: {  	[tilespmem:s12], [sflag:$0x1] =	stream.indirect.gather [hbm4b:s5+s17], $0x80, s6, s17, $0xb8;
	[tilespmem:$0x1E800] =	vst v63  }
0x82: {  	_ =	swait.ge [sflag:s21], $0x4000  }
0x83: {  	[sflag:s21] =	ssyncset.done $0x0  }
0x84: {  	[sflag:s21] =	ssyncadd.s32 $0xFFFFC000  }
.LBB2_9:
0x85: {  	_ =	swait.ge [sflag:s22], $0x1000  }
0x86: {  	[sflag:s22] =	ssyncset.done $0x0  }
0x87: {  	[sflag:s22] =	ssyncadd.s32 $0xFFFFF000  }
.LBB2_10:
0x88: {  	s15 =	sor.u32 $0x1, s13  }
0x89: {  	s6 =	simm.s32 $0x0;
	s7 =	simm.s32 $0x1E780;
	s29 =	smov.u32 s10  }
.LBB2_11:
0x8a: {  	v1 =	vld [tilespmem:s29+$0x0];
	_ =	sdelay $0x3  }
0x8b: {  	v2 =	vmov s6  }
0x8c: {  	v2 =	vshll.u32 v2, $0x7;
	v1 =	vshll.u32 v1, $0x5  }
0x8d: {  	v2 =	vor.u32 v0, v2;
	v1 =	vand.u32 $0x60, v1  }
0x8e: {  	v1 =	vor.u32 v2, v1  }
0x8f: {  	v2 =	vor.u32 $0x1, v1  }
0x90: {  	v3 =	vor.u32 $0x2, v1  }
0x91: {  	v4 =	vor.u32 $0x3, v1  }
0x92: {  	v5 =	vor.u32 $0x4, v1  }
0x93: {  	v7 =	vor.u32 $0x5, v1;
	v6 =	vld.idx.msk [tilespmem:v1+s14+$0x0], $0xffff  }
0x94: {  	v8 =	vor.u32 $0x6, v1;
	v2 =	vld.idx.msk [tilespmem:v2+s14+$0x0], $0xffff  }
0x95: {  	v9 =	vor.u32 $0x7, v1;
	v3 =	vld.idx.msk [tilespmem:v3+s14+$0x0], $0xffff  }
0x96: {  	v10 =	vor.u32 $0x8, v1;
	v4 =	vld.idx.msk [tilespmem:v4+s14+$0x0], $0xffff  }
0x97: {  	v11 =	vor.u32 $0x9, v1;
	v5 =	vld.idx.msk [tilespmem:v5+s14+$0x0], $0xffff  }
0x98: {  	v12 =	vor.u32 $0xA, v1;
	v7 =	vld.idx.msk [tilespmem:v7+s14+$0x0], $0xffff  }
0x99: {  	v13 =	vor.u32 $0xB, v1;
	v8 =	vld.idx.msk [tilespmem:v8+s14+$0x0], $0xffff  }
0x9a: {  	v14 =	vor.u32 $0xC, v1;
	v9 =	vld.idx.msk [tilespmem:v9+s14+$0x0], $0xffff  }
0x9b: {  	v15 =	vor.u32 $0xD, v1;
	v10 =	vld.idx.msk [tilespmem:v10+s14+$0x0], $0xffff  }
0x9c: {  	v16 =	vor.u32 $0xE, v1;
	v11 =	vld.idx.msk [tilespmem:v11+s14+$0x0], $0xffff  }
0x9d: {  	v17 =	vor.u32 $0xF, v1;
	v12 =	vld.idx.msk [tilespmem:v12+s14+$0x0], $0xffff  }
0x9e: {  	v13 =	vld.idx.msk [tilespmem:v13+s14+$0x0], $0xffff  }
0x9f: {  	v14 =	vld.idx.msk [tilespmem:v14+s14+$0x0], $0xffff  }
0xa0: {  	v15 =	vld.idx.msk [tilespmem:v15+s14+$0x0], $0xffff  }
0xa1: {  	v16 =	vld.idx.msk [tilespmem:v16+s14+$0x0], $0xffff  }
0xa2: {  	v17 =	vld.idx.msk [tilespmem:v17+s14+$0x0], $0xffff;
	[tilespmem:s7+$0xFFFFF080] =	vst v6  }
0xa3: {  	[tilespmem:s7+$0xFFFFF100] =	vst v2  }
0xa4: {  	[tilespmem:s7+$0xFFFFF180] =	vst v3  }
0xa5: {  	[tilespmem:s7+$0xFFFFF200] =	vst v4  }
0xa6: {  	[tilespmem:s7+$0xFFFFF280] =	vst v5  }
0xa7: {  	[tilespmem:s7+$0xFFFFF300] =	vst v7  }
0xa8: {  	[tilespmem:s7+$0xFFFFF380] =	vst v8  }
0xa9: {  	[tilespmem:s7+$0xFFFFF400] =	vst v9  }
0xaa: {  	[tilespmem:s7+$0xFFFFF480] =	vst v10  }
0xab: {  	[tilespmem:s7+$0xFFFFF500] =	vst v11  }
0xac: {  	[tilespmem:s7+$0xFFFFF580] =	vst v12  }
0xad: {  	v51 =	vor.u32 $0x12, v1;
	[tilespmem:s7+$0xFFFFF600] =	vst v13  }
0xae: {  	v52 =	vor.u32 $0x13, v1;
	[tilespmem:s7+$0xFFFFF680] =	vst v14  }
0xaf: {  	v53 =	vor.u32 $0x14, v1;
	[tilespmem:s7+$0xFFFFF700] =	vst v15  }
0xb0: {  	v54 =	vor.u32 $0x15, v1;
	[tilespmem:s7+$0xFFFFF780] =	vst v16  }
0xb1: {  	v55 =	vor.u32 $0x16, v1;
	[tilespmem:s7+$0xFFFFF800] =	vst v17  }
0xb2: {  	v56 =	vor.u32 $0x17, v1;
	v4 =	vld.idx.msk [tilespmem:v51+s14+$0x0], $0xffff  }
0xb3: {  	v57 =	vor.u32 $0x18, v1;
	v5 =	vld.idx.msk [tilespmem:v52+s14+$0x0], $0xffff  }
0xb4: {  	v58 =	vor.u32 $0x19, v1;
	v6 =	vld.idx.msk [tilespmem:v53+s14+$0x0], $0xffff  }
0xb5: {  	v59 =	vor.u32 $0x1A, v1;
	v7 =	vld.idx.msk [tilespmem:v54+s14+$0x0], $0xffff  }
0xb6: {  	v60 =	vor.u32 $0x1B, v1;
	v8 =	vld.idx.msk [tilespmem:v55+s14+$0x0], $0xffff  }
0xb7: {  	v61 =	vor.u32 $0x1C, v1;
	v9 =	vld.idx.msk [tilespmem:v56+s14+$0x0], $0xffff  }
0xb8: {  	v62 =	vor.u32 $0x1D, v1;
	v10 =	vld.idx.msk [tilespmem:v57+s14+$0x0], $0xffff  }
0xb9: {  	v63 =	vor.u32 $0x1E, v1;
	v11 =	vld.idx.msk [tilespmem:v58+s14+$0x0], $0xffff  }
0xba: {  	v2 =	vor.u32 $0x10, v1;
	v12 =	vld.idx.msk [tilespmem:v59+s14+$0x0], $0xffff  }
0xbb: {  	v3 =	vor.u32 $0x11, v1;
	v13 =	vld.idx.msk [tilespmem:v60+s14+$0x0], $0xffff  }
0xbc: {  	v1 =	vor.u32 $0x1F, v1;
	v14 =	vld.idx.msk [tilespmem:v61+s14+$0x0], $0xffff  }
0xbd: {  	v15 =	vld.idx.msk [tilespmem:v62+s14+$0x0], $0xffff  }
0xbe: {  	v16 =	vld.idx.msk [tilespmem:v63+s14+$0x0], $0xffff  }
0xbf: {  	v2 =	vld.idx.msk [tilespmem:v2+s14+$0x0], $0xffff  }
0xc0: {  	v3 =	vld.idx.msk [tilespmem:v3+s14+$0x0], $0xffff  }
0xc1: {  	v1 =	vld.idx.msk [tilespmem:v1+s14+$0x0], $0xffff;
	[tilespmem:s7+$0xFFFFF980] =	vst v4  }
0xc2: {  	[tilespmem:s7+$0xFFFFFA00] =	vst v5  }
0xc3: {  	[tilespmem:s7+$0xFFFFFA80] =	vst v6  }
0xc4: {  	[tilespmem:s7+$0xFFFFFB00] =	vst v7  }
0xc5: {  	[tilespmem:s7+$0xFFFFFB80] =	vst v8  }
0xc6: {  	[tilespmem:s7+$0xFFFFFC00] =	vst v9  }
0xc7: {  	[tilespmem:s7+$0xFFFFFC80] =	vst v10  }
0xc8: {  	[tilespmem:s7+$0xFFFFFD00] =	vst v11  }
0xc9: {  	[tilespmem:s7+$0xFFFFFD80] =	vst v12  }
0xca: {  	[tilespmem:s7+$0xFFFFFE00] =	vst v13  }
0xcb: {  	p0 =	sne.s32 s6, $0x70;
	[tilespmem:s7+$0xFFFFFE80] =	vst v14  }
.Ltmp5:
0xcc: {  	[tilespmem:s7+$0xFFFFFF00] =	vst v15;
	(pc) =	sbr.rel @p0 .LBB2_11-.Ltmp5, $4  }
0xcd: {  	[tilespmem:s7+$0xFFFFFF80] =	vst v16  }
0xce: {  	[tilespmem:s7+$0xFFFFF880] =	vst v2  }
0xcf: {  	[tilespmem:s7+$0xFFFFF900] =	vst v3  }
0xd0: {  	s29 =	sadd.s32 $0x10, s29;
	s6 =	sadd.s32 $0x10, s6;
	[tilespmem:s7+$0x0] =	vst v1;
	s7 =	sadd.s32 $0x10, s7  }
0xd1: {  	s6 =	sshll.u32 s15, $0x11  }
0xd2: {  	s6 =	sor.u32 s4, s6  }
0xd3: {  	p0 =	seq.s32 s1, $0x31;
	s6 =	sshrl.u32 s6, $0x3  }
0xd4: {  	s3 =	sshrl.u32 @!p0 s3, $0x2;
	s6 =	sadd.s32 s2, s6  }
0xd5: {  	[hbm4b:s6+s8] =	stream.strided.scatter [tilespmem:s23], [sflag:$0x6], $0x1000, s9, s8, $0x38;
	[tilespmem:$0x1E800] =	vst v63  }
0xd6: {  	s7 =	simm.s32 @!p0 $0x80;
	s15 =	simm.s32 @!p0 $0x10800;
	s6 =	sadd.s32 @!p0 $0x6680, s3  }
0xd7: {  	[tilespmem:s15], [sflag:$0x2] =	stream.indirect.gather @!p0 [hbm4b:s5+s7], $0x80, s6, s7, $0xb8;
	[tilespmem:$0x1E800] =	vst v63  }
0xd8: {  	_ =	swait.ge [sflag:s24], $0x4000  }
0xd9: {  	[sflag:s24] =	ssyncset.done $0x0  }
0xda: {  	[sflag:s24] =	ssyncadd.s32 $0xFFFFC000  }
0xdb: {  	_ =	swait.ge [sflag:s25], $0x1000  }
0xdc: {  	s13 =	sor.u32 $0x2, s13;
	s6 =	simm.s32 $0x0;
	[sflag:s25] =	ssyncset.done $0x0  }
0xdd: {  	s7 =	simm.s32 $0x1D000;
	s15 =	smov.u32 s31;
	[sflag:s25] =	ssyncadd.s32 $0xFFFFF000  }
.LBB2_13:
0xde: {  	v1 =	vld [tilespmem:s15+$0x0];
	_ =	sdelay $0x3  }
0xdf: {  	v2 =	vmov s6  }
0xe0: {  	v2 =	vshll.u32 v2, $0x7;
	v1 =	vshll.u32 v1, $0x5  }
0xe1: {  	v2 =	vor.u32 v0, v2;
	v1 =	vand.u32 $0x60, v1  }
0xe2: {  	v1 =	vor.u32 v2, v1  }
0xe3: {  	v2 =	vor.u32 $0x1, v1  }
0xe4: {  	v3 =	vor.u32 $0x2, v1  }
0xe5: {  	v4 =	vor.u32 $0x3, v1  }
0xe6: {  	v5 =	vor.u32 $0x4, v1  }
0xe7: {  	v7 =	vor.u32 $0x5, v1;
	v6 =	vld.idx.msk [tilespmem:v1+s16+$0x0], $0xffff  }
0xe8: {  	v8 =	vor.u32 $0x6, v1;
	v2 =	vld.idx.msk [tilespmem:v2+s16+$0x0], $0xffff  }
0xe9: {  	v9 =	vor.u32 $0x7, v1;
	v3 =	vld.idx.msk [tilespmem:v3+s16+$0x0], $0xffff  }
0xea: {  	v10 =	vor.u32 $0x8, v1;
	v4 =	vld.idx.msk [tilespmem:v4+s16+$0x0], $0xffff  }
0xeb: {  	v11 =	vor.u32 $0x9, v1;
	v5 =	vld.idx.msk [tilespmem:v5+s16+$0x0], $0xffff  }
0xec: {  	v12 =	vor.u32 $0xA, v1;
	v7 =	vld.idx.msk [tilespmem:v7+s16+$0x0], $0xffff  }
0xed: {  	v13 =	vor.u32 $0xB, v1;
	v8 =	vld.idx.msk [tilespmem:v8+s16+$0x0], $0xffff  }
0xee: {  	v14 =	vor.u32 $0xC, v1;
	v9 =	vld.idx.msk [tilespmem:v9+s16+$0x0], $0xffff  }
0xef: {  	v15 =	vor.u32 $0xD, v1;
	v10 =	vld.idx.msk [tilespmem:v10+s16+$0x0], $0xffff  }
0xf0: {  	v16 =	vor.u32 $0xE, v1;
	v11 =	vld.idx.msk [tilespmem:v11+s16+$0x0], $0xffff  }
0xf1: {  	v17 =	vor.u32 $0xF, v1;
	v12 =	vld.idx.msk [tilespmem:v12+s16+$0x0], $0xffff  }
0xf2: {  	v13 =	vld.idx.msk [tilespmem:v13+s16+$0x0], $0xffff  }
0xf3: {  	v14 =	vld.idx.msk [tilespmem:v14+s16+$0x0], $0xffff  }
0xf4: {  	v15 =	vld.idx.msk [tilespmem:v15+s16+$0x0], $0xffff  }
0xf5: {  	v16 =	vld.idx.msk [tilespmem:v16+s16+$0x0], $0xffff  }
0xf6: {  	v17 =	vld.idx.msk [tilespmem:v17+s16+$0x0], $0xffff;
	[tilespmem:s7+$0xFFFFF800] =	vst v6  }
0xf7: {  	[tilespmem:s7+$0xFFFFF880] =	vst v2  }
0xf8: {  	[tilespmem:s7+$0xFFFFF900] =	vst v3  }
0xf9: {  	[tilespmem:s7+$0xFFFFF980] =	vst v4  }
0xfa: {  	[tilespmem:s7+$0xFFFFFA00] =	vst v5  }
0xfb: {  	[tilespmem:s7+$0xFFFFFA80] =	vst v7  }
0xfc: {  	[tilespmem:s7+$0xFFFFFB00] =	vst v8  }
0xfd: {  	[tilespmem:s7+$0xFFFFFB80] =	vst v9  }
0xfe: {  	[tilespmem:s7+$0xFFFFFC00] =	vst v10  }
0xff: {  	[tilespmem:s7+$0xFFFFFC80] =	vst v11  }
0x100: {  	[tilespmem:s7+$0xFFFFFD00] =	vst v12  }
0x101: {  	v51 =	vor.u32 $0x12, v1;
	[tilespmem:s7+$0xFFFFFD80] =	vst v13  }
0x102: {  	v52 =	vor.u32 $0x13, v1;
	[tilespmem:s7+$0xFFFFFE00] =	vst v14  }
0x103: {  	v53 =	vor.u32 $0x14, v1;
	[tilespmem:s7+$0xFFFFFE80] =	vst v15  }
0x104: {  	v54 =	vor.u32 $0x15, v1;
	[tilespmem:s7+$0xFFFFFF00] =	vst v16  }
0x105: {  	v55 =	vor.u32 $0x16, v1;
	[tilespmem:s7+$0xFFFFFF80] =	vst v17  }
0x106: {  	v56 =	vor.u32 $0x17, v1;
	v4 =	vld.idx.msk [tilespmem:v51+s16+$0x0], $0xffff  }
0x107: {  	v57 =	vor.u32 $0x18, v1;
	v5 =	vld.idx.msk [tilespmem:v52+s16+$0x0], $0xffff  }
0x108: {  	v58 =	vor.u32 $0x19, v1;
	v6 =	vld.idx.msk [tilespmem:v53+s16+$0x0], $0xffff  }
0x109: {  	v59 =	vor.u32 $0x1A, v1;
	v7 =	vld.idx.msk [tilespmem:v54+s16+$0x0], $0xffff  }
0x10a: {  	v60 =	vor.u32 $0x1B, v1;
	v8 =	vld.idx.msk [tilespmem:v55+s16+$0x0], $0xffff  }
0x10b: {  	v61 =	vor.u32 $0x1C, v1;
	v9 =	vld.idx.msk [tilespmem:v56+s16+$0x0], $0xffff  }
0x10c: {  	v62 =	vor.u32 $0x1D, v1;
	v10 =	vld.idx.msk [tilespmem:v57+s16+$0x0], $0xffff  }
0x10d: {  	v63 =	vor.u32 $0x1E, v1;
	v11 =	vld.idx.msk [tilespmem:v58+s16+$0x0], $0xffff  }
0x10e: {  	v2 =	vor.u32 $0x10, v1;
	v12 =	vld.idx.msk [tilespmem:v59+s16+$0x0], $0xffff  }
0x10f: {  	v3 =	vor.u32 $0x11, v1;
	v13 =	vld.idx.msk [tilespmem:v60+s16+$0x0], $0xffff  }
0x110: {  	v1 =	vor.u32 $0x1F, v1;
	v14 =	vld.idx.msk [tilespmem:v61+s16+$0x0], $0xffff  }
0x111: {  	v15 =	vld.idx.msk [tilespmem:v62+s16+$0x0], $0xffff  }
0x112: {  	v16 =	vld.idx.msk [tilespmem:v63+s16+$0x0], $0xffff  }
0x113: {  	v2 =	vld.idx.msk [tilespmem:v2+s16+$0x0], $0xffff  }
0x114: {  	v3 =	vld.idx.msk [tilespmem:v3+s16+$0x0], $0xffff  }
0x115: {  	v1 =	vld.idx.msk [tilespmem:v1+s16+$0x0], $0xffff;
	[tilespmem:s7+$0x100] =	vst v4  }
0x116: {  	[tilespmem:s7+$0x180] =	vst v5  }
0x117: {  	[tilespmem:s7+$0x200] =	vst v6  }
0x118: {  	[tilespmem:s7+$0x280] =	vst v7  }
0x119: {  	[tilespmem:s7+$0x300] =	vst v8  }
0x11a: {  	[tilespmem:s7+$0x380] =	vst v9  }
0x11b: {  	[tilespmem:s7+$0x400] =	vst v10  }
0x11c: {  	[tilespmem:s7+$0x480] =	vst v11  }
0x11d: {  	[tilespmem:s7+$0x500] =	vst v12  }
0x11e: {  	[tilespmem:s7+$0x580] =	vst v13  }
0x11f: {  	p1 =	sne.s32 s6, $0x70;
	[tilespmem:s7+$0x600] =	vst v14  }
.Ltmp6:
0x120: {  	[tilespmem:s7+$0x680] =	vst v15;
	(pc) =	sbr.rel @p1 .LBB2_13-.Ltmp6, $4  }
0x121: {  	[tilespmem:s7+$0x700] =	vst v16  }
0x122: {  	[tilespmem:s7+$0x0] =	vst v2  }
0x123: {  	[tilespmem:s7+$0x80] =	vst v3  }
0x124: {  	s15 =	sadd.s32 $0x10, s15;
	s6 =	sadd.s32 $0x10, s6;
	[tilespmem:s7+$0x780] =	vst v1;
	s7 =	sadd.s32 $0x10, s7  }
0x125: {  	s6 =	sshll.u32 s13, $0x11  }
0x126: {  	s6 =	sor.u32 s4, s6  }
0x127: {  	s6 =	sshrl.u32 s6, $0x3  }
0x128: {  	s6 =	sadd.s32 s2, s6  }
0x129: {  	[hbm4b:s6+s8] =	stream.strided.scatter [tilespmem:s20], [sflag:$0x5], $0x1000, s9, s8, $0x38;
	[tilespmem:$0x1E800] =	vst v63  }
0x12a: {  	s3 =	sadd.s32 @!p0 $0x6700, s3;
	s7 =	simm.s32 @!p0 $0x14800;
	s6 =	simm.s32 @!p0 $0x80  }
0x12b: {  	[tilespmem:s7], [sflag:$0x3] =	stream.indirect.gather @!p0 [hbm4b:s5+s6], $0x80, s3, s6, $0xb8;
	[tilespmem:$0x1E800] =	vst v63  }
0x12c: {  	_ =	swait.ge [sflag:s26], $0x4000  }
0x12d: {  	[sflag:s26] =	ssyncset.done $0x0  }
0x12e: {  	[sflag:s26] =	ssyncadd.s32 $0xFFFFC000  }
0x12f: {  	_ =	swait.ge [sflag:s22], $0x1000  }
0x130: {  	s3 =	simm.s32 $0x0;
	[sflag:s22] =	ssyncset.done $0x0  }
0x131: {  	s6 =	simm.s32 $0x1E780;
	s7 =	smov.u32 s0;
	[sflag:s22] =	ssyncadd.s32 $0xFFFFF000  }
.LBB2_15:
0x132: {  	v1 =	vld [tilespmem:s7+$0x0];
	_ =	sdelay $0x3  }
0x133: {  	v2 =	vmov s3  }
0x134: {  	v2 =	vshll.u32 v2, $0x7;
	v1 =	vshll.u32 v1, $0x5  }
0x135: {  	v2 =	vor.u32 v0, v2;
	v1 =	vand.u32 $0x60, v1  }
0x136: {  	v1 =	vor.u32 v2, v1  }
0x137: {  	v2 =	vor.u32 $0x1, v1  }
0x138: {  	v3 =	vor.u32 $0x2, v1  }
0x139: {  	v4 =	vor.u32 $0x3, v1  }
0x13a: {  	v5 =	vor.u32 $0x4, v1  }
0x13b: {  	v7 =	vor.u32 $0x5, v1;
	v6 =	vld.idx.msk [tilespmem:v1+s18+$0x0], $0xffff  }
0x13c: {  	v8 =	vor.u32 $0x6, v1;
	v2 =	vld.idx.msk [tilespmem:v2+s18+$0x0], $0xffff  }
0x13d: {  	v9 =	vor.u32 $0x7, v1;
	v3 =	vld.idx.msk [tilespmem:v3+s18+$0x0], $0xffff  }
0x13e: {  	v10 =	vor.u32 $0x8, v1;
	v4 =	vld.idx.msk [tilespmem:v4+s18+$0x0], $0xffff  }
0x13f: {  	v11 =	vor.u32 $0x9, v1;
	v5 =	vld.idx.msk [tilespmem:v5+s18+$0x0], $0xffff  }
0x140: {  	v12 =	vor.u32 $0xA, v1;
	v7 =	vld.idx.msk [tilespmem:v7+s18+$0x0], $0xffff  }
0x141: {  	v13 =	vor.u32 $0xB, v1;
	v8 =	vld.idx.msk [tilespmem:v8+s18+$0x0], $0xffff  }
0x142: {  	v14 =	vor.u32 $0xC, v1;
	v9 =	vld.idx.msk [tilespmem:v9+s18+$0x0], $0xffff  }
0x143: {  	v15 =	vor.u32 $0xD, v1;
	v10 =	vld.idx.msk [tilespmem:v10+s18+$0x0], $0xffff  }
0x144: {  	v16 =	vor.u32 $0xE, v1;
	v11 =	vld.idx.msk [tilespmem:v11+s18+$0x0], $0xffff  }
0x145: {  	v17 =	vor.u32 $0xF, v1;
	v12 =	vld.idx.msk [tilespmem:v12+s18+$0x0], $0xffff  }
0x146: {  	v13 =	vld.idx.msk [tilespmem:v13+s18+$0x0], $0xffff  }
0x147: {  	v14 =	vld.idx.msk [tilespmem:v14+s18+$0x0], $0xffff  }
0x148: {  	v15 =	vld.idx.msk [tilespmem:v15+s18+$0x0], $0xffff  }
0x149: {  	v16 =	vld.idx.msk [tilespmem:v16+s18+$0x0], $0xffff  }
0x14a: {  	v17 =	vld.idx.msk [tilespmem:v17+s18+$0x0], $0xffff;
	[tilespmem:s6+$0xFFFFF080] =	vst v6  }
0x14b: {  	[tilespmem:s6+$0xFFFFF100] =	vst v2  }
0x14c: {  	[tilespmem:s6+$0xFFFFF180] =	vst v3  }
0x14d: {  	[tilespmem:s6+$0xFFFFF200] =	vst v4  }
0x14e: {  	[tilespmem:s6+$0xFFFFF280] =	vst v5  }
0x14f: {  	[tilespmem:s6+$0xFFFFF300] =	vst v7  }
0x150: {  	[tilespmem:s6+$0xFFFFF380] =	vst v8  }
0x151: {  	[tilespmem:s6+$0xFFFFF400] =	vst v9  }
0x152: {  	[tilespmem:s6+$0xFFFFF480] =	vst v10  }
0x153: {  	[tilespmem:s6+$0xFFFFF500] =	vst v11  }
0x154: {  	[tilespmem:s6+$0xFFFFF580] =	vst v12  }
0x155: {  	v51 =	vor.u32 $0x12, v1;
	[tilespmem:s6+$0xFFFFF600] =	vst v13  }
0x156: {  	v52 =	vor.u32 $0x13, v1;
	[tilespmem:s6+$0xFFFFF680] =	vst v14  }
0x157: {  	v53 =	vor.u32 $0x14, v1;
	[tilespmem:s6+$0xFFFFF700] =	vst v15  }
0x158: {  	v54 =	vor.u32 $0x15, v1;
	[tilespmem:s6+$0xFFFFF780] =	vst v16  }
0x159: {  	v55 =	vor.u32 $0x16, v1;
	[tilespmem:s6+$0xFFFFF800] =	vst v17  }
0x15a: {  	v56 =	vor.u32 $0x17, v1;
	v4 =	vld.idx.msk [tilespmem:v51+s18+$0x0], $0xffff  }
0x15b: {  	v57 =	vor.u32 $0x18, v1;
	v5 =	vld.idx.msk [tilespmem:v52+s18+$0x0], $0xffff  }
0x15c: {  	v58 =	vor.u32 $0x19, v1;
	v6 =	vld.idx.msk [tilespmem:v53+s18+$0x0], $0xffff  }
0x15d: {  	v59 =	vor.u32 $0x1A, v1;
	v7 =	vld.idx.msk [tilespmem:v54+s18+$0x0], $0xffff  }
0x15e: {  	v60 =	vor.u32 $0x1B, v1;
	v8 =	vld.idx.msk [tilespmem:v55+s18+$0x0], $0xffff  }
0x15f: {  	v61 =	vor.u32 $0x1C, v1;
	v9 =	vld.idx.msk [tilespmem:v56+s18+$0x0], $0xffff  }
0x160: {  	v62 =	vor.u32 $0x1D, v1;
	v10 =	vld.idx.msk [tilespmem:v57+s18+$0x0], $0xffff  }
0x161: {  	v63 =	vor.u32 $0x1E, v1;
	v11 =	vld.idx.msk [tilespmem:v58+s18+$0x0], $0xffff  }
0x162: {  	v2 =	vor.u32 $0x10, v1;
	v12 =	vld.idx.msk [tilespmem:v59+s18+$0x0], $0xffff  }
0x163: {  	v3 =	vor.u32 $0x11, v1;
	v13 =	vld.idx.msk [tilespmem:v60+s18+$0x0], $0xffff  }
0x164: {  	v1 =	vor.u32 $0x1F, v1;
	v14 =	vld.idx.msk [tilespmem:v61+s18+$0x0], $0xffff  }
0x165: {  	v15 =	vld.idx.msk [tilespmem:v62+s18+$0x0], $0xffff  }
0x166: {  	v16 =	vld.idx.msk [tilespmem:v63+s18+$0x0], $0xffff  }
0x167: {  	v2 =	vld.idx.msk [tilespmem:v2+s18+$0x0], $0xffff  }
0x168: {  	v3 =	vld.idx.msk [tilespmem:v3+s18+$0x0], $0xffff  }
0x169: {  	v1 =	vld.idx.msk [tilespmem:v1+s18+$0x0], $0xffff;
	[tilespmem:s6+$0xFFFFF980] =	vst v4  }
0x16a: {  	[tilespmem:s6+$0xFFFFFA00] =	vst v5  }
0x16b: {  	[tilespmem:s6+$0xFFFFFA80] =	vst v6  }
0x16c: {  	[tilespmem:s6+$0xFFFFFB00] =	vst v7  }
0x16d: {  	[tilespmem:s6+$0xFFFFFB80] =	vst v8  }
0x16e: {  	[tilespmem:s6+$0xFFFFFC00] =	vst v9  }
0x16f: {  	[tilespmem:s6+$0xFFFFFC80] =	vst v10  }
0x170: {  	[tilespmem:s6+$0xFFFFFD00] =	vst v11  }
0x171: {  	[tilespmem:s6+$0xFFFFFD80] =	vst v12  }
0x172: {  	[tilespmem:s6+$0xFFFFFE00] =	vst v13  }
0x173: {  	p0 =	sne.s32 s3, $0x70;
	[tilespmem:s6+$0xFFFFFE80] =	vst v14  }
.Ltmp7:
0x174: {  	[tilespmem:s6+$0xFFFFFF00] =	vst v15;
	(pc) =	sbr.rel @p0 .LBB2_15-.Ltmp7, $4  }
0x175: {  	[tilespmem:s6+$0xFFFFFF80] =	vst v16  }
0x176: {  	[tilespmem:s6+$0xFFFFF880] =	vst v2  }
0x177: {  	[tilespmem:s6+$0xFFFFF900] =	vst v3  }
0x178: {  	s7 =	sadd.s32 $0x10, s7;
	s3 =	sadd.s32 $0x10, s3;
	[tilespmem:s6+$0x0] =	vst v1;
	s6 =	sadd.s32 $0x10, s6  }
0x179: {  	s1 =	sadd.s32 $0x1, s1  }
0x17a: {  	p0 =	sne.s32 s1, $0x32  }
.Ltmp8:
0x17b: {  	s3 =	sshll.u32 s11, $0x11;
	(pc) =	sbr.rel @p0 .LBB2_4-.Ltmp8, $4  }
0x17c: {  	s3 =	sor.u32 s4, s3  }
0x17d: {  	s30 =	sadd.s32 $0x200, s30;
	s10 =	sadd.s32 $0x200, s10;
	s3 =	sshrl.u32 s3, $0x3  }
0x17e: {  	s31 =	sadd.s32 $0x200, s31;
	s0 =	sadd.s32 $0x200, s0;
	s3 =	sadd.s32 s2, s3  }
0x17f: {  	[hbm4b:s3+s8] =	stream.strided.scatter [tilespmem:s23], [sflag:$0x6], $0x1000, s9, s8, $0x38;
	[tilespmem:$0x1E800] =	vst v63  }
0x180: {  	_ =	swait.ge [sflag:s25], $0x1000  }
0x181: {  	[sflag:s25] =	ssyncset.done $0x0  }
0x182: {  	[sflag:s25] =	ssyncadd.s32 $0xFFFFF000  }
0x183: {  	_ =	swait.ge [sflag:s22], $0x1000  }
0x184: {  	s28 =	sadd.s32 $0x1, s28;
	s0 =	rddreg [dreg:$0x5]  }
0x185: {  	p0 =	sne.s32 s28, s0  }
.Ltmp9:
0x186: {  	_ = 	snop;
	(pc) =	sbr.rel @p0 .LBB2_1-.Ltmp9, $3  }
0x187: {  	_ =	sdelay $0x1  }
0x188: {  	[sflag:s22] =	ssyncset.done $0x0  }
0x189: {  	[sflag:s22] =	ssyncadd.s32 $0xFFFFF000  }
0x18a: {  	_ =	sfence.sel $0x180000  }
0x18b: {  	[bflag:$0x0] =	sbarrier.arrive $0xFFFF  }
0x18c: {  	_ =	strace $0x90000047  }
0x18d: {  	s0 =	stileid.u32;
	[bflag:$0x2] =	sbarrier.arrive $0xFFFF  }
0x18e: {  	p0 =	sne.s32 s0, $0x0;
	s0 =	rddreg [dreg:$0x3]  }
0x18f: {  	s0 =	sadd.s32 @!p0 $0x100000, s0  }
0x190: {  	[sflag:s0] =	ssyncadd.tile.s32 @!p0 $0x1;
	_ =	shalt  }
.Lfunc_end2:
_tile_overlayer_lowered:
.L_overlay_start_2:
0x191: {  	(tag) =	ssettag $0x2  }
0x192: {  	s0 =	rddreg [dreg:$0x0];
	s2 =	stileid.u32  }
0x193: {  	s1 =	rddreg [dreg:$0x1];
	p0 =	sne.s32 s2, $0x0  }
0x194: {  	s3 =	rddreg [dreg:$0x2];
	[bflag:$0x3] =	sbarrier.arrive $0xFFFF;
	s2 =	simm.s32 @!p0 $0x1C07  }
0x195: {  	[timem:s3], [sflag:s2] =	dma.local @!p0 [hbm:s0], s1  }
0x196: {  	s0 =	simm.s32 @!p0 $0x7  }
0x197: {  	_ =	swait.ge @!p0 [sflag:s0], s1  }
0x198: {  	s1 =	ssub.s32 @!p0 $0x0, s1;
	[sflag:s0] =	ssyncset.done @!p0 $0x0  }
0x199: {  	[sflag:s0] =	ssyncadd.s32 @!p0 s1  }
0x19a: {  	[bflag:$0x3] =	sbarrier.arrive $0xFFFF  }
0x19b: {  	_ =	shalt  }

</sc_bundles>
